<compile_context>
chip_gen: v7x
topology: tpu7x:2x2x1
jax: 0.10.2.dev20260603
libtpu: 0.0.44.dev20260713+nightly
codegen_flags: <defaults>
</compile_context>

<pallas_src>
import functools

import jax
import jax.numpy as jnp
from jax import lax
from jax.experimental import pallas as pl
from jax.experimental.pallas import tpu as pltpu
from jax.experimental.pallas import tpu_sc as plsc

_RADIUS = 0.1
_K = 32
_NCORES = 2
_NSUB = 16
_NWORKERS = _NCORES * _NSUB
_LANES = 16


def _worker_id():
    return lax.axis_index("s") * _NCORES + lax.axis_index("c")


def _splat_i32(x):
    return jnp.full((_LANES,), x, jnp.int32)


def _ball_body(N, S, s_per_w, xyzt, ctrt, idx_out, xv, yv, zv, cxv, cyv, czv,
               sbuf, iout):
    w = _worker_id()
    per_b = S // s_per_w
    b = w // per_b
    s0 = (w % per_b) * s_per_w

    pltpu.sync_copy(xyzt.at[b, 0], xv)
    pltpu.sync_copy(xyzt.at[b, 1], yv)
    pltpu.sync_copy(xyzt.at[b, 2], zv)
    pltpu.sync_copy(ctrt.at[b, 0, pl.ds(s0, s_per_w)], cxv)
    pltpu.sync_copy(ctrt.at[b, 1, pl.ds(s0, s_per_w)], cyv)
    pltpu.sync_copy(ctrt.at[b, 2, pl.ds(s0, s_per_w)], czv)

    iota = lax.iota(jnp.int32, _LANES)
    zeros_i = jnp.zeros((_LANES,), jnp.int32)
    ones_i = jnp.ones((_LANES,), jnp.int32)
    r2 = jnp.float32(_RADIUS * _RADIUS)
    nchunks = N // _LANES

    def centroid_body(i, carry):
        isp = _splat_i32(i)
        cx = plsc.load_gather(cxv, [isp])
        cy = plsc.load_gather(cyv, [isp])
        cz = plsc.load_gather(czv, [isp])
        sbuf[pl.ds(0, _LANES)] = zeros_i

        def chunk(j, fv):
            base = j * _LANES
            dx = xv[pl.ds(base, _LANES)] - cx
            dy = yv[pl.ds(base, _LANES)] - cy
            dz = zv[pl.ds(base, _LANES)] - cz
            d2 = dx * dx + dy * dy + dz * dz
            m = d2 < r2
            cs = plsc.cumsum(ones_i, mask=m)
            plsc.store_scatter(sbuf, [fv + cs], iota + base, mask=m)
            return fv + plsc.all_reduce_population_count(m)

        fv = plsc.parallel_loop(
            0, nchunks, carry=zeros_i - 1, unroll=4)(chunk)
        first = plsc.load_gather(sbuf, [jnp.minimum(fv + 1, 0)])
        for h in range(_K // _LANES):
            cur = sbuf[pl.ds(h * _LANES, _LANES)]
            posv = iota + h * _LANES
            res = jnp.where(posv <= fv, cur, first)
            plsc.store_scatter(iout, [posv, _splat_i32(i)], res)
        return carry

    lax.fori_loop(0, s_per_w, centroid_body, 0)
    pltpu.sync_copy(iout, idx_out.at[b, :, pl.ds(s0, s_per_w)])


def _gather_body(N, S, CH, xyzt, feats, ctrt, idx_in, out, idxv, row0, row1,
                 ctrv, out0, out1, lsem, ssem0, ssem1):
    w = _worker_id()
    per_b = _NWORKERS // feats.shape[0]
    b = w // per_b
    g = w % per_b
    nfeat = (CH - 3) // per_b

    pltpu.sync_copy(idx_in.at[b], idxv)
    rowbufs = [row0, row1]
    outbufs = [out0, out1]
    osem = [ssem0, ssem1]

    iota = lax.iota(jnp.int32, _LANES)
    njv = S * _K // _LANES

    def gather_into(rowv, outv, subtract=None):
        def j_body(j):
            k = j >> 6
            sb = j & 63
            st = sb >> 3
            ss0 = (sb & 7) * _LANES
            ids = idxv[k, pl.ds(sb * _LANES, _LANES)]
            vals = plsc.load_gather(rowv, [ids])
            if subtract is not None:
                vals = vals - subtract[pl.ds(sb * _LANES, _LANES)]
            outv[k >> 3, st, k & 7, pl.ds(ss0, _LANES)] = vals
        plsc.parallel_loop(0, njv, unroll=8)(j_body)

    pltpu.async_copy(feats.at[b, g], row0, lsem).wait()
    for ci in range(nfeat):
        cur = ci % 2
        c = 3 + g + ci * per_b
        if ci + 1 < nfeat:
            ncopy = pltpu.make_async_copy(
                feats.at[b, c + per_b - 3], rowbufs[1 - cur], lsem)
            ncopy.start()
        if ci >= 2:
            pltpu.make_async_copy(
                outbufs[cur], out.at[b, c], osem[cur]).wait()
        gather_into(rowbufs[cur], outbufs[cur])
        pltpu.make_async_copy(outbufs[cur], out.at[b, c], osem[cur]).start()
        if ci + 1 < nfeat:
            ncopy.wait()
    pltpu.make_async_copy(out0, out.at[b, 3 + g], ssem0).wait()
    pltpu.make_async_copy(out1, out.at[b, 3 + g], ssem1).wait()

    @pl.when(g < 3)
    def _():
        gsafe = jnp.minimum(g, 2)
        pltpu.sync_copy(xyzt.at[b, gsafe], row0)
        pltpu.sync_copy(ctrt.at[b, gsafe], ctrv)
        gather_into(row0, out0, subtract=ctrv)
        pltpu.sync_copy(out0, out.at[b, gsafe])


@jax.jit
def kernel(xyz, new_xyz, features):
    B, N, _ = xyz.shape
    S = new_xyz.shape[1]
    C = features.shape[1]
    CH = C + 3
    s_per_w = S // (_NWORKERS // B)

    xyzt = jnp.transpose(xyz, (0, 2, 1))
    ctrt = jnp.transpose(new_xyz, (0, 2, 1))

    mesh = plsc.VectorSubcoreMesh(core_axis_name="c", subcore_axis_name="s")
    cparams = pltpu.CompilerParams(
        use_tc_tiling_on_sc=False, needs_layout_passes=False)

    ball = pl.kernel(
        functools.partial(_ball_body, N, S, s_per_w),
        out_type=jax.ShapeDtypeStruct((B, _K, S), jnp.int32),
        mesh=mesh,
        scratch_types=[
            pltpu.VMEM((N,), jnp.float32),
            pltpu.VMEM((N,), jnp.float32),
            pltpu.VMEM((N,), jnp.float32),
            pltpu.VMEM((s_per_w,), jnp.float32),
            pltpu.VMEM((s_per_w,), jnp.float32),
            pltpu.VMEM((s_per_w,), jnp.float32),
            pltpu.VMEM((N,), jnp.int32),
            pltpu.VMEM((_K, s_per_w), jnp.int32),
        ],
        compiler_params=cparams,
    )
    idx = ball(xyzt, ctrt)

    tile = (_K // 8, S // 128, 8, 128)
    gather = pl.kernel(
        functools.partial(_gather_body, N, S, CH),
        out_type=jax.ShapeDtypeStruct((B, CH) + tile, jnp.float32),
        mesh=mesh,
        scratch_types=[
            pltpu.VMEM((_K, S), jnp.int32),
            pltpu.VMEM((N,), jnp.float32),
            pltpu.VMEM((N,), jnp.float32),
            pltpu.VMEM((S,), jnp.float32),
            pltpu.VMEM(tile, jnp.float32),
            pltpu.VMEM(tile, jnp.float32),
            pltpu.SemaphoreType.DMA,
            pltpu.SemaphoreType.DMA,
            pltpu.SemaphoreType.DMA,
        ],
        compiler_params=cparams,
    )
    out6 = gather(xyzt, features, ctrt, idx)
    out = out6.transpose(0, 1, 2, 4, 3, 5).reshape(B, CH, _K, S)
    return out.transpose(0, 1, 3, 2)

# --- scband reference (transcript-rebuilt; emitter-appended) ---
"""Pipeline reference for scband-query-and-group-12146167513657 (READ-ONLY COPY).

The authoritative reference and input builder live on the scoring server;
editing this copy changes nothing except your own understanding.
"""

import jax, jax.numpy as jnp
import numpy as np

RADIUS = 0.1
NSAMPLE = 32


def ball_query(radius, nsample, xyz, new_xyz):
    # xyz: (B, N, 3), new_xyz: (B, S, 3) -> idx: (B, S, nsample) int32
    N = xyz.shape[1]
    d2 = jnp.sum((new_xyz[:, :, None, :] - xyz[:, None, :, :]) ** 2, axis=-1)  # (B, S, N)
    mask = d2 < radius * radius
    cand = jnp.where(mask, jnp.arange(N, dtype=jnp.int32)[None, None, :], jnp.int32(N))
    idx_sorted = jnp.sort(cand, axis=-1)[:, :, :nsample]
    first = idx_sorted[:, :, 0:1]
    idx = jnp.where(idx_sorted == N, first, idx_sorted)
    idx = jnp.where(idx == N, 0, idx)  # empty ball -> index 0 (matches CUDA zero-init)
    return idx


def group_points(features, idx):
    # features: (B, C, N), idx: (B, S, K) -> (B, C, S, K)
    return jax.vmap(lambda f, i: f[:, i])(features, idx)


def setup_inputs(seed: int = 0) -> dict:
    key = jax.random.key(seed)
    k1, k2, k3 = jax.random.split(key, 3)
    B, N, S, C = 4, 8192, 1024, 128
    xyz = jax.random.uniform(k1, (B, N, 3), dtype=jnp.float32)
    new_xyz = jax.random.uniform(k2, (B, S, 3), dtype=jnp.float32)
    features = jax.random.normal(k3, (B, C, N), dtype=jnp.float32)
    return {"xyz": xyz, "new_xyz": new_xyz, "features": features}


def reference(xyz, new_xyz, features):
    idx = ball_query(RADIUS, NSAMPLE, xyz, new_xyz)            # (B, S, K)
    xyz_trans = jnp.transpose(xyz, (0, 2, 1))                   # (B, 3, N)
    grouped_xyz = group_points(xyz_trans, idx)                  # (B, 3, S, K)
    grouped_xyz = grouped_xyz - jnp.transpose(new_xyz, (0, 2, 1))[:, :, :, None]
    grouped_features = group_points(features, idx)              # (B, C, S, K)
    new_features = jnp.concatenate([grouped_xyz, grouped_features], axis=1)
    return new_features

if __name__ == "__main__":
    import jax
    _d = setup_inputs()
    print(jax.jit(kernel)(*tuple(_d.values())))

</pallas_src>

<mosaic_0001>
#map = affine_map<(d0, d1) -> (0, 0, 0)>
module attributes {stable_mosaic.version = 14 : i64} {
  func.func @_ball_body(%arg0: i32, %arg1: i32, %arg2: memref<4x3x8192xf32, #tpu.memory_space<hbm>>, %arg3: memref<4x3x1024xf32, #tpu.memory_space<hbm>>, %arg4: memref<4x32x1024xi32, #tpu.memory_space<hbm>>, %arg5: memref<8192xf32, #tpu.memory_space<vmem>>, %arg6: memref<8192xf32, #tpu.memory_space<vmem>>, %arg7: memref<8192xf32, #tpu.memory_space<vmem>>, %arg8: memref<128xf32, #tpu.memory_space<vmem>>, %arg9: memref<128xf32, #tpu.memory_space<vmem>>, %arg10: memref<128xf32, #tpu.memory_space<vmem>>, %arg11: memref<8192xi32, #tpu.memory_space<vmem>>, %arg12: memref<32x128xi32, #tpu.memory_space<vmem>>) attributes {dimension_semantics = [#tpu.dimension_semantics<core_parallel>, #tpu.dimension_semantics<subcore_parallel>], iteration_bounds = array<i64: 2, 16>, scalar_prefetch = 0 : i64, scratch_operands = 8 : i64, tpu.core_type = #tpu.core_type<sc_vector_subcore>, window_params = [{transform_indices = #map}, {transform_indices = #map}, {transform_indices = #map}]} {
    %mul3A = arith.constant 2 : i32
    %mul3A_0 = arith.muli %arg1, %mul3A : i32
    %add3A = arith.addi %mul3A_0, %arg0 : i32
    %jit3A = arith.constant 8 : i32
    %div3A = arith.divsi %add3A, %jit3A : i32
    %sign3A = arith.constant 0 : i32
    %sign3A_1 = arith.cmpi sgt, %add3A, %sign3A : i32
    %sign3A_2 = arith.extui %sign3A_1 : i1 to i32
    %sign3A_3 = arith.constant 0 : i32
    %sign3A_4 = arith.cmpi slt, %add3A, %sign3A_3 : i32
    %sign3A_5 = arith.extui %sign3A_4 : i1 to i32
    %sign3A_6 = arith.subi %sign3A_2, %sign3A_5 : i32
    %sign3A_7 = arith.constant 0 : i32
    %sign3A_8 = arith.cmpi sgt, %jit3A, %sign3A_7 : i32
    %sign3A_9 = arith.extui %sign3A_8 : i1 to i32
    %sign3A_10 = arith.constant 0 : i32
    %sign3A_11 = arith.cmpi slt, %jit3A, %sign3A_10 : i32
    %sign3A_12 = arith.extui %sign3A_11 : i1 to i32
    %sign3A_13 = arith.subi %sign3A_9, %sign3A_12 : i32
    %ne3A = arith.cmpi ne, %sign3A_6, %sign3A_13 : i32
    %rem3A = arith.remsi %add3A, %jit3A : i32
    %ne3A_14 = arith.constant 0 : i32
    %ne3A_15 = arith.cmpi ne, %rem3A, %ne3A_14 : i32
    %and3A = arith.andi %ne3A, %ne3A_15 : i1
    %sub3A = arith.constant 1 : i32
    %sub3A_16 = arith.subi %div3A, %sub3A : i32
    %select_n3A = arith.select %and3A, %sub3A_16, %div3A : i32
    %jit3A_17 = arith.constant 8 : i32
    %eq3A = arith.constant 0 : i32
    %eq3A_18 = arith.cmpi eq, %jit3A_17, %eq3A : i32
    %jit3A_19 = arith.constant 1 : i32
    %select_n3A_20 = arith.select %eq3A_18, %jit3A_19, %jit3A_17 : i32
    %rem3A_21 = arith.remsi %add3A, %select_n3A_20 : i32
    %ne3A_22 = arith.constant 0 : i32
    %ne3A_23 = arith.cmpi ne, %rem3A_21, %ne3A_22 : i32
    %lt3A = arith.constant 0 : i32
    %lt3A_24 = arith.cmpi slt, %rem3A_21, %lt3A : i32
    %lt3A_25 = arith.constant 0 : i32
    %lt3A_26 = arith.cmpi slt, %select_n3A_20, %lt3A_25 : i32
    %ne3A_27 = arith.xori %lt3A_24, %lt3A_26 : i1
    %and3A_28 = arith.andi %ne3A_27, %ne3A_23 : i1
    %add3A_29 = arith.addi %rem3A_21, %select_n3A_20 : i32
    %select_n3A_30 = arith.select %and3A_28, %add3A_29, %rem3A_21 : i32
    %mul3A_31 = arith.constant 128 : i32
    %mul3A_32 = arith.muli %select_n3A_30, %mul3A_31 : i32
    %run_scoped3A = arith.constant 0 : i32
    "tpu.region"() ({
      %run_scoped3A_47 = tpu.sem_alloc : memref<!tpu.dma_semaphore, #tpu.memory_space<semaphore_mem>>
      %dma_start3A = arith.constant 0 : i32
      %dma_start3A_48 = tpu.memref_slice %arg2[%select_n3A, %run_scoped3A, %dma_start3A] : memref<4x3x8192xf32, #tpu.memory_space<hbm>> -> memref<1x1x8192xf32, #tpu.memory_space<hbm>>
      %dma_start3A_49 = tpu.memref_squeeze %dma_start3A_48 : memref<1x1x8192xf32, #tpu.memory_space<hbm>> -> memref<8192xf32, #tpu.memory_space<hbm>>
      %dma_start3A_50 = arith.constant 0 : i32
      %dma_start3A_51 = tpu.memref_slice %arg2[%select_n3A, %run_scoped3A, %dma_start3A_50] : memref<4x3x8192xf32, #tpu.memory_space<hbm>> -> memref<1x1x8192xf32, #tpu.memory_space<hbm>>
      %dma_start3A_52 = tpu.memref_squeeze %dma_start3A_51 : memref<1x1x8192xf32, #tpu.memory_space<hbm>> -> memref<8192xf32, #tpu.memory_space<hbm>>
      tpu.enqueue_dma source(%dma_start3A_52 : memref<8192xf32, #tpu.memory_space<hbm>>) target(%arg5 : memref<8192xf32, #tpu.memory_space<vmem>>) target_semaphore(%run_scoped3A_47 : memref<!tpu.dma_semaphore, #tpu.memory_space<semaphore_mem>>)
      %dma_wait3A = arith.constant 0 : i32
      %dma_wait3A_53 = tpu.memref_slice %arg2[%select_n3A, %run_scoped3A, %dma_wait3A] : memref<4x3x8192xf32, #tpu.memory_space<hbm>> -> memref<1x1x8192xf32, #tpu.memory_space<hbm>>
      %dma_wait3A_54 = tpu.memref_squeeze %dma_wait3A_53 : memref<1x1x8192xf32, #tpu.memory_space<hbm>> -> memref<8192xf32, #tpu.memory_space<hbm>>
      %dma_wait3A_55 = arith.constant 0 : i32
      %dma_wait3A_56 = tpu.memref_slice %arg2[%select_n3A, %run_scoped3A, %dma_wait3A_55] : memref<4x3x8192xf32, #tpu.memory_space<hbm>> -> memref<1x1x8192xf32, #tpu.memory_space<hbm>>
      %dma_wait3A_57 = tpu.memref_squeeze %dma_wait3A_56 : memref<1x1x8192xf32, #tpu.memory_space<hbm>> -> memref<8192xf32, #tpu.memory_space<hbm>>
      tpu.wait_dma2 semaphore(%run_scoped3A_47 : memref<!tpu.dma_semaphore, #tpu.memory_space<semaphore_mem>>) src(%dma_wait3A_57 : memref<8192xf32, #tpu.memory_space<hbm>>) dst(%arg5 : memref<8192xf32, #tpu.memory_space<vmem>>)
      tpu.yield
    }) : () -> ()
    %run_scoped3A_33 = arith.constant 1 : i32
    "tpu.region"() ({
      %run_scoped3A_47 = tpu.sem_alloc : memref<!tpu.dma_semaphore, #tpu.memory_space<semaphore_mem>>
      %dma_start3A = arith.constant 0 : i32
      %dma_start3A_48 = tpu.memref_slice %arg2[%select_n3A, %run_scoped3A_33, %dma_start3A] : memref<4x3x8192xf32, #tpu.memory_space<hbm>> -> memref<1x1x8192xf32, #tpu.memory_space<hbm>>
      %dma_start3A_49 = tpu.memref_squeeze %dma_start3A_48 : memref<1x1x8192xf32, #tpu.memory_space<hbm>> -> memref<8192xf32, #tpu.memory_space<hbm>>
      %dma_start3A_50 = arith.constant 0 : i32
      %dma_start3A_51 = tpu.memref_slice %arg2[%select_n3A, %run_scoped3A_33, %dma_start3A_50] : memref<4x3x8192xf32, #tpu.memory_space<hbm>> -> memref<1x1x8192xf32, #tpu.memory_space<hbm>>
      %dma_start3A_52 = tpu.memref_squeeze %dma_start3A_51 : memref<1x1x8192xf32, #tpu.memory_space<hbm>> -> memref<8192xf32, #tpu.memory_space<hbm>>
      tpu.enqueue_dma source(%dma_start3A_52 : memref<8192xf32, #tpu.memory_space<hbm>>) target(%arg6 : memref<8192xf32, #tpu.memory_space<vmem>>) target_semaphore(%run_scoped3A_47 : memref<!tpu.dma_semaphore, #tpu.memory_space<semaphore_mem>>)
      %dma_wait3A = arith.constant 0 : i32
      %dma_wait3A_53 = tpu.memref_slice %arg2[%select_n3A, %run_scoped3A_33, %dma_wait3A] : memref<4x3x8192xf32, #tpu.memory_space<hbm>> -> memref<1x1x8192xf32, #tpu.memory_space<hbm>>
      %dma_wait3A_54 = tpu.memref_squeeze %dma_wait3A_53 : memref<1x1x8192xf32, #tpu.memory_space<hbm>> -> memref<8192xf32, #tpu.memory_space<hbm>>
      %dma_wait3A_55 = arith.constant 0 : i32
      %dma_wait3A_56 = tpu.memref_slice %arg2[%select_n3A, %run_scoped3A_33, %dma_wait3A_55] : memref<4x3x8192xf32, #tpu.memory_space<hbm>> -> memref<1x1x8192xf32, #tpu.memory_space<hbm>>
      %dma_wait3A_57 = tpu.memref_squeeze %dma_wait3A_56 : memref<1x1x8192xf32, #tpu.memory_space<hbm>> -> memref<8192xf32, #tpu.memory_space<hbm>>
      tpu.wait_dma2 semaphore(%run_scoped3A_47 : memref<!tpu.dma_semaphore, #tpu.memory_space<semaphore_mem>>) src(%dma_wait3A_57 : memref<8192xf32, #tpu.memory_space<hbm>>) dst(%arg6 : memref<8192xf32, #tpu.memory_space<vmem>>)
      tpu.yield
    }) : () -> ()
    %run_scoped3A_34 = arith.constant 2 : i32
    "tpu.region"() ({
      %run_scoped3A_47 = tpu.sem_alloc : memref<!tpu.dma_semaphore, #tpu.memory_space<semaphore_mem>>
      %dma_start3A = arith.constant 0 : i32
      %dma_start3A_48 = tpu.memref_slice %arg2[%select_n3A, %run_scoped3A_34, %dma_start3A] : memref<4x3x8192xf32, #tpu.memory_space<hbm>> -> memref<1x1x8192xf32, #tpu.memory_space<hbm>>
      %dma_start3A_49 = tpu.memref_squeeze %dma_start3A_48 : memref<1x1x8192xf32, #tpu.memory_space<hbm>> -> memref<8192xf32, #tpu.memory_space<hbm>>
      %dma_start3A_50 = arith.constant 0 : i32
      %dma_start3A_51 = tpu.memref_slice %arg2[%select_n3A, %run_scoped3A_34, %dma_start3A_50] : memref<4x3x8192xf32, #tpu.memory_space<hbm>> -> memref<1x1x8192xf32, #tpu.memory_space<hbm>>
      %dma_start3A_52 = tpu.memref_squeeze %dma_start3A_51 : memref<1x1x8192xf32, #tpu.memory_space<hbm>> -> memref<8192xf32, #tpu.memory_space<hbm>>
      tpu.enqueue_dma source(%dma_start3A_52 : memref<8192xf32, #tpu.memory_space<hbm>>) target(%arg7 : memref<8192xf32, #tpu.memory_space<vmem>>) target_semaphore(%run_scoped3A_47 : memref<!tpu.dma_semaphore, #tpu.memory_space<semaphore_mem>>)
      %dma_wait3A = arith.constant 0 : i32
      %dma_wait3A_53 = tpu.memref_slice %arg2[%select_n3A, %run_scoped3A_34, %dma_wait3A] : memref<4x3x8192xf32, #tpu.memory_space<hbm>> -> memref<1x1x8192xf32, #tpu.memory_space<hbm>>
      %dma_wait3A_54 = tpu.memref_squeeze %dma_wait3A_53 : memref<1x1x8192xf32, #tpu.memory_space<hbm>> -> memref<8192xf32, #tpu.memory_space<hbm>>
      %dma_wait3A_55 = arith.constant 0 : i32
      %dma_wait3A_56 = tpu.memref_slice %arg2[%select_n3A, %run_scoped3A_34, %dma_wait3A_55] : memref<4x3x8192xf32, #tpu.memory_space<hbm>> -> memref<1x1x8192xf32, #tpu.memory_space<hbm>>
      %dma_wait3A_57 = tpu.memref_squeeze %dma_wait3A_56 : memref<1x1x8192xf32, #tpu.memory_space<hbm>> -> memref<8192xf32, #tpu.memory_space<hbm>>
      tpu.wait_dma2 semaphore(%run_scoped3A_47 : memref<!tpu.dma_semaphore, #tpu.memory_space<semaphore_mem>>) src(%dma_wait3A_57 : memref<8192xf32, #tpu.memory_space<hbm>>) dst(%arg7 : memref<8192xf32, #tpu.memory_space<vmem>>)
      tpu.yield
    }) : () -> ()
    %run_scoped3A_35 = arith.constant 0 : i32
    "tpu.region"() ({
      %run_scoped3A_47 = tpu.sem_alloc : memref<!tpu.dma_semaphore, #tpu.memory_space<semaphore_mem>>
      %dma_start3A = tpu.memref_slice %arg3[%select_n3A, %run_scoped3A_35, %mul3A_32] : memref<4x3x1024xf32, #tpu.memory_space<hbm>> -> memref<1x1x128xf32, #tpu.memory_space<hbm>>
      %dma_start3A_48 = tpu.memref_squeeze %dma_start3A : memref<1x1x128xf32, #tpu.memory_space<hbm>> -> memref<128xf32, #tpu.memory_space<hbm>>
      %dma_start3A_49 = tpu.memref_slice %arg3[%select_n3A, %run_scoped3A_35, %mul3A_32] : memref<4x3x1024xf32, #tpu.memory_space<hbm>> -> memref<1x1x128xf32, #tpu.memory_space<hbm>>
      %dma_start3A_50 = tpu.memref_squeeze %dma_start3A_49 : memref<1x1x128xf32, #tpu.memory_space<hbm>> -> memref<128xf32, #tpu.memory_space<hbm>>
      tpu.enqueue_dma source(%dma_start3A_50 : memref<128xf32, #tpu.memory_space<hbm>>) target(%arg8 : memref<128xf32, #tpu.memory_space<vmem>>) target_semaphore(%run_scoped3A_47 : memref<!tpu.dma_semaphore, #tpu.memory_space<semaphore_mem>>)
      %dma_wait3A = tpu.memref_slice %arg3[%select_n3A, %run_scoped3A_35, %mul3A_32] : memref<4x3x1024xf32, #tpu.memory_space<hbm>> -> memref<1x1x128xf32, #tpu.memory_space<hbm>>
      %dma_wait3A_51 = tpu.memref_squeeze %dma_wait3A : memref<1x1x128xf32, #tpu.memory_space<hbm>> -> memref<128xf32, #tpu.memory_space<hbm>>
      %dma_wait3A_52 = tpu.memref_slice %arg3[%select_n3A, %run_scoped3A_35, %mul3A_32] : memref<4x3x1024xf32, #tpu.memory_space<hbm>> -> memref<1x1x128xf32, #tpu.memory_space<hbm>>
      %dma_wait3A_53 = tpu.memref_squeeze %dma_wait3A_52 : memref<1x1x128xf32, #tpu.memory_space<hbm>> -> memref<128xf32, #tpu.memory_space<hbm>>
      tpu.wait_dma2 semaphore(%run_scoped3A_47 : memref<!tpu.dma_semaphore, #tpu.memory_space<semaphore_mem>>) src(%dma_wait3A_53 : memref<128xf32, #tpu.memory_space<hbm>>) dst(%arg8 : memref<128xf32, #tpu.memory_space<vmem>>)
      tpu.yield
    }) : () -> ()
    %run_scoped3A_36 = arith.constant 1 : i32
    "tpu.region"() ({
      %run_scoped3A_47 = tpu.sem_alloc : memref<!tpu.dma_semaphore, #tpu.memory_space<semaphore_mem>>
      %dma_start3A = tpu.memref_slice %arg3[%select_n3A, %run_scoped3A_36, %mul3A_32] : memref<4x3x1024xf32, #tpu.memory_space<hbm>> -> memref<1x1x128xf32, #tpu.memory_space<hbm>>
      %dma_start3A_48 = tpu.memref_squeeze %dma_start3A : memref<1x1x128xf32, #tpu.memory_space<hbm>> -> memref<128xf32, #tpu.memory_space<hbm>>
      %dma_start3A_49 = tpu.memref_slice %arg3[%select_n3A, %run_scoped3A_36, %mul3A_32] : memref<4x3x1024xf32, #tpu.memory_space<hbm>> -> memref<1x1x128xf32, #tpu.memory_space<hbm>>
      %dma_start3A_50 = tpu.memref_squeeze %dma_start3A_49 : memref<1x1x128xf32, #tpu.memory_space<hbm>> -> memref<128xf32, #tpu.memory_space<hbm>>
      tpu.enqueue_dma source(%dma_start3A_50 : memref<128xf32, #tpu.memory_space<hbm>>) target(%arg9 : memref<128xf32, #tpu.memory_space<vmem>>) target_semaphore(%run_scoped3A_47 : memref<!tpu.dma_semaphore, #tpu.memory_space<semaphore_mem>>)
      %dma_wait3A = tpu.memref_slice %arg3[%select_n3A, %run_scoped3A_36, %mul3A_32] : memref<4x3x1024xf32, #tpu.memory_space<hbm>> -> memref<1x1x128xf32, #tpu.memory_space<hbm>>
      %dma_wait3A_51 = tpu.memref_squeeze %dma_wait3A : memref<1x1x128xf32, #tpu.memory_space<hbm>> -> memref<128xf32, #tpu.memory_space<hbm>>
      %dma_wait3A_52 = tpu.memref_slice %arg3[%select_n3A, %run_scoped3A_36, %mul3A_32] : memref<4x3x1024xf32, #tpu.memory_space<hbm>> -> memref<1x1x128xf32, #tpu.memory_space<hbm>>
      %dma_wait3A_53 = tpu.memref_squeeze %dma_wait3A_52 : memref<1x1x128xf32, #tpu.memory_space<hbm>> -> memref<128xf32, #tpu.memory_space<hbm>>
      tpu.wait_dma2 semaphore(%run_scoped3A_47 : memref<!tpu.dma_semaphore, #tpu.memory_space<semaphore_mem>>) src(%dma_wait3A_53 : memref<128xf32, #tpu.memory_space<hbm>>) dst(%arg9 : memref<128xf32, #tpu.memory_space<vmem>>)
      tpu.yield
    }) : () -> ()
    %run_scoped3A_37 = arith.constant 2 : i32
    "tpu.region"() ({
      %run_scoped3A_47 = tpu.sem_alloc : memref<!tpu.dma_semaphore, #tpu.memory_space<semaphore_mem>>
      %dma_start3A = tpu.memref_slice %arg3[%select_n3A, %run_scoped3A_37, %mul3A_32] : memref<4x3x1024xf32, #tpu.memory_space<hbm>> -> memref<1x1x128xf32, #tpu.memory_space<hbm>>
      %dma_start3A_48 = tpu.memref_squeeze %dma_start3A : memref<1x1x128xf32, #tpu.memory_space<hbm>> -> memref<128xf32, #tpu.memory_space<hbm>>
      %dma_start3A_49 = tpu.memref_slice %arg3[%select_n3A, %run_scoped3A_37, %mul3A_32] : memref<4x3x1024xf32, #tpu.memory_space<hbm>> -> memref<1x1x128xf32, #tpu.memory_space<hbm>>
      %dma_start3A_50 = tpu.memref_squeeze %dma_start3A_49 : memref<1x1x128xf32, #tpu.memory_space<hbm>> -> memref<128xf32, #tpu.memory_space<hbm>>
      tpu.enqueue_dma source(%dma_start3A_50 : memref<128xf32, #tpu.memory_space<hbm>>) target(%arg10 : memref<128xf32, #tpu.memory_space<vmem>>) target_semaphore(%run_scoped3A_47 : memref<!tpu.dma_semaphore, #tpu.memory_space<semaphore_mem>>)
      %dma_wait3A = tpu.memref_slice %arg3[%select_n3A, %run_scoped3A_37, %mul3A_32] : memref<4x3x1024xf32, #tpu.memory_space<hbm>> -> memref<1x1x128xf32, #tpu.memory_space<hbm>>
      %dma_wait3A_51 = tpu.memref_squeeze %dma_wait3A : memref<1x1x128xf32, #tpu.memory_space<hbm>> -> memref<128xf32, #tpu.memory_space<hbm>>
      %dma_wait3A_52 = tpu.memref_slice %arg3[%select_n3A, %run_scoped3A_37, %mul3A_32] : memref<4x3x1024xf32, #tpu.memory_space<hbm>> -> memref<1x1x128xf32, #tpu.memory_space<hbm>>
      %dma_wait3A_53 = tpu.memref_squeeze %dma_wait3A_52 : memref<1x1x128xf32, #tpu.memory_space<hbm>> -> memref<128xf32, #tpu.memory_space<hbm>>
      tpu.wait_dma2 semaphore(%run_scoped3A_47 : memref<!tpu.dma_semaphore, #tpu.memory_space<semaphore_mem>>) src(%dma_wait3A_53 : memref<128xf32, #tpu.memory_space<hbm>>) dst(%arg10 : memref<128xf32, #tpu.memory_space<vmem>>)
      tpu.yield
    }) : () -> ()
    %iota3A = tpu.iota {dimensions = array<i32: 0>} : vector<16xi32>
    %broadcast_in_dim3A = arith.constant 0 : i32
    %broadcast_in_dim3A_38 = vector.broadcast %broadcast_in_dim3A : i32 to vector<16xi32>
    %broadcast_in_dim3A_39 = arith.constant 1 : i32
    %broadcast_in_dim3A_40 = vector.broadcast %broadcast_in_dim3A_39 : i32 to vector<16xi32>
    %scan3A = arith.constant 0 : i32
    %scan3A_41 = arith.constant 0.00999999977 : f32
    %scan3A_42 = arith.constant 0 : i32
    %scan3A_43 = arith.constant 128 : i32
    %scan3A_44 = arith.addi %scan3A_42, %scan3A_43 : i32
    %scan3A_45 = arith.constant 1 : i32
    scf.for %scan3A_47 = %scan3A_42 to %scan3A_44 step %scan3A_45  : i32 {
      %broadcast_in_dim3A_48 = vector.broadcast %scan3A_47 : i32 to vector<16xi32>
      %gather3A = tpu.vector_load_idx %arg8[%broadcast_in_dim3A_48] : memref<128xf32, #tpu.memory_space<vmem>>[vector<16xi32>], vector<16xf32>,
      %gather3A_49 = tpu.vector_load_idx %arg9[%broadcast_in_dim3A_48] : memref<128xf32, #tpu.memory_space<vmem>>[vector<16xi32>], vector<16xf32>,
      %gather3A_50 = tpu.vector_load_idx %arg10[%broadcast_in_dim3A_48] : memref<128xf32, #tpu.memory_space<vmem>>[vector<16xi32>], vector<16xf32>,
      %swap3A = arith.constant 0 : index
      %swap3A_51 = tpu.vector_load %arg11[%swap3A] {strides = array<i32>} : memref<8192xi32, #tpu.memory_space<vmem>>, vector<16xi32>,
      tpu.vector_store %arg11[%swap3A], %broadcast_in_dim3A_38 {strides = array<i32>} : memref<8192xi32, #tpu.memory_space<vmem>>, vector<16xi32>,
      %sub3A_52 = arith.constant 1 : i32
      %sub3A_53 = vector.broadcast %sub3A_52 : i32 to vector<16xi32>
      %sub3A_54 = arith.subi %broadcast_in_dim3A_38, %sub3A_53 : vector<16xi32>
      %parallel_loop3A = arith.constant 0 : i32
      %parallel_loop3A_55 = arith.constant 512 : i32
      %parallel_loop3A_56 = arith.constant 1 : i32
      %parallel_loop3A_57 = scf.for %parallel_loop3A_78 = %parallel_loop3A to %parallel_loop3A_55 step %parallel_loop3A_56 iter_args(%parallel_loop3A_79 = %sub3A_54) -> (vector<16xi32>)  : i32 {
        %parallel_loop3A_80 = arith.constant 16 : i32
        %parallel_loop3A_81 = arith.muli %parallel_loop3A_78, %parallel_loop3A_80 : i32
        %parallel_loop3A_82 = arith.index_cast %parallel_loop3A_81 : i32 to index
        %parallel_loop3A_83 = tpu.vector_load %arg5[%parallel_loop3A_82] {strides = array<i32>} : memref<8192xf32, #tpu.memory_space<vmem>>, vector<16xf32>,
        %parallel_loop3A_84 = arith.subf %parallel_loop3A_83, %gather3A : vector<16xf32>
        %parallel_loop3A_85 = arith.index_cast %parallel_loop3A_81 : i32 to index
        %parallel_loop3A_86 = tpu.vector_load %arg6[%parallel_loop3A_85] {strides = array<i32>} : memref<8192xf32, #tpu.memory_space<vmem>>, vector<16xf32>,
        %parallel_loop3A_87 = arith.subf %parallel_loop3A_86, %gather3A_49 : vector<16xf32>
        %parallel_loop3A_88 = arith.index_cast %parallel_loop3A_81 : i32 to index
        %parallel_loop3A_89 = tpu.vector_load %arg7[%parallel_loop3A_88] {strides = array<i32>} : memref<8192xf32, #tpu.memory_space<vmem>>, vector<16xf32>,
        %parallel_loop3A_90 = arith.subf %parallel_loop3A_89, %gather3A_50 : vector<16xf32>
        %parallel_loop3A_91 = arith.mulf %parallel_loop3A_84, %parallel_loop3A_84 : vector<16xf32>
        %parallel_loop3A_92 = arith.mulf %parallel_loop3A_87, %parallel_loop3A_87 : vector<16xf32>
        %parallel_loop3A_93 = arith.addf %parallel_loop3A_91, %parallel_loop3A_92 : vector<16xf32>
        %parallel_loop3A_94 = arith.mulf %parallel_loop3A_90, %parallel_loop3A_90 : vector<16xf32>
        %parallel_loop3A_95 = arith.addf %parallel_loop3A_93, %parallel_loop3A_94 : vector<16xf32>
        %parallel_loop3A_96 = vector.broadcast %scan3A_41 : f32 to vector<16xf32>
        %parallel_loop3A_97 = arith.cmpf olt, %parallel_loop3A_95, %parallel_loop3A_96 : vector<16xf32>
        %parallel_loop3A_98 = tpu.scan <sum>, %broadcast_in_dim3A_40 masked %parallel_loop3A_97 : vector<16xi32>, vector<16xi1> -> vector<16xi32>
        %parallel_loop3A_99 = arith.addi %parallel_loop3A_79, %parallel_loop3A_98 : vector<16xi32>
        %parallel_loop3A_100 = vector.broadcast %parallel_loop3A_81 : i32 to vector<16xi32>
        %parallel_loop3A_101 = arith.addi %iota3A, %parallel_loop3A_100 : vector<16xi32>
        tpu.vector_store_idx %arg11[%parallel_loop3A_99], %parallel_loop3A_101 masked %parallel_loop3A_97 : memref<8192xi32, #tpu.memory_space<vmem>>[vector<16xi32>], vector<16xi32>, vector<16xi1>
        %parallel_loop3A_102 = tpu.all_reduce %parallel_loop3A_97 {dim = 0 : i64, kind = #tpu.reduction_kind<sum>} : vector<16xi1> -> vector<16xi32>
        %parallel_loop3A_103 = arith.addi %parallel_loop3A_79, %parallel_loop3A_102 : vector<16xi32>
        scf.yield %parallel_loop3A_103 : vector<16xi32>
      } {sc.loop_unroll_factor = 4 : i64, sc.parallel_access}
      %add3A_58 = arith.constant 1 : i32
      %add3A_59 = vector.broadcast %add3A_58 : i32 to vector<16xi32>
      %add3A_60 = arith.addi %parallel_loop3A_57, %add3A_59 : vector<16xi32>
      %min3A = arith.constant 0 : i32
      %min3A_61 = vector.broadcast %min3A : i32 to vector<16xi32>
      %min3A_62 = arith.minsi %add3A_60, %min3A_61 : vector<16xi32>
      %gather3A_63 = tpu.vector_load_idx %arg11[%min3A_62] : memref<8192xi32, #tpu.memory_space<vmem>>[vector<16xi32>], vector<16xi32>,
      %get3A = arith.constant 0 : index
      %get3A_64 = tpu.vector_load %arg11[%get3A] {strides = array<i32>} : memref<8192xi32, #tpu.memory_space<vmem>>, vector<16xi32>,
      %add3A_65 = arith.constant 0 : i32
      %add3A_66 = vector.broadcast %add3A_65 : i32 to vector<16xi32>
      %add3A_67 = arith.addi %iota3A, %add3A_66 : vector<16xi32>
      %le3A = arith.cmpi sle, %add3A_67, %parallel_loop3A_57 : vector<16xi32>
      %select_n3A_68 = arith.select %le3A, %get3A_64, %gather3A_63 : vector<16xi1>, vector<16xi32>
      %broadcast_in_dim3A_69 = vector.broadcast %scan3A_47 : i32 to vector<16xi32>
      tpu.vector_store_idx %arg12[%add3A_67, %broadcast_in_dim3A_69], %select_n3A_68 : memref<32x128xi32, #tpu.memory_space<vmem>>[vector<16xi32>, vector<16xi32>], vector<16xi32>,
      %get3A_70 = arith.constant 16 : index
      %get3A_71 = tpu.vector_load %arg11[%get3A_70] {strides = array<i32>} : memref<8192xi32, #tpu.memory_space<vmem>>, vector<16xi32>,
      %add3A_72 = arith.constant 16 : i32
      %add3A_73 = vector.broadcast %add3A_72 : i32 to vector<16xi32>
      %add3A_74 = arith.addi %iota3A, %add3A_73 : vector<16xi32>
      %le3A_75 = arith.cmpi sle, %add3A_74, %parallel_loop3A_57 : vector<16xi32>
      %select_n3A_76 = arith.select %le3A_75, %get3A_71, %gather3A_63 : vector<16xi1>, vector<16xi32>
      %broadcast_in_dim3A_77 = vector.broadcast %scan3A_47 : i32 to vector<16xi32>
      tpu.vector_store_idx %arg12[%add3A_74, %broadcast_in_dim3A_77], %select_n3A_76 : memref<32x128xi32, #tpu.memory_space<vmem>>[vector<16xi32>, vector<16xi32>], vector<16xi32>,
    }
    %scan3A_46 = arith.constant 128 : i32
    "tpu.region"() ({
      %run_scoped3A_47 = tpu.sem_alloc : memref<!tpu.dma_semaphore, #tpu.memory_space<semaphore_mem>>
      %dma_start3A = arith.constant 0 : i32
      %dma_start3A_48 = tpu.memref_slice %arg4[%select_n3A, %dma_start3A, %mul3A_32] : memref<4x32x1024xi32, #tpu.memory_space<hbm>> -> memref<1x32x128xi32, #tpu.memory_space<hbm>>
      %dma_start3A_49 = tpu.memref_squeeze %dma_start3A_48 : memref<1x32x128xi32, #tpu.memory_space<hbm>> -> memref<32x128xi32, #tpu.memory_space<hbm>>
      %dma_start3A_50 = arith.constant 0 : i32
      %dma_start3A_51 = tpu.memref_slice %arg4[%select_n3A, %dma_start3A_50, %mul3A_32] : memref<4x32x1024xi32, #tpu.memory_space<hbm>> -> memref<1x32x128xi32, #tpu.memory_space<hbm>>
      %dma_start3A_52 = tpu.memref_squeeze %dma_start3A_51 : memref<1x32x128xi32, #tpu.memory_space<hbm>> -> memref<32x128xi32, #tpu.memory_space<hbm>>
      tpu.enqueue_dma source(%arg12 : memref<32x128xi32, #tpu.memory_space<vmem>>) target(%dma_start3A_52 : memref<32x128xi32, #tpu.memory_space<hbm>>) target_semaphore(%run_scoped3A_47 : memref<!tpu.dma_semaphore, #tpu.memory_space<semaphore_mem>>)
      %dma_wait3A = arith.constant 0 : i32
      %dma_wait3A_53 = tpu.memref_slice %arg4[%select_n3A, %dma_wait3A, %mul3A_32] : memref<4x32x1024xi32, #tpu.memory_space<hbm>> -> memref<1x32x128xi32, #tpu.memory_space<hbm>>
      %dma_wait3A_54 = tpu.memref_squeeze %dma_wait3A_53 : memref<1x32x128xi32, #tpu.memory_space<hbm>> -> memref<32x128xi32, #tpu.memory_space<hbm>>
      %dma_wait3A_55 = arith.constant 0 : i32
      %dma_wait3A_56 = tpu.memref_slice %arg4[%select_n3A, %dma_wait3A_55, %mul3A_32] : memref<4x32x1024xi32, #tpu.memory_space<hbm>> -> memref<1x32x128xi32, #tpu.memory_space<hbm>>
      %dma_wait3A_57 = tpu.memref_squeeze %dma_wait3A_56 : memref<1x32x128xi32, #tpu.memory_space<hbm>> -> memref<32x128xi32, #tpu.memory_space<hbm>>
      tpu.wait_dma2 semaphore(%run_scoped3A_47 : memref<!tpu.dma_semaphore, #tpu.memory_space<semaphore_mem>>) src(%arg12 : memref<32x128xi32, #tpu.memory_space<vmem>>) dst(%dma_wait3A_57 : memref<32x128xi32, #tpu.memory_space<hbm>>)
      tpu.yield
    }) : () -> ()
    return
  }
}

#map = affine_map<(d0, d1) -> (0, 0, 0)>
#map1 = affine_map<(d0, d1) -> (0, 0, 0, 0, 0, 0)>
module attributes {stable_mosaic.version = 14 : i64} {
  func.func @_gather_body(%arg0: i32, %arg1: i32, %arg2: memref<4x3x8192xf32, #tpu.memory_space<hbm>>, %arg3: memref<4x128x8192xf32, #tpu.memory_space<hbm>>, %arg4: memref<4x3x1024xf32, #tpu.memory_space<hbm>>, %arg5: memref<4x32x1024xi32, #tpu.memory_space<hbm>>, %arg6: memref<4x131x4x8x8x128xf32, #tpu.memory_space<hbm>>, %arg7: memref<32x1024xi32, #tpu.memory_space<vmem>>, %arg8: memref<8192xf32, #tpu.memory_space<vmem>>, %arg9: memref<8192xf32, #tpu.memory_space<vmem>>, %arg10: memref<1024xf32, #tpu.memory_space<vmem>>, %arg11: memref<4x8x8x128xf32, #tpu.memory_space<vmem>>, %arg12: memref<4x8x8x128xf32, #tpu.memory_space<vmem>>, %arg13: memref<!tpu.dma_semaphore, #tpu.memory_space<semaphore_mem>>, %arg14: memref<!tpu.dma_semaphore, #tpu.memory_space<semaphore_mem>>, %arg15: memref<!tpu.dma_semaphore, #tpu.memory_space<semaphore_mem>>) attributes {dimension_semantics = [#tpu.dimension_semantics<core_parallel>, #tpu.dimension_semantics<subcore_parallel>], iteration_bounds = array<i64: 2, 16>, scalar_prefetch = 0 : i64, scratch_operands = 9 : i64, tpu.core_type = #tpu.core_type<sc_vector_subcore>, window_params = [{transform_indices = #map}, {transform_indices = #map}, {transform_indices = #map}, {transform_indices = #map}, {transform_indices = #map1}]} {
    %mul3A = arith.constant 2 : i32
    %mul3A_0 = arith.muli %arg1, %mul3A : i32
    %add3A = arith.addi %mul3A_0, %arg0 : i32
    %jit3A = arith.constant 8 : i32
    %div3A = arith.divsi %add3A, %jit3A : i32
    %sign3A = arith.constant 0 : i32
    %sign3A_1 = arith.cmpi sgt, %add3A, %sign3A : i32
    %sign3A_2 = arith.extui %sign3A_1 : i1 to i32
    %sign3A_3 = arith.constant 0 : i32
    %sign3A_4 = arith.cmpi slt, %add3A, %sign3A_3 : i32
    %sign3A_5 = arith.extui %sign3A_4 : i1 to i32
    %sign3A_6 = arith.subi %sign3A_2, %sign3A_5 : i32
    %sign3A_7 = arith.constant 0 : i32
    %sign3A_8 = arith.cmpi sgt, %jit3A, %sign3A_7 : i32
    %sign3A_9 = arith.extui %sign3A_8 : i1 to i32
    %sign3A_10 = arith.constant 0 : i32
    %sign3A_11 = arith.cmpi slt, %jit3A, %sign3A_10 : i32
    %sign3A_12 = arith.extui %sign3A_11 : i1 to i32
    %sign3A_13 = arith.subi %sign3A_9, %sign3A_12 : i32
    %ne3A = arith.cmpi ne, %sign3A_6, %sign3A_13 : i32
    %rem3A = arith.remsi %add3A, %jit3A : i32
    %ne3A_14 = arith.constant 0 : i32
    %ne3A_15 = arith.cmpi ne, %rem3A, %ne3A_14 : i32
    %and3A = arith.andi %ne3A, %ne3A_15 : i1
    %sub3A = arith.constant 1 : i32
    %sub3A_16 = arith.subi %div3A, %sub3A : i32
    %select_n3A = arith.select %and3A, %sub3A_16, %div3A : i32
    %jit3A_17 = arith.constant 8 : i32
    %eq3A = arith.constant 0 : i32
    %eq3A_18 = arith.cmpi eq, %jit3A_17, %eq3A : i32
    %jit3A_19 = arith.constant 1 : i32
    %select_n3A_20 = arith.select %eq3A_18, %jit3A_19, %jit3A_17 : i32
    %rem3A_21 = arith.remsi %add3A, %select_n3A_20 : i32
    %ne3A_22 = arith.constant 0 : i32
    %ne3A_23 = arith.cmpi ne, %rem3A_21, %ne3A_22 : i32
    %lt3A = arith.constant 0 : i32
    %lt3A_24 = arith.cmpi slt, %rem3A_21, %lt3A : i32
    %lt3A_25 = arith.constant 0 : i32
    %lt3A_26 = arith.cmpi slt, %select_n3A_20, %lt3A_25 : i32
    %ne3A_27 = arith.xori %lt3A_24, %lt3A_26 : i1
    %and3A_28 = arith.andi %ne3A_27, %ne3A_23 : i1
    %add3A_29 = arith.addi %rem3A_21, %select_n3A_20 : i32
    %select_n3A_30 = arith.select %and3A_28, %add3A_29, %rem3A_21 : i32
    "tpu.region"() ({
      %run_scoped3A = tpu.sem_alloc : memref<!tpu.dma_semaphore, #tpu.memory_space<semaphore_mem>>
      %dma_start3A_783 = arith.constant 0 : i32
      %dma_start3A_784 = arith.constant 0 : i32
      %dma_start3A_785 = tpu.memref_slice %arg5[%select_n3A, %dma_start3A_783, %dma_start3A_784] : memref<4x32x1024xi32, #tpu.memory_space<hbm>> -> memref<1x32x1024xi32, #tpu.memory_space<hbm>>
      %dma_start3A_786 = tpu.memref_squeeze %dma_start3A_785 : memref<1x32x1024xi32, #tpu.memory_space<hbm>> -> memref<32x1024xi32, #tpu.memory_space<hbm>>
      %dma_start3A_787 = arith.constant 0 : i32
      %dma_start3A_788 = arith.constant 0 : i32
      %dma_start3A_789 = tpu.memref_slice %arg5[%select_n3A, %dma_start3A_787, %dma_start3A_788] : memref<4x32x1024xi32, #tpu.memory_space<hbm>> -> memref<1x32x1024xi32, #tpu.memory_space<hbm>>
      %dma_start3A_790 = tpu.memref_squeeze %dma_start3A_789 : memref<1x32x1024xi32, #tpu.memory_space<hbm>> -> memref<32x1024xi32, #tpu.memory_space<hbm>>
      tpu.enqueue_dma source(%dma_start3A_790 : memref<32x1024xi32, #tpu.memory_space<hbm>>) target(%arg7 : memref<32x1024xi32, #tpu.memory_space<vmem>>) target_semaphore(%run_scoped3A : memref<!tpu.dma_semaphore, #tpu.memory_space<semaphore_mem>>)
      %dma_wait3A_791 = arith.constant 0 : i32
      %dma_wait3A_792 = arith.constant 0 : i32
      %dma_wait3A_793 = tpu.memref_slice %arg5[%select_n3A, %dma_wait3A_791, %dma_wait3A_792] : memref<4x32x1024xi32, #tpu.memory_space<hbm>> -> memref<1x32x1024xi32, #tpu.memory_space<hbm>>
      %dma_wait3A_794 = tpu.memref_squeeze %dma_wait3A_793 : memref<1x32x1024xi32, #tpu.memory_space<hbm>> -> memref<32x1024xi32, #tpu.memory_space<hbm>>
      %dma_wait3A_795 = arith.constant 0 : i32
      %dma_wait3A_796 = arith.constant 0 : i32
      %dma_wait3A_797 = tpu.memref_slice %arg5[%select_n3A, %dma_wait3A_795, %dma_wait3A_796] : memref<4x32x1024xi32, #tpu.memory_space<hbm>> -> memref<1x32x1024xi32, #tpu.memory_space<hbm>>
      %dma_wait3A_798 = tpu.memref_squeeze %dma_wait3A_797 : memref<1x32x1024xi32, #tpu.memory_space<hbm>> -> memref<32x1024xi32, #tpu.memory_space<hbm>>
      tpu.wait_dma2 semaphore(%run_scoped3A : memref<!tpu.dma_semaphore, #tpu.memory_space<semaphore_mem>>) src(%dma_wait3A_798 : memref<32x1024xi32, #tpu.memory_space<hbm>>) dst(%arg7 : memref<32x1024xi32, #tpu.memory_space<vmem>>)
      tpu.yield
    }) : () -> ()
    %iota3A = tpu.iota {dimensions = array<i32: 0>} : vector<16xi32>
    %dma_start3A = arith.constant 0 : i32
    %dma_start3A_31 = tpu.memref_slice %arg3[%select_n3A, %select_n3A_30, %dma_start3A] : memref<4x128x8192xf32, #tpu.memory_space<hbm>> -> memref<1x1x8192xf32, #tpu.memory_space<hbm>>
    %dma_start3A_32 = tpu.memref_squeeze %dma_start3A_31 : memref<1x1x8192xf32, #tpu.memory_space<hbm>> -> memref<8192xf32, #tpu.memory_space<hbm>>
    %dma_start3A_33 = arith.constant 0 : i32
    %dma_start3A_34 = tpu.memref_slice %arg3[%select_n3A, %select_n3A_30, %dma_start3A_33] : memref<4x128x8192xf32, #tpu.memory_space<hbm>> -> memref<1x1x8192xf32, #tpu.memory_space<hbm>>
    %dma_start3A_35 = tpu.memref_squeeze %dma_start3A_34 : memref<1x1x8192xf32, #tpu.memory_space<hbm>> -> memref<8192xf32, #tpu.memory_space<hbm>>
    tpu.enqueue_dma source(%dma_start3A_35 : memref<8192xf32, #tpu.memory_space<hbm>>) target(%arg8 : memref<8192xf32, #tpu.memory_space<vmem>>) target_semaphore(%arg13 : memref<!tpu.dma_semaphore, #tpu.memory_space<semaphore_mem>>)
    %dma_wait3A = arith.constant 0 : i32
    %dma_wait3A_36 = tpu.memref_slice %arg3[%select_n3A, %select_n3A_30, %dma_wait3A] : memref<4x128x8192xf32, #tpu.memory_space<hbm>> -> memref<1x1x8192xf32, #tpu.memory_space<hbm>>
    %dma_wait3A_37 = tpu.memref_squeeze %dma_wait3A_36 : memref<1x1x8192xf32, #tpu.memory_space<hbm>> -> memref<8192xf32, #tpu.memory_space<hbm>>
    %dma_wait3A_38 = arith.constant 0 : i32
    %dma_wait3A_39 = tpu.memref_slice %arg3[%select_n3A, %select_n3A_30, %dma_wait3A_38] : memref<4x128x8192xf32, #tpu.memory_space<hbm>> -> memref<1x1x8192xf32, #tpu.memory_space<hbm>>
    %dma_wait3A_40 = tpu.memref_squeeze %dma_wait3A_39 : memref<1x1x8192xf32, #tpu.memory_space<hbm>> -> memref<8192xf32, #tpu.memory_space<hbm>>
    tpu.wait_dma2 semaphore(%arg13 : memref<!tpu.dma_semaphore, #tpu.memory_space<semaphore_mem>>) src(%dma_wait3A_40 : memref<8192xf32, #tpu.memory_space<hbm>>) dst(%arg8 : memref<8192xf32, #tpu.memory_space<vmem>>)
    %add3A_41 = arith.constant 3 : i32
    %add3A_42 = arith.addi %add3A_41, %select_n3A_30 : i32
    %add3A_43 = arith.constant 0 : i32
    %add3A_44 = arith.addi %add3A_42, %add3A_43 : i32
    %add3A_45 = arith.constant 8 : i32
    %add3A_46 = arith.addi %add3A_44, %add3A_45 : i32
    %sub3A_47 = arith.constant 3 : i32
    %sub3A_48 = arith.subi %add3A_46, %sub3A_47 : i32
    %dma_start3A_49 = arith.constant 0 : i32
    %dma_start3A_50 = tpu.memref_slice %arg3[%select_n3A, %sub3A_48, %dma_start3A_49] : memref<4x128x8192xf32, #tpu.memory_space<hbm>> -> memref<1x1x8192xf32, #tpu.memory_space<hbm>>
    %dma_start3A_51 = tpu.memref_squeeze %dma_start3A_50 : memref<1x1x8192xf32, #tpu.memory_space<hbm>> -> memref<8192xf32, #tpu.memory_space<hbm>>
    %dma_start3A_52 = arith.constant 0 : i32
    %dma_start3A_53 = tpu.memref_slice %arg3[%select_n3A, %sub3A_48, %dma_start3A_52] : memref<4x128x8192xf32, #tpu.memory_space<hbm>> -> memref<1x1x8192xf32, #tpu.memory_space<hbm>>
    %dma_start3A_54 = tpu.memref_squeeze %dma_start3A_53 : memref<1x1x8192xf32, #tpu.memory_space<hbm>> -> memref<8192xf32, #tpu.memory_space<hbm>>
    tpu.enqueue_dma source(%dma_start3A_54 : memref<8192xf32, #tpu.memory_space<hbm>>) target(%arg9 : memref<8192xf32, #tpu.memory_space<vmem>>) target_semaphore(%arg13 : memref<!tpu.dma_semaphore, #tpu.memory_space<semaphore_mem>>)
    %parallel_loop3A = arith.constant 0 : i32
    %parallel_loop3A_55 = arith.constant 2048 : i32
    %parallel_loop3A_56 = arith.constant 1 : i32
    scf.for %parallel_loop3A_783 = %parallel_loop3A to %parallel_loop3A_55 step %parallel_loop3A_56  : i32 {
      %parallel_loop3A_784 = arith.constant 6 : i32
      %parallel_loop3A_785 = arith.shrsi %parallel_loop3A_783, %parallel_loop3A_784 : i32
      %parallel_loop3A_786 = arith.constant 63 : i32
      %parallel_loop3A_787 = arith.andi %parallel_loop3A_783, %parallel_loop3A_786 : i32
      %parallel_loop3A_788 = arith.constant 3 : i32
      %parallel_loop3A_789 = arith.shrsi %parallel_loop3A_787, %parallel_loop3A_788 : i32
      %parallel_loop3A_790 = arith.constant 7 : i32
      %parallel_loop3A_791 = arith.andi %parallel_loop3A_787, %parallel_loop3A_790 : i32
      %parallel_loop3A_792 = arith.constant 16 : i32
      %parallel_loop3A_793 = arith.muli %parallel_loop3A_791, %parallel_loop3A_792 : i32
      %parallel_loop3A_794 = arith.constant 16 : i32
      %parallel_loop3A_795 = arith.muli %parallel_loop3A_787, %parallel_loop3A_794 : i32
      %parallel_loop3A_796 = arith.index_cast %parallel_loop3A_785 : i32 to index
      %parallel_loop3A_797 = arith.index_cast %parallel_loop3A_795 : i32 to index
      %parallel_loop3A_798 = tpu.vector_load %arg7[%parallel_loop3A_796, %parallel_loop3A_797] {strides = array<i32>} : memref<32x1024xi32, #tpu.memory_space<vmem>>, vector<16xi32>,
      %parallel_loop3A_799 = tpu.vector_load_idx %arg8[%parallel_loop3A_798] : memref<8192xf32, #tpu.memory_space<vmem>>[vector<16xi32>], vector<16xf32>,
      %parallel_loop3A_800 = arith.constant 3 : i32
      %parallel_loop3A_801 = arith.shrsi %parallel_loop3A_785, %parallel_loop3A_800 : i32
      %parallel_loop3A_802 = arith.constant 7 : i32
      %parallel_loop3A_803 = arith.andi %parallel_loop3A_785, %parallel_loop3A_802 : i32
      %parallel_loop3A_804 = arith.index_cast %parallel_loop3A_801 : i32 to index
      %parallel_loop3A_805 = arith.index_cast %parallel_loop3A_789 : i32 to index
      %parallel_loop3A_806 = arith.index_cast %parallel_loop3A_803 : i32 to index
      %parallel_loop3A_807 = arith.index_cast %parallel_loop3A_793 : i32 to index
      %parallel_loop3A_808 = tpu.vector_load %arg11[%parallel_loop3A_804, %parallel_loop3A_805, %parallel_loop3A_806, %parallel_loop3A_807] {strides = array<i32>} : memref<4x8x8x128xf32, #tpu.memory_space<vmem>>, vector<16xf32>,
      tpu.vector_store %arg11[%parallel_loop3A_804, %parallel_loop3A_805, %parallel_loop3A_806, %parallel_loop3A_807], %parallel_loop3A_799 {strides = array<i32>} : memref<4x8x8x128xf32, #tpu.memory_space<vmem>>, vector<16xf32>,
    } {sc.loop_unroll_factor = 8 : i64, sc.parallel_access}
    %dma_start3A_57 = arith.constant 0 : i32
    %dma_start3A_58 = arith.constant 0 : i32
    %dma_start3A_59 = arith.constant 0 : i32
    %dma_start3A_60 = arith.constant 0 : i32
    %dma_start3A_61 = tpu.memref_slice %arg6[%select_n3A, %add3A_44, %dma_start3A_57, %dma_start3A_58, %dma_start3A_59, %dma_start3A_60] : memref<4x131x4x8x8x128xf32, #tpu.memory_space<hbm>> -> memref<1x1x4x8x8x128xf32, #tpu.memory_space<hbm>>
    %dma_start3A_62 = tpu.memref_squeeze %dma_start3A_61 : memref<1x1x4x8x8x128xf32, #tpu.memory_space<hbm>> -> memref<4x8x8x128xf32, #tpu.memory_space<hbm>>
    %dma_start3A_63 = arith.constant 0 : i32
    %dma_start3A_64 = arith.constant 0 : i32
    %dma_start3A_65 = arith.constant 0 : i32
    %dma_start3A_66 = arith.constant 0 : i32
    %dma_start3A_67 = tpu.memref_slice %arg6[%select_n3A, %add3A_44, %dma_start3A_63, %dma_start3A_64, %dma_start3A_65, %dma_start3A_66] : memref<4x131x4x8x8x128xf32, #tpu.memory_space<hbm>> -> memref<1x1x4x8x8x128xf32, #tpu.memory_space<hbm>>
    %dma_start3A_68 = tpu.memref_squeeze %dma_start3A_67 : memref<1x1x4x8x8x128xf32, #tpu.memory_space<hbm>> -> memref<4x8x8x128xf32, #tpu.memory_space<hbm>>
    tpu.enqueue_dma source(%arg11 : memref<4x8x8x128xf32, #tpu.memory_space<vmem>>) target(%dma_start3A_68 : memref<4x8x8x128xf32, #tpu.memory_space<hbm>>) target_semaphore(%arg14 : memref<!tpu.dma_semaphore, #tpu.memory_space<semaphore_mem>>)
    %dma_wait3A_69 = arith.constant 0 : i32
    %dma_wait3A_70 = tpu.memref_slice %arg3[%select_n3A, %sub3A_48, %dma_wait3A_69] : memref<4x128x8192xf32, #tpu.memory_space<hbm>> -> memref<1x1x8192xf32, #tpu.memory_space<hbm>>
    %dma_wait3A_71 = tpu.memref_squeeze %dma_wait3A_70 : memref<1x1x8192xf32, #tpu.memory_space<hbm>> -> memref<8192xf32, #tpu.memory_space<hbm>>
    %dma_wait3A_72 = arith.constant 0 : i32
    %dma_wait3A_73 = tpu.memref_slice %arg3[%select_n3A, %sub3A_48, %dma_wait3A_72] : memref<4x128x8192xf32, #tpu.memory_space<hbm>> -> memref<1x1x8192xf32, #tpu.memory_space<hbm>>
    %dma_wait3A_74 = tpu.memref_squeeze %dma_wait3A_73 : memref<1x1x8192xf32, #tpu.memory_space<hbm>> -> memref<8192xf32, #tpu.memory_space<hbm>>
    tpu.wait_dma2 semaphore(%arg13 : memref<!tpu.dma_semaphore, #tpu.memory_space<semaphore_mem>>) src(%dma_wait3A_74 : memref<8192xf32, #tpu.memory_space<hbm>>) dst(%arg9 : memref<8192xf32, #tpu.memory_space<vmem>>)
    %add3A_75 = arith.constant 3 : i32
    %add3A_76 = arith.addi %add3A_75, %select_n3A_30 : i32
    %add3A_77 = arith.constant 8 : i32
    %add3A_78 = arith.addi %add3A_76, %add3A_77 : i32
    %add3A_79 = arith.constant 8 : i32
    %add3A_80 = arith.addi %add3A_78, %add3A_79 : i32
    %sub3A_81 = arith.constant 3 : i32
    %sub3A_82 = arith.subi %add3A_80, %sub3A_81 : i32
    %dma_start3A_83 = arith.constant 0 : i32
    %dma_start3A_84 = tpu.memref_slice %arg3[%select_n3A, %sub3A_82, %dma_start3A_83] : memref<4x128x8192xf32, #tpu.memory_space<hbm>> -> memref<1x1x8192xf32, #tpu.memory_space<hbm>>
    %dma_start3A_85 = tpu.memref_squeeze %dma_start3A_84 : memref<1x1x8192xf32, #tpu.memory_space<hbm>> -> memref<8192xf32, #tpu.memory_space<hbm>>
    %dma_start3A_86 = arith.constant 0 : i32
    %dma_start3A_87 = tpu.memref_slice %arg3[%select_n3A, %sub3A_82, %dma_start3A_86] : memref<4x128x8192xf32, #tpu.memory_space<hbm>> -> memref<1x1x8192xf32, #tpu.memory_space<hbm>>
    %dma_start3A_88 = tpu.memref_squeeze %dma_start3A_87 : memref<1x1x8192xf32, #tpu.memory_space<hbm>> -> memref<8192xf32, #tpu.memory_space<hbm>>
    tpu.enqueue_dma source(%dma_start3A_88 : memref<8192xf32, #tpu.memory_space<hbm>>) target(%arg8 : memref<8192xf32, #tpu.memory_space<vmem>>) target_semaphore(%arg13 : memref<!tpu.dma_semaphore, #tpu.memory_space<semaphore_mem>>)
    %parallel_loop3A_89 = arith.constant 0 : i32
    %parallel_loop3A_90 = arith.constant 2048 : i32
    %parallel_loop3A_91 = arith.constant 1 : i32
    scf.for %parallel_loop3A_783 = %parallel_loop3A_89 to %parallel_loop3A_90 step %parallel_loop3A_91  : i32 {
      %parallel_loop3A_784 = arith.constant 6 : i32
      %parallel_loop3A_785 = arith.shrsi %parallel_loop3A_783, %parallel_loop3A_784 : i32
      %parallel_loop3A_786 = arith.constant 63 : i32
      %parallel_loop3A_787 = arith.andi %parallel_loop3A_783, %parallel_loop3A_786 : i32
      %parallel_loop3A_788 = arith.constant 3 : i32
      %parallel_loop3A_789 = arith.shrsi %parallel_loop3A_787, %parallel_loop3A_788 : i32
      %parallel_loop3A_790 = arith.constant 7 : i32
      %parallel_loop3A_791 = arith.andi %parallel_loop3A_787, %parallel_loop3A_790 : i32
      %parallel_loop3A_792 = arith.constant 16 : i32
      %parallel_loop3A_793 = arith.muli %parallel_loop3A_791, %parallel_loop3A_792 : i32
      %parallel_loop3A_794 = arith.constant 16 : i32
      %parallel_loop3A_795 = arith.muli %parallel_loop3A_787, %parallel_loop3A_794 : i32
      %parallel_loop3A_796 = arith.index_cast %parallel_loop3A_785 : i32 to index
      %parallel_loop3A_797 = arith.index_cast %parallel_loop3A_795 : i32 to index
      %parallel_loop3A_798 = tpu.vector_load %arg7[%parallel_loop3A_796, %parallel_loop3A_797] {strides = array<i32>} : memref<32x1024xi32, #tpu.memory_space<vmem>>, vector<16xi32>,
      %parallel_loop3A_799 = tpu.vector_load_idx %arg9[%parallel_loop3A_798] : memref<8192xf32, #tpu.memory_space<vmem>>[vector<16xi32>], vector<16xf32>,
      %parallel_loop3A_800 = arith.constant 3 : i32
      %parallel_loop3A_801 = arith.shrsi %parallel_loop3A_785, %parallel_loop3A_800 : i32
      %parallel_loop3A_802 = arith.constant 7 : i32
      %parallel_loop3A_803 = arith.andi %parallel_loop3A_785, %parallel_loop3A_802 : i32
      %parallel_loop3A_804 = arith.index_cast %parallel_loop3A_801 : i32 to index
      %parallel_loop3A_805 = arith.index_cast %parallel_loop3A_789 : i32 to index
      %parallel_loop3A_806 = arith.index_cast %parallel_loop3A_803 : i32 to index
      %parallel_loop3A_807 = arith.index_cast %parallel_loop3A_793 : i32 to index
      %parallel_loop3A_808 = tpu.vector_load %arg12[%parallel_loop3A_804, %parallel_loop3A_805, %parallel_loop3A_806, %parallel_loop3A_807] {strides = array<i32>} : memref<4x8x8x128xf32, #tpu.memory_space<vmem>>, vector<16xf32>,
      tpu.vector_store %arg12[%parallel_loop3A_804, %parallel_loop3A_805, %parallel_loop3A_806, %parallel_loop3A_807], %parallel_loop3A_799 {strides = array<i32>} : memref<4x8x8x128xf32, #tpu.memory_space<vmem>>, vector<16xf32>,
    } {sc.loop_unroll_factor = 8 : i64, sc.parallel_access}
    %dma_start3A_92 = arith.constant 0 : i32
    %dma_start3A_93 = arith.constant 0 : i32
    %dma_start3A_94 = arith.constant 0 : i32
    %dma_start3A_95 = arith.constant 0 : i32
    %dma_start3A_96 = tpu.memref_slice %arg6[%select_n3A, %add3A_78, %dma_start3A_92, %dma_start3A_93, %dma_start3A_94, %dma_start3A_95] : memref<4x131x4x8x8x128xf32, #tpu.memory_space<hbm>> -> memref<1x1x4x8x8x128xf32, #tpu.memory_space<hbm>>
    %dma_start3A_97 = tpu.memref_squeeze %dma_start3A_96 : memref<1x1x4x8x8x128xf32, #tpu.memory_space<hbm>> -> memref<4x8x8x128xf32, #tpu.memory_space<hbm>>
    %dma_start3A_98 = arith.constant 0 : i32
    %dma_start3A_99 = arith.constant 0 : i32
    %dma_start3A_100 = arith.constant 0 : i32
    %dma_start3A_101 = arith.constant 0 : i32
    %dma_start3A_102 = tpu.memref_slice %arg6[%select_n3A, %add3A_78, %dma_start3A_98, %dma_start3A_99, %dma_start3A_100, %dma_start3A_101] : memref<4x131x4x8x8x128xf32, #tpu.memory_space<hbm>> -> memref<1x1x4x8x8x128xf32, #tpu.memory_space<hbm>>
    %dma_start3A_103 = tpu.memref_squeeze %dma_start3A_102 : memref<1x1x4x8x8x128xf32, #tpu.memory_space<hbm>> -> memref<4x8x8x128xf32, #tpu.memory_space<hbm>>
    tpu.enqueue_dma source(%arg12 : memref<4x8x8x128xf32, #tpu.memory_space<vmem>>) target(%dma_start3A_103 : memref<4x8x8x128xf32, #tpu.memory_space<hbm>>) target_semaphore(%arg15 : memref<!tpu.dma_semaphore, #tpu.memory_space<semaphore_mem>>)
    %dma_wait3A_104 = arith.constant 0 : i32
    %dma_wait3A_105 = tpu.memref_slice %arg3[%select_n3A, %sub3A_82, %dma_wait3A_104] : memref<4x128x8192xf32, #tpu.memory_space<hbm>> -> memref<1x1x8192xf32, #tpu.memory_space<hbm>>
    %dma_wait3A_106 = tpu.memref_squeeze %dma_wait3A_105 : memref<1x1x8192xf32, #tpu.memory_space<hbm>> -> memref<8192xf32, #tpu.memory_space<hbm>>
    %dma_wait3A_107 = arith.constant 0 : i32
    %dma_wait3A_108 = tpu.memref_slice %arg3[%select_n3A, %sub3A_82, %dma_wait3A_107] : memref<4x128x8192xf32, #tpu.memory_space<hbm>> -> memref<1x1x8192xf32, #tpu.memory_space<hbm>>
    %dma_wait3A_109 = tpu.memref_squeeze %dma_wait3A_108 : memref<1x1x8192xf32, #tpu.memory_space<hbm>> -> memref<8192xf32, #tpu.memory_space<hbm>>
    tpu.wait_dma2 semaphore(%arg13 : memref<!tpu.dma_semaphore, #tpu.memory_space<semaphore_mem>>) src(%dma_wait3A_109 : memref<8192xf32, #tpu.memory_space<hbm>>) dst(%arg8 : memref<8192xf32, #tpu.memory_space<vmem>>)
    %add3A_110 = arith.constant 3 : i32
    %add3A_111 = arith.addi %add3A_110, %select_n3A_30 : i32
    %add3A_112 = arith.constant 16 : i32
    %add3A_113 = arith.addi %add3A_111, %add3A_112 : i32
    %add3A_114 = arith.constant 8 : i32
    %add3A_115 = arith.addi %add3A_113, %add3A_114 : i32
    %sub3A_116 = arith.constant 3 : i32
    %sub3A_117 = arith.subi %add3A_115, %sub3A_116 : i32
    %dma_start3A_118 = arith.constant 0 : i32
    %dma_start3A_119 = tpu.memref_slice %arg3[%select_n3A, %sub3A_117, %dma_start3A_118] : memref<4x128x8192xf32, #tpu.memory_space<hbm>> -> memref<1x1x8192xf32, #tpu.memory_space<hbm>>
    %dma_start3A_120 = tpu.memref_squeeze %dma_start3A_119 : memref<1x1x8192xf32, #tpu.memory_space<hbm>> -> memref<8192xf32, #tpu.memory_space<hbm>>
    %dma_start3A_121 = arith.constant 0 : i32
    %dma_start3A_122 = tpu.memref_slice %arg3[%select_n3A, %sub3A_117, %dma_start3A_121] : memref<4x128x8192xf32, #tpu.memory_space<hbm>> -> memref<1x1x8192xf32, #tpu.memory_space<hbm>>
    %dma_start3A_123 = tpu.memref_squeeze %dma_start3A_122 : memref<1x1x8192xf32, #tpu.memory_space<hbm>> -> memref<8192xf32, #tpu.memory_space<hbm>>
    tpu.enqueue_dma source(%dma_start3A_123 : memref<8192xf32, #tpu.memory_space<hbm>>) target(%arg9 : memref<8192xf32, #tpu.memory_space<vmem>>) target_semaphore(%arg13 : memref<!tpu.dma_semaphore, #tpu.memory_space<semaphore_mem>>)
    %dma_wait3A_124 = arith.constant 0 : i32
    %dma_wait3A_125 = arith.constant 0 : i32
    %dma_wait3A_126 = arith.constant 0 : i32
    %dma_wait3A_127 = arith.constant 0 : i32
    %dma_wait3A_128 = tpu.memref_slice %arg6[%select_n3A, %add3A_113, %dma_wait3A_124, %dma_wait3A_125, %dma_wait3A_126, %dma_wait3A_127] : memref<4x131x4x8x8x128xf32, #tpu.memory_space<hbm>> -> memref<1x1x4x8x8x128xf32, #tpu.memory_space<hbm>>
    %dma_wait3A_129 = tpu.memref_squeeze %dma_wait3A_128 : memref<1x1x4x8x8x128xf32, #tpu.memory_space<hbm>> -> memref<4x8x8x128xf32, #tpu.memory_space<hbm>>
    %dma_wait3A_130 = arith.constant 0 : i32
    %dma_wait3A_131 = arith.constant 0 : i32
    %dma_wait3A_132 = arith.constant 0 : i32
    %dma_wait3A_133 = arith.constant 0 : i32
    %dma_wait3A_134 = tpu.memref_slice %arg6[%select_n3A, %add3A_113, %dma_wait3A_130, %dma_wait3A_131, %dma_wait3A_132, %dma_wait3A_133] : memref<4x131x4x8x8x128xf32, #tpu.memory_space<hbm>> -> memref<1x1x4x8x8x128xf32, #tpu.memory_space<hbm>>
    %dma_wait3A_135 = tpu.memref_squeeze %dma_wait3A_134 : memref<1x1x4x8x8x128xf32, #tpu.memory_space<hbm>> -> memref<4x8x8x128xf32, #tpu.memory_space<hbm>>
    tpu.wait_dma2 semaphore(%arg14 : memref<!tpu.dma_semaphore, #tpu.memory_space<semaphore_mem>>) src(%arg11 : memref<4x8x8x128xf32, #tpu.memory_space<vmem>>) dst(%dma_wait3A_135 : memref<4x8x8x128xf32, #tpu.memory_space<hbm>>)
    %parallel_loop3A_136 = arith.constant 0 : i32
    %parallel_loop3A_137 = arith.constant 2048 : i32
    %parallel_loop3A_138 = arith.constant 1 : i32
    scf.for %parallel_loop3A_783 = %parallel_loop3A_136 to %parallel_loop3A_137 step %parallel_loop3A_138  : i32 {
      %parallel_loop3A_784 = arith.constant 6 : i32
      %parallel_loop3A_785 = arith.shrsi %parallel_loop3A_783, %parallel_loop3A_784 : i32
      %parallel_loop3A_786 = arith.constant 63 : i32
      %parallel_loop3A_787 = arith.andi %parallel_loop3A_783, %parallel_loop3A_786 : i32
      %parallel_loop3A_788 = arith.constant 3 : i32
      %parallel_loop3A_789 = arith.shrsi %parallel_loop3A_787, %parallel_loop3A_788 : i32
      %parallel_loop3A_790 = arith.constant 7 : i32
      %parallel_loop3A_791 = arith.andi %parallel_loop3A_787, %parallel_loop3A_790 : i32
      %parallel_loop3A_792 = arith.constant 16 : i32
      %parallel_loop3A_793 = arith.muli %parallel_loop3A_791, %parallel_loop3A_792 : i32
      %parallel_loop3A_794 = arith.constant 16 : i32
      %parallel_loop3A_795 = arith.muli %parallel_loop3A_787, %parallel_loop3A_794 : i32
      %parallel_loop3A_796 = arith.index_cast %parallel_loop3A_785 : i32 to index
      %parallel_loop3A_797 = arith.index_cast %parallel_loop3A_795 : i32 to index
      %parallel_loop3A_798 = tpu.vector_load %arg7[%parallel_loop3A_796, %parallel_loop3A_797] {strides = array<i32>} : memref<32x1024xi32, #tpu.memory_space<vmem>>, vector<16xi32>,
      %parallel_loop3A_799 = tpu.vector_load_idx %arg8[%parallel_loop3A_798] : memref<8192xf32, #tpu.memory_space<vmem>>[vector<16xi32>], vector<16xf32>,
      %parallel_loop3A_800 = arith.constant 3 : i32
      %parallel_loop3A_801 = arith.shrsi %parallel_loop3A_785, %parallel_loop3A_800 : i32
      %parallel_loop3A_802 = arith.constant 7 : i32
      %parallel_loop3A_803 = arith.andi %parallel_loop3A_785, %parallel_loop3A_802 : i32
      %parallel_loop3A_804 = arith.index_cast %parallel_loop3A_801 : i32 to index
      %parallel_loop3A_805 = arith.index_cast %parallel_loop3A_789 : i32 to index
      %parallel_loop3A_806 = arith.index_cast %parallel_loop3A_803 : i32 to index
      %parallel_loop3A_807 = arith.index_cast %parallel_loop3A_793 : i32 to index
      %parallel_loop3A_808 = tpu.vector_load %arg11[%parallel_loop3A_804, %parallel_loop3A_805, %parallel_loop3A_806, %parallel_loop3A_807] {strides = array<i32>} : memref<4x8x8x128xf32, #tpu.memory_space<vmem>>, vector<16xf32>,
      tpu.vector_store %arg11[%parallel_loop3A_804, %parallel_loop3A_805, %parallel_loop3A_806, %parallel_loop3A_807], %parallel_loop3A_799 {strides = array<i32>} : memref<4x8x8x128xf32, #tpu.memory_space<vmem>>, vector<16xf32>,
    } {sc.loop_unroll_factor = 8 : i64, sc.parallel_access}
    %dma_start3A_139 = arith.constant 0 : i32
    %dma_start3A_140 = arith.constant 0 : i32
    %dma_start3A_141 = arith.constant 0 : i32
    %dma_start3A_142 = arith.constant 0 : i32
    %dma_start3A_143 = tpu.memref_slice %arg6[%select_n3A, %add3A_113, %dma_start3A_139, %dma_start3A_140, %dma_start3A_141, %dma_start3A_142] : memref<4x131x4x8x8x128xf32, #tpu.memory_space<hbm>> -> memref<1x1x4x8x8x128xf32, #tpu.memory_space<hbm>>
    %dma_start3A_144 = tpu.memref_squeeze %dma_start3A_143 : memref<1x1x4x8x8x128xf32, #tpu.memory_space<hbm>> -> memref<4x8x8x128xf32, #tpu.memory_space<hbm>>
    %dma_start3A_145 = arith.constant 0 : i32
    %dma_start3A_146 = arith.constant 0 : i32
    %dma_start3A_147 = arith.constant 0 : i32
    %dma_start3A_148 = arith.constant 0 : i32
    %dma_start3A_149 = tpu.memref_slice %arg6[%select_n3A, %add3A_113, %dma_start3A_145, %dma_start3A_146, %dma_start3A_147, %dma_start3A_148] : memref<4x131x4x8x8x128xf32, #tpu.memory_space<hbm>> -> memref<1x1x4x8x8x128xf32, #tpu.memory_space<hbm>>
    %dma_start3A_150 = tpu.memref_squeeze %dma_start3A_149 : memref<1x1x4x8x8x128xf32, #tpu.memory_space<hbm>> -> memref<4x8x8x128xf32, #tpu.memory_space<hbm>>
    tpu.enqueue_dma source(%arg11 : memref<4x8x8x128xf32, #tpu.memory_space<vmem>>) target(%dma_start3A_150 : memref<4x8x8x128xf32, #tpu.memory_space<hbm>>) target_semaphore(%arg14 : memref<!tpu.dma_semaphore, #tpu.memory_space<semaphore_mem>>)
    %dma_wait3A_151 = arith.constant 0 : i32
    %dma_wait3A_152 = tpu.memref_slice %arg3[%select_n3A, %sub3A_117, %dma_wait3A_151] : memref<4x128x8192xf32, #tpu.memory_space<hbm>> -> memref<1x1x8192xf32, #tpu.memory_space<hbm>>
    %dma_wait3A_153 = tpu.memref_squeeze %dma_wait3A_152 : memref<1x1x8192xf32, #tpu.memory_space<hbm>> -> memref<8192xf32, #tpu.memory_space<hbm>>
    %dma_wait3A_154 = arith.constant 0 : i32
    %dma_wait3A_155 = tpu.memref_slice %arg3[%select_n3A, %sub3A_117, %dma_wait3A_154] : memref<4x128x8192xf32, #tpu.memory_space<hbm>> -> memref<1x1x8192xf32, #tpu.memory_space<hbm>>
    %dma_wait3A_156 = tpu.memref_squeeze %dma_wait3A_155 : memref<1x1x8192xf32, #tpu.memory_space<hbm>> -> memref<8192xf32, #tpu.memory_space<hbm>>
    tpu.wait_dma2 semaphore(%arg13 : memref<!tpu.dma_semaphore, #tpu.memory_space<semaphore_mem>>) src(%dma_wait3A_156 : memref<8192xf32, #tpu.memory_space<hbm>>) dst(%arg9 : memref<8192xf32, #tpu.memory_space<vmem>>)
    %add3A_157 = arith.constant 3 : i32
    %add3A_158 = arith.addi %add3A_157, %select_n3A_30 : i32
    %add3A_159 = arith.constant 24 : i32
    %add3A_160 = arith.addi %add3A_158, %add3A_159 : i32
    %add3A_161 = arith.constant 8 : i32
    %add3A_162 = arith.addi %add3A_160, %add3A_161 : i32
    %sub3A_163 = arith.constant 3 : i32
    %sub3A_164 = arith.subi %add3A_162, %sub3A_163 : i32
    %dma_start3A_165 = arith.constant 0 : i32
    %dma_start3A_166 = tpu.memref_slice %arg3[%select_n3A, %sub3A_164, %dma_start3A_165] : memref<4x128x8192xf32, #tpu.memory_space<hbm>> -> memref<1x1x8192xf32, #tpu.memory_space<hbm>>
    %dma_start3A_167 = tpu.memref_squeeze %dma_start3A_166 : memref<1x1x8192xf32, #tpu.memory_space<hbm>> -> memref<8192xf32, #tpu.memory_space<hbm>>
    %dma_start3A_168 = arith.constant 0 : i32
    %dma_start3A_169 = tpu.memref_slice %arg3[%select_n3A, %sub3A_164, %dma_start3A_168] : memref<4x128x8192xf32, #tpu.memory_space<hbm>> -> memref<1x1x8192xf32, #tpu.memory_space<hbm>>
    %dma_start3A_170 = tpu.memref_squeeze %dma_start3A_169 : memref<1x1x8192xf32, #tpu.memory_space<hbm>> -> memref<8192xf32, #tpu.memory_space<hbm>>
    tpu.enqueue_dma source(%dma_start3A_170 : memref<8192xf32, #tpu.memory_space<hbm>>) target(%arg8 : memref<8192xf32, #tpu.memory_space<vmem>>) target_semaphore(%arg13 : memref<!tpu.dma_semaphore, #tpu.memory_space<semaphore_mem>>)
    %dma_wait3A_171 = arith.constant 0 : i32
    %dma_wait3A_172 = arith.constant 0 : i32
    %dma_wait3A_173 = arith.constant 0 : i32
    %dma_wait3A_174 = arith.constant 0 : i32
    %dma_wait3A_175 = tpu.memref_slice %arg6[%select_n3A, %add3A_160, %dma_wait3A_171, %dma_wait3A_172, %dma_wait3A_173, %dma_wait3A_174] : memref<4x131x4x8x8x128xf32, #tpu.memory_space<hbm>> -> memref<1x1x4x8x8x128xf32, #tpu.memory_space<hbm>>
    %dma_wait3A_176 = tpu.memref_squeeze %dma_wait3A_175 : memref<1x1x4x8x8x128xf32, #tpu.memory_space<hbm>> -> memref<4x8x8x128xf32, #tpu.memory_space<hbm>>
    %dma_wait3A_177 = arith.constant 0 : i32
    %dma_wait3A_178 = arith.constant 0 : i32
    %dma_wait3A_179 = arith.constant 0 : i32
    %dma_wait3A_180 = arith.constant 0 : i32
    %dma_wait3A_181 = tpu.memref_slice %arg6[%select_n3A, %add3A_160, %dma_wait3A_177, %dma_wait3A_178, %dma_wait3A_179, %dma_wait3A_180] : memref<4x131x4x8x8x128xf32, #tpu.memory_space<hbm>> -> memref<1x1x4x8x8x128xf32, #tpu.memory_space<hbm>>
    %dma_wait3A_182 = tpu.memref_squeeze %dma_wait3A_181 : memref<1x1x4x8x8x128xf32, #tpu.memory_space<hbm>> -> memref<4x8x8x128xf32, #tpu.memory_space<hbm>>
    tpu.wait_dma2 semaphore(%arg15 : memref<!tpu.dma_semaphore, #tpu.memory_space<semaphore_mem>>) src(%arg12 : memref<4x8x8x128xf32, #tpu.memory_space<vmem>>) dst(%dma_wait3A_182 : memref<4x8x8x128xf32, #tpu.memory_space<hbm>>)
    %parallel_loop3A_183 = arith.constant 0 : i32
    %parallel_loop3A_184 = arith.constant 2048 : i32
    %parallel_loop3A_185 = arith.constant 1 : i32
    scf.for %parallel_loop3A_783 = %parallel_loop3A_183 to %parallel_loop3A_184 step %parallel_loop3A_185  : i32 {
      %parallel_loop3A_784 = arith.constant 6 : i32
      %parallel_loop3A_785 = arith.shrsi %parallel_loop3A_783, %parallel_loop3A_784 : i32
      %parallel_loop3A_786 = arith.constant 63 : i32
      %parallel_loop3A_787 = arith.andi %parallel_loop3A_783, %parallel_loop3A_786 : i32
      %parallel_loop3A_788 = arith.constant 3 : i32
      %parallel_loop3A_789 = arith.shrsi %parallel_loop3A_787, %parallel_loop3A_788 : i32
      %parallel_loop3A_790 = arith.constant 7 : i32
      %parallel_loop3A_791 = arith.andi %parallel_loop3A_787, %parallel_loop3A_790 : i32
      %parallel_loop3A_792 = arith.constant 16 : i32
      %parallel_loop3A_793 = arith.muli %parallel_loop3A_791, %parallel_loop3A_792 : i32
      %parallel_loop3A_794 = arith.constant 16 : i32
      %parallel_loop3A_795 = arith.muli %parallel_loop3A_787, %parallel_loop3A_794 : i32
      %parallel_loop3A_796 = arith.index_cast %parallel_loop3A_785 : i32 to index
      %parallel_loop3A_797 = arith.index_cast %parallel_loop3A_795 : i32 to index
      %parallel_loop3A_798 = tpu.vector_load %arg7[%parallel_loop3A_796, %parallel_loop3A_797] {strides = array<i32>} : memref<32x1024xi32, #tpu.memory_space<vmem>>, vector<16xi32>,
      %parallel_loop3A_799 = tpu.vector_load_idx %arg9[%parallel_loop3A_798] : memref<8192xf32, #tpu.memory_space<vmem>>[vector<16xi32>], vector<16xf32>,
      %parallel_loop3A_800 = arith.constant 3 : i32
      %parallel_loop3A_801 = arith.shrsi %parallel_loop3A_785, %parallel_loop3A_800 : i32
      %parallel_loop3A_802 = arith.constant 7 : i32
      %parallel_loop3A_803 = arith.andi %parallel_loop3A_785, %parallel_loop3A_802 : i32
      %parallel_loop3A_804 = arith.index_cast %parallel_loop3A_801 : i32 to index
      %parallel_loop3A_805 = arith.index_cast %parallel_loop3A_789 : i32 to index
      %parallel_loop3A_806 = arith.index_cast %parallel_loop3A_803 : i32 to index
      %parallel_loop3A_807 = arith.index_cast %parallel_loop3A_793 : i32 to index
      %parallel_loop3A_808 = tpu.vector_load %arg12[%parallel_loop3A_804, %parallel_loop3A_805, %parallel_loop3A_806, %parallel_loop3A_807] {strides = array<i32>} : memref<4x8x8x128xf32, #tpu.memory_space<vmem>>, vector<16xf32>,
      tpu.vector_store %arg12[%parallel_loop3A_804, %parallel_loop3A_805, %parallel_loop3A_806, %parallel_loop3A_807], %parallel_loop3A_799 {strides = array<i32>} : memref<4x8x8x128xf32, #tpu.memory_space<vmem>>, vector<16xf32>,
    } {sc.loop_unroll_factor = 8 : i64, sc.parallel_access}
    %dma_start3A_186 = arith.constant 0 : i32
    %dma_start3A_187 = arith.constant 0 : i32
    %dma_start3A_188 = arith.constant 0 : i32
    %dma_start3A_189 = arith.constant 0 : i32
    %dma_start3A_190 = tpu.memref_slice %arg6[%select_n3A, %add3A_160, %dma_start3A_186, %dma_start3A_187, %dma_start3A_188, %dma_start3A_189] : memref<4x131x4x8x8x128xf32, #tpu.memory_space<hbm>> -> memref<1x1x4x8x8x128xf32, #tpu.memory_space<hbm>>
    %dma_start3A_191 = tpu.memref_squeeze %dma_start3A_190 : memref<1x1x4x8x8x128xf32, #tpu.memory_space<hbm>> -> memref<4x8x8x128xf32, #tpu.memory_space<hbm>>
    %dma_start3A_192 = arith.constant 0 : i32
    %dma_start3A_193 = arith.constant 0 : i32
    %dma_start3A_194 = arith.constant 0 : i32
    %dma_start3A_195 = arith.constant 0 : i32
    %dma_start3A_196 = tpu.memref_slice %arg6[%select_n3A, %add3A_160, %dma_start3A_192, %dma_start3A_193, %dma_start3A_194, %dma_start3A_195] : memref<4x131x4x8x8x128xf32, #tpu.memory_space<hbm>> -> memref<1x1x4x8x8x128xf32, #tpu.memory_space<hbm>>
    %dma_start3A_197 = tpu.memref_squeeze %dma_start3A_196 : memref<1x1x4x8x8x128xf32, #tpu.memory_space<hbm>> -> memref<4x8x8x128xf32, #tpu.memory_space<hbm>>
    tpu.enqueue_dma source(%arg12 : memref<4x8x8x128xf32, #tpu.memory_space<vmem>>) target(%dma_start3A_197 : memref<4x8x8x128xf32, #tpu.memory_space<hbm>>) target_semaphore(%arg15 : memref<!tpu.dma_semaphore, #tpu.memory_space<semaphore_mem>>)
    %dma_wait3A_198 = arith.constant 0 : i32
    %dma_wait3A_199 = tpu.memref_slice %arg3[%select_n3A, %sub3A_164, %dma_wait3A_198] : memref<4x128x8192xf32, #tpu.memory_space<hbm>> -> memref<1x1x8192xf32, #tpu.memory_space<hbm>>
    %dma_wait3A_200 = tpu.memref_squeeze %dma_wait3A_199 : memref<1x1x8192xf32, #tpu.memory_space<hbm>> -> memref<8192xf32, #tpu.memory_space<hbm>>
    %dma_wait3A_201 = arith.constant 0 : i32
    %dma_wait3A_202 = tpu.memref_slice %arg3[%select_n3A, %sub3A_164, %dma_wait3A_201] : memref<4x128x8192xf32, #tpu.memory_space<hbm>> -> memref<1x1x8192xf32, #tpu.memory_space<hbm>>
    %dma_wait3A_203 = tpu.memref_squeeze %dma_wait3A_202 : memref<1x1x8192xf32, #tpu.memory_space<hbm>> -> memref<8192xf32, #tpu.memory_space<hbm>>
    tpu.wait_dma2 semaphore(%arg13 : memref<!tpu.dma_semaphore, #tpu.memory_space<semaphore_mem>>) src(%dma_wait3A_203 : memref<8192xf32, #tpu.memory_space<hbm>>) dst(%arg8 : memref<8192xf32, #tpu.memory_space<vmem>>)
    %add3A_204 = arith.constant 3 : i32
    %add3A_205 = arith.addi %add3A_204, %select_n3A_30 : i32
    %add3A_206 = arith.constant 32 : i32
    %add3A_207 = arith.addi %add3A_205, %add3A_206 : i32
    %add3A_208 = arith.constant 8 : i32
    %add3A_209 = arith.addi %add3A_207, %add3A_208 : i32
    %sub3A_210 = arith.constant 3 : i32
    %sub3A_211 = arith.subi %add3A_209, %sub3A_210 : i32
    %dma_start3A_212 = arith.constant 0 : i32
    %dma_start3A_213 = tpu.memref_slice %arg3[%select_n3A, %sub3A_211, %dma_start3A_212] : memref<4x128x8192xf32, #tpu.memory_space<hbm>> -> memref<1x1x8192xf32, #tpu.memory_space<hbm>>
    %dma_start3A_214 = tpu.memref_squeeze %dma_start3A_213 : memref<1x1x8192xf32, #tpu.memory_space<hbm>> -> memref<8192xf32, #tpu.memory_space<hbm>>
    %dma_start3A_215 = arith.constant 0 : i32
    %dma_start3A_216 = tpu.memref_slice %arg3[%select_n3A, %sub3A_211, %dma_start3A_215] : memref<4x128x8192xf32, #tpu.memory_space<hbm>> -> memref<1x1x8192xf32, #tpu.memory_space<hbm>>
    %dma_start3A_217 = tpu.memref_squeeze %dma_start3A_216 : memref<1x1x8192xf32, #tpu.memory_space<hbm>> -> memref<8192xf32, #tpu.memory_space<hbm>>
    tpu.enqueue_dma source(%dma_start3A_217 : memref<8192xf32, #tpu.memory_space<hbm>>) target(%arg9 : memref<8192xf32, #tpu.memory_space<vmem>>) target_semaphore(%arg13 : memref<!tpu.dma_semaphore, #tpu.memory_space<semaphore_mem>>)
    %dma_wait3A_218 = arith.constant 0 : i32
    %dma_wait3A_219 = arith.constant 0 : i32
    %dma_wait3A_220 = arith.constant 0 : i32
    %dma_wait3A_221 = arith.constant 0 : i32
    %dma_wait3A_222 = tpu.memref_slice %arg6[%select_n3A, %add3A_207, %dma_wait3A_218, %dma_wait3A_219, %dma_wait3A_220, %dma_wait3A_221] : memref<4x131x4x8x8x128xf32, #tpu.memory_space<hbm>> -> memref<1x1x4x8x8x128xf32, #tpu.memory_space<hbm>>
    %dma_wait3A_223 = tpu.memref_squeeze %dma_wait3A_222 : memref<1x1x4x8x8x128xf32, #tpu.memory_space<hbm>> -> memref<4x8x8x128xf32, #tpu.memory_space<hbm>>
    %dma_wait3A_224 = arith.constant 0 : i32
    %dma_wait3A_225 = arith.constant 0 : i32
    %dma_wait3A_226 = arith.constant 0 : i32
    %dma_wait3A_227 = arith.constant 0 : i32
    %dma_wait3A_228 = tpu.memref_slice %arg6[%select_n3A, %add3A_207, %dma_wait3A_224, %dma_wait3A_225, %dma_wait3A_226, %dma_wait3A_227] : memref<4x131x4x8x8x128xf32, #tpu.memory_space<hbm>> -> memref<1x1x4x8x8x128xf32, #tpu.memory_space<hbm>>
    %dma_wait3A_229 = tpu.memref_squeeze %dma_wait3A_228 : memref<1x1x4x8x8x128xf32, #tpu.memory_space<hbm>> -> memref<4x8x8x128xf32, #tpu.memory_space<hbm>>
    tpu.wait_dma2 semaphore(%arg14 : memref<!tpu.dma_semaphore, #tpu.memory_space<semaphore_mem>>) src(%arg11 : memref<4x8x8x128xf32, #tpu.memory_space<vmem>>) dst(%dma_wait3A_229 : memref<4x8x8x128xf32, #tpu.memory_space<hbm>>)
    %parallel_loop3A_230 = arith.constant 0 : i32
    %parallel_loop3A_231 = arith.constant 2048 : i32
    %parallel_loop3A_232 = arith.constant 1 : i32
    scf.for %parallel_loop3A_783 = %parallel_loop3A_230 to %parallel_loop3A_231 step %parallel_loop3A_232  : i32 {
      %parallel_loop3A_784 = arith.constant 6 : i32
      %parallel_loop3A_785 = arith.shrsi %parallel_loop3A_783, %parallel_loop3A_784 : i32
      %parallel_loop3A_786 = arith.constant 63 : i32
      %parallel_loop3A_787 = arith.andi %parallel_loop3A_783, %parallel_loop3A_786 : i32
      %parallel_loop3A_788 = arith.constant 3 : i32
      %parallel_loop3A_789 = arith.shrsi %parallel_loop3A_787, %parallel_loop3A_788 : i32
      %parallel_loop3A_790 = arith.constant 7 : i32
      %parallel_loop3A_791 = arith.andi %parallel_loop3A_787, %parallel_loop3A_790 : i32
      %parallel_loop3A_792 = arith.constant 16 : i32
      %parallel_loop3A_793 = arith.muli %parallel_loop3A_791, %parallel_loop3A_792 : i32
      %parallel_loop3A_794 = arith.constant 16 : i32
      %parallel_loop3A_795 = arith.muli %parallel_loop3A_787, %parallel_loop3A_794 : i32
      %parallel_loop3A_796 = arith.index_cast %parallel_loop3A_785 : i32 to index
      %parallel_loop3A_797 = arith.index_cast %parallel_loop3A_795 : i32 to index
      %parallel_loop3A_798 = tpu.vector_load %arg7[%parallel_loop3A_796, %parallel_loop3A_797] {strides = array<i32>} : memref<32x1024xi32, #tpu.memory_space<vmem>>, vector<16xi32>,
      %parallel_loop3A_799 = tpu.vector_load_idx %arg8[%parallel_loop3A_798] : memref<8192xf32, #tpu.memory_space<vmem>>[vector<16xi32>], vector<16xf32>,
      %parallel_loop3A_800 = arith.constant 3 : i32
      %parallel_loop3A_801 = arith.shrsi %parallel_loop3A_785, %parallel_loop3A_800 : i32
      %parallel_loop3A_802 = arith.constant 7 : i32
      %parallel_loop3A_803 = arith.andi %parallel_loop3A_785, %parallel_loop3A_802 : i32
      %parallel_loop3A_804 = arith.index_cast %parallel_loop3A_801 : i32 to index
      %parallel_loop3A_805 = arith.index_cast %parallel_loop3A_789 : i32 to index
      %parallel_loop3A_806 = arith.index_cast %parallel_loop3A_803 : i32 to index
      %parallel_loop3A_807 = arith.index_cast %parallel_loop3A_793 : i32 to index
      %parallel_loop3A_808 = tpu.vector_load %arg11[%parallel_loop3A_804, %parallel_loop3A_805, %parallel_loop3A_806, %parallel_loop3A_807] {strides = array<i32>} : memref<4x8x8x128xf32, #tpu.memory_space<vmem>>, vector<16xf32>,
      tpu.vector_store %arg11[%parallel_loop3A_804, %parallel_loop3A_805, %parallel_loop3A_806, %parallel_loop3A_807], %parallel_loop3A_799 {strides = array<i32>} : memref<4x8x8x128xf32, #tpu.memory_space<vmem>>, vector<16xf32>,
    } {sc.loop_unroll_factor = 8 : i64, sc.parallel_access}
    %dma_start3A_233 = arith.constant 0 : i32
    %dma_start3A_234 = arith.constant 0 : i32
    %dma_start3A_235 = arith.constant 0 : i32
    %dma_start3A_236 = arith.constant 0 : i32
    %dma_start3A_237 = tpu.memref_slice %arg6[%select_n3A, %add3A_207, %dma_start3A_233, %dma_start3A_234, %dma_start3A_235, %dma_start3A_236] : memref<4x131x4x8x8x128xf32, #tpu.memory_space<hbm>> -> memref<1x1x4x8x8x128xf32, #tpu.memory_space<hbm>>
    %dma_start3A_238 = tpu.memref_squeeze %dma_start3A_237 : memref<1x1x4x8x8x128xf32, #tpu.memory_space<hbm>> -> memref<4x8x8x128xf32, #tpu.memory_space<hbm>>
    %dma_start3A_239 = arith.constant 0 : i32
    %dma_start3A_240 = arith.constant 0 : i32
    %dma_start3A_241 = arith.constant 0 : i32
    %dma_start3A_242 = arith.constant 0 : i32
    %dma_start3A_243 = tpu.memref_slice %arg6[%select_n3A, %add3A_207, %dma_start3A_239, %dma_start3A_240, %dma_start3A_241, %dma_start3A_242] : memref<4x131x4x8x8x128xf32, #tpu.memory_space<hbm>> -> memref<1x1x4x8x8x128xf32, #tpu.memory_space<hbm>>
    %dma_start3A_244 = tpu.memref_squeeze %dma_start3A_243 : memref<1x1x4x8x8x128xf32, #tpu.memory_space<hbm>> -> memref<4x8x8x128xf32, #tpu.memory_space<hbm>>
    tpu.enqueue_dma source(%arg11 : memref<4x8x8x128xf32, #tpu.memory_space<vmem>>) target(%dma_start3A_244 : memref<4x8x8x128xf32, #tpu.memory_space<hbm>>) target_semaphore(%arg14 : memref<!tpu.dma_semaphore, #tpu.memory_space<semaphore_mem>>)
    %dma_wait3A_245 = arith.constant 0 : i32
    %dma_wait3A_246 = tpu.memref_slice %arg3[%select_n3A, %sub3A_211, %dma_wait3A_245] : memref<4x128x8192xf32, #tpu.memory_space<hbm>> -> memref<1x1x8192xf32, #tpu.memory_space<hbm>>
    %dma_wait3A_247 = tpu.memref_squeeze %dma_wait3A_246 : memref<1x1x8192xf32, #tpu.memory_space<hbm>> -> memref<8192xf32, #tpu.memory_space<hbm>>
    %dma_wait3A_248 = arith.constant 0 : i32
    %dma_wait3A_249 = tpu.memref_slice %arg3[%select_n3A, %sub3A_211, %dma_wait3A_248] : memref<4x128x8192xf32, #tpu.memory_space<hbm>> -> memref<1x1x8192xf32, #tpu.memory_space<hbm>>
    %dma_wait3A_250 = tpu.memref_squeeze %dma_wait3A_249 : memref<1x1x8192xf32, #tpu.memory_space<hbm>> -> memref<8192xf32, #tpu.memory_space<hbm>>
    tpu.wait_dma2 semaphore(%arg13 : memref<!tpu.dma_semaphore, #tpu.memory_space<semaphore_mem>>) src(%dma_wait3A_250 : memref<8192xf32, #tpu.memory_space<hbm>>) dst(%arg9 : memref<8192xf32, #tpu.memory_space<vmem>>)
    %add3A_251 = arith.constant 3 : i32
    %add3A_252 = arith.addi %add3A_251, %select_n3A_30 : i32
    %add3A_253 = arith.constant 40 : i32
    %add3A_254 = arith.addi %add3A_252, %add3A_253 : i32
    %add3A_255 = arith.constant 8 : i32
    %add3A_256 = arith.addi %add3A_254, %add3A_255 : i32
    %sub3A_257 = arith.constant 3 : i32
    %sub3A_258 = arith.subi %add3A_256, %sub3A_257 : i32
    %dma_start3A_259 = arith.constant 0 : i32
    %dma_start3A_260 = tpu.memref_slice %arg3[%select_n3A, %sub3A_258, %dma_start3A_259] : memref<4x128x8192xf32, #tpu.memory_space<hbm>> -> memref<1x1x8192xf32, #tpu.memory_space<hbm>>
    %dma_start3A_261 = tpu.memref_squeeze %dma_start3A_260 : memref<1x1x8192xf32, #tpu.memory_space<hbm>> -> memref<8192xf32, #tpu.memory_space<hbm>>
    %dma_start3A_262 = arith.constant 0 : i32
    %dma_start3A_263 = tpu.memref_slice %arg3[%select_n3A, %sub3A_258, %dma_start3A_262] : memref<4x128x8192xf32, #tpu.memory_space<hbm>> -> memref<1x1x8192xf32, #tpu.memory_space<hbm>>
    %dma_start3A_264 = tpu.memref_squeeze %dma_start3A_263 : memref<1x1x8192xf32, #tpu.memory_space<hbm>> -> memref<8192xf32, #tpu.memory_space<hbm>>
    tpu.enqueue_dma source(%dma_start3A_264 : memref<8192xf32, #tpu.memory_space<hbm>>) target(%arg8 : memref<8192xf32, #tpu.memory_space<vmem>>) target_semaphore(%arg13 : memref<!tpu.dma_semaphore, #tpu.memory_space<semaphore_mem>>)
    %dma_wait3A_265 = arith.constant 0 : i32
    %dma_wait3A_266 = arith.constant 0 : i32
    %dma_wait3A_267 = arith.constant 0 : i32
    %dma_wait3A_268 = arith.constant 0 : i32
    %dma_wait3A_269 = tpu.memref_slice %arg6[%select_n3A, %add3A_254, %dma_wait3A_265, %dma_wait3A_266, %dma_wait3A_267, %dma_wait3A_268] : memref<4x131x4x8x8x128xf32, #tpu.memory_space<hbm>> -> memref<1x1x4x8x8x128xf32, #tpu.memory_space<hbm>>
    %dma_wait3A_270 = tpu.memref_squeeze %dma_wait3A_269 : memref<1x1x4x8x8x128xf32, #tpu.memory_space<hbm>> -> memref<4x8x8x128xf32, #tpu.memory_space<hbm>>
    %dma_wait3A_271 = arith.constant 0 : i32
    %dma_wait3A_272 = arith.constant 0 : i32
    %dma_wait3A_273 = arith.constant 0 : i32
    %dma_wait3A_274 = arith.constant 0 : i32
    %dma_wait3A_275 = tpu.memref_slice %arg6[%select_n3A, %add3A_254, %dma_wait3A_271, %dma_wait3A_272, %dma_wait3A_273, %dma_wait3A_274] : memref<4x131x4x8x8x128xf32, #tpu.memory_space<hbm>> -> memref<1x1x4x8x8x128xf32, #tpu.memory_space<hbm>>
    %dma_wait3A_276 = tpu.memref_squeeze %dma_wait3A_275 : memref<1x1x4x8x8x128xf32, #tpu.memory_space<hbm>> -> memref<4x8x8x128xf32, #tpu.memory_space<hbm>>
    tpu.wait_dma2 semaphore(%arg15 : memref<!tpu.dma_semaphore, #tpu.memory_space<semaphore_mem>>) src(%arg12 : memref<4x8x8x128xf32, #tpu.memory_space<vmem>>) dst(%dma_wait3A_276 : memref<4x8x8x128xf32, #tpu.memory_space<hbm>>)
    %parallel_loop3A_277 = arith.constant 0 : i32
    %parallel_loop3A_278 = arith.constant 2048 : i32
    %parallel_loop3A_279 = arith.constant 1 : i32
    scf.for %parallel_loop3A_783 = %parallel_loop3A_277 to %parallel_loop3A_278 step %parallel_loop3A_279  : i32 {
      %parallel_loop3A_784 = arith.constant 6 : i32
      %parallel_loop3A_785 = arith.shrsi %parallel_loop3A_783, %parallel_loop3A_784 : i32
      %parallel_loop3A_786 = arith.constant 63 : i32
      %parallel_loop3A_787 = arith.andi %parallel_loop3A_783, %parallel_loop3A_786 : i32
      %parallel_loop3A_788 = arith.constant 3 : i32
      %parallel_loop3A_789 = arith.shrsi %parallel_loop3A_787, %parallel_loop3A_788 : i32
      %parallel_loop3A_790 = arith.constant 7 : i32
      %parallel_loop3A_791 = arith.andi %parallel_loop3A_787, %parallel_loop3A_790 : i32
      %parallel_loop3A_792 = arith.constant 16 : i32
      %parallel_loop3A_793 = arith.muli %parallel_loop3A_791, %parallel_loop3A_792 : i32
      %parallel_loop3A_794 = arith.constant 16 : i32
      %parallel_loop3A_795 = arith.muli %parallel_loop3A_787, %parallel_loop3A_794 : i32
      %parallel_loop3A_796 = arith.index_cast %parallel_loop3A_785 : i32 to index
      %parallel_loop3A_797 = arith.index_cast %parallel_loop3A_795 : i32 to index
      %parallel_loop3A_798 = tpu.vector_load %arg7[%parallel_loop3A_796, %parallel_loop3A_797] {strides = array<i32>} : memref<32x1024xi32, #tpu.memory_space<vmem>>, vector<16xi32>,
      %parallel_loop3A_799 = tpu.vector_load_idx %arg9[%parallel_loop3A_798] : memref<8192xf32, #tpu.memory_space<vmem>>[vector<16xi32>], vector<16xf32>,
      %parallel_loop3A_800 = arith.constant 3 : i32
      %parallel_loop3A_801 = arith.shrsi %parallel_loop3A_785, %parallel_loop3A_800 : i32
      %parallel_loop3A_802 = arith.constant 7 : i32
      %parallel_loop3A_803 = arith.andi %parallel_loop3A_785, %parallel_loop3A_802 : i32
      %parallel_loop3A_804 = arith.index_cast %parallel_loop3A_801 : i32 to index
      %parallel_loop3A_805 = arith.index_cast %parallel_loop3A_789 : i32 to index
      %parallel_loop3A_806 = arith.index_cast %parallel_loop3A_803 : i32 to index
      %parallel_loop3A_807 = arith.index_cast %parallel_loop3A_793 : i32 to index
      %parallel_loop3A_808 = tpu.vector_load %arg12[%parallel_loop3A_804, %parallel_loop3A_805, %parallel_loop3A_806, %parallel_loop3A_807] {strides = array<i32>} : memref<4x8x8x128xf32, #tpu.memory_space<vmem>>, vector<16xf32>,
      tpu.vector_store %arg12[%parallel_loop3A_804, %parallel_loop3A_805, %parallel_loop3A_806, %parallel_loop3A_807], %parallel_loop3A_799 {strides = array<i32>} : memref<4x8x8x128xf32, #tpu.memory_space<vmem>>, vector<16xf32>,
    } {sc.loop_unroll_factor = 8 : i64, sc.parallel_access}
    %dma_start3A_280 = arith.constant 0 : i32
    %dma_start3A_281 = arith.constant 0 : i32
    %dma_start3A_282 = arith.constant 0 : i32
    %dma_start3A_283 = arith.constant 0 : i32
    %dma_start3A_284 = tpu.memref_slice %arg6[%select_n3A, %add3A_254, %dma_start3A_280, %dma_start3A_281, %dma_start3A_282, %dma_start3A_283] : memref<4x131x4x8x8x128xf32, #tpu.memory_space<hbm>> -> memref<1x1x4x8x8x128xf32, #tpu.memory_space<hbm>>
    %dma_start3A_285 = tpu.memref_squeeze %dma_start3A_284 : memref<1x1x4x8x8x128xf32, #tpu.memory_space<hbm>> -> memref<4x8x8x128xf32, #tpu.memory_space<hbm>>
    %dma_start3A_286 = arith.constant 0 : i32
    %dma_start3A_287 = arith.constant 0 : i32
    %dma_start3A_288 = arith.constant 0 : i32
    %dma_start3A_289 = arith.constant 0 : i32
    %dma_start3A_290 = tpu.memref_slice %arg6[%select_n3A, %add3A_254, %dma_start3A_286, %dma_start3A_287, %dma_start3A_288, %dma_start3A_289] : memref<4x131x4x8x8x128xf32, #tpu.memory_space<hbm>> -> memref<1x1x4x8x8x128xf32, #tpu.memory_space<hbm>>
    %dma_start3A_291 = tpu.memref_squeeze %dma_start3A_290 : memref<1x1x4x8x8x128xf32, #tpu.memory_space<hbm>> -> memref<4x8x8x128xf32, #tpu.memory_space<hbm>>
    tpu.enqueue_dma source(%arg12 : memref<4x8x8x128xf32, #tpu.memory_space<vmem>>) target(%dma_start3A_291 : memref<4x8x8x128xf32, #tpu.memory_space<hbm>>) target_semaphore(%arg15 : memref<!tpu.dma_semaphore, #tpu.memory_space<semaphore_mem>>)
    %dma_wait3A_292 = arith.constant 0 : i32
    %dma_wait3A_293 = tpu.memref_slice %arg3[%select_n3A, %sub3A_258, %dma_wait3A_292] : memref<4x128x8192xf32, #tpu.memory_space<hbm>> -> memref<1x1x8192xf32, #tpu.memory_space<hbm>>
    %dma_wait3A_294 = tpu.memref_squeeze %dma_wait3A_293 : memref<1x1x8192xf32, #tpu.memory_space<hbm>> -> memref<8192xf32, #tpu.memory_space<hbm>>
    %dma_wait3A_295 = arith.constant 0 : i32
    %dma_wait3A_296 = tpu.memref_slice %arg3[%select_n3A, %sub3A_258, %dma_wait3A_295] : memref<4x128x8192xf32, #tpu.memory_space<hbm>> -> memref<1x1x8192xf32, #tpu.memory_space<hbm>>
    %dma_wait3A_297 = tpu.memref_squeeze %dma_wait3A_296 : memref<1x1x8192xf32, #tpu.memory_space<hbm>> -> memref<8192xf32, #tpu.memory_space<hbm>>
    tpu.wait_dma2 semaphore(%arg13 : memref<!tpu.dma_semaphore, #tpu.memory_space<semaphore_mem>>) src(%dma_wait3A_297 : memref<8192xf32, #tpu.memory_space<hbm>>) dst(%arg8 : memref<8192xf32, #tpu.memory_space<vmem>>)
    %add3A_298 = arith.constant 3 : i32
    %add3A_299 = arith.addi %add3A_298, %select_n3A_30 : i32
    %add3A_300 = arith.constant 48 : i32
    %add3A_301 = arith.addi %add3A_299, %add3A_300 : i32
    %add3A_302 = arith.constant 8 : i32
    %add3A_303 = arith.addi %add3A_301, %add3A_302 : i32
    %sub3A_304 = arith.constant 3 : i32
    %sub3A_305 = arith.subi %add3A_303, %sub3A_304 : i32
    %dma_start3A_306 = arith.constant 0 : i32
    %dma_start3A_307 = tpu.memref_slice %arg3[%select_n3A, %sub3A_305, %dma_start3A_306] : memref<4x128x8192xf32, #tpu.memory_space<hbm>> -> memref<1x1x8192xf32, #tpu.memory_space<hbm>>
    %dma_start3A_308 = tpu.memref_squeeze %dma_start3A_307 : memref<1x1x8192xf32, #tpu.memory_space<hbm>> -> memref<8192xf32, #tpu.memory_space<hbm>>
    %dma_start3A_309 = arith.constant 0 : i32
    %dma_start3A_310 = tpu.memref_slice %arg3[%select_n3A, %sub3A_305, %dma_start3A_309] : memref<4x128x8192xf32, #tpu.memory_space<hbm>> -> memref<1x1x8192xf32, #tpu.memory_space<hbm>>
    %dma_start3A_311 = tpu.memref_squeeze %dma_start3A_310 : memref<1x1x8192xf32, #tpu.memory_space<hbm>> -> memref<8192xf32, #tpu.memory_space<hbm>>
    tpu.enqueue_dma source(%dma_start3A_311 : memref<8192xf32, #tpu.memory_space<hbm>>) target(%arg9 : memref<8192xf32, #tpu.memory_space<vmem>>) target_semaphore(%arg13 : memref<!tpu.dma_semaphore, #tpu.memory_space<semaphore_mem>>)
    %dma_wait3A_312 = arith.constant 0 : i32
    %dma_wait3A_313 = arith.constant 0 : i32
    %dma_wait3A_314 = arith.constant 0 : i32
    %dma_wait3A_315 = arith.constant 0 : i32
    %dma_wait3A_316 = tpu.memref_slice %arg6[%select_n3A, %add3A_301, %dma_wait3A_312, %dma_wait3A_313, %dma_wait3A_314, %dma_wait3A_315] : memref<4x131x4x8x8x128xf32, #tpu.memory_space<hbm>> -> memref<1x1x4x8x8x128xf32, #tpu.memory_space<hbm>>
    %dma_wait3A_317 = tpu.memref_squeeze %dma_wait3A_316 : memref<1x1x4x8x8x128xf32, #tpu.memory_space<hbm>> -> memref<4x8x8x128xf32, #tpu.memory_space<hbm>>
    %dma_wait3A_318 = arith.constant 0 : i32
    %dma_wait3A_319 = arith.constant 0 : i32
    %dma_wait3A_320 = arith.constant 0 : i32
    %dma_wait3A_321 = arith.constant 0 : i32
    %dma_wait3A_322 = tpu.memref_slice %arg6[%select_n3A, %add3A_301, %dma_wait3A_318, %dma_wait3A_319, %dma_wait3A_320, %dma_wait3A_321] : memref<4x131x4x8x8x128xf32, #tpu.memory_space<hbm>> -> memref<1x1x4x8x8x128xf32, #tpu.memory_space<hbm>>
    %dma_wait3A_323 = tpu.memref_squeeze %dma_wait3A_322 : memref<1x1x4x8x8x128xf32, #tpu.memory_space<hbm>> -> memref<4x8x8x128xf32, #tpu.memory_space<hbm>>
    tpu.wait_dma2 semaphore(%arg14 : memref<!tpu.dma_semaphore, #tpu.memory_space<semaphore_mem>>) src(%arg11 : memref<4x8x8x128xf32, #tpu.memory_space<vmem>>) dst(%dma_wait3A_323 : memref<4x8x8x128xf32, #tpu.memory_space<hbm>>)
    %parallel_loop3A_324 = arith.constant 0 : i32
    %parallel_loop3A_325 = arith.constant 2048 : i32
    %parallel_loop3A_326 = arith.constant 1 : i32
    scf.for %parallel_loop3A_783 = %parallel_loop3A_324 to %parallel_loop3A_325 step %parallel_loop3A_326  : i32 {
      %parallel_loop3A_784 = arith.constant 6 : i32
      %parallel_loop3A_785 = arith.shrsi %parallel_loop3A_783, %parallel_loop3A_784 : i32
      %parallel_loop3A_786 = arith.constant 63 : i32
      %parallel_loop3A_787 = arith.andi %parallel_loop3A_783, %parallel_loop3A_786 : i32
      %parallel_loop3A_788 = arith.constant 3 : i32
      %parallel_loop3A_789 = arith.shrsi %parallel_loop3A_787, %parallel_loop3A_788 : i32
      %parallel_loop3A_790 = arith.constant 7 : i32
      %parallel_loop3A_791 = arith.andi %parallel_loop3A_787, %parallel_loop3A_790 : i32
      %parallel_loop3A_792 = arith.constant 16 : i32
      %parallel_loop3A_793 = arith.muli %parallel_loop3A_791, %parallel_loop3A_792 : i32
      %parallel_loop3A_794 = arith.constant 16 : i32
      %parallel_loop3A_795 = arith.muli %parallel_loop3A_787, %parallel_loop3A_794 : i32
      %parallel_loop3A_796 = arith.index_cast %parallel_loop3A_785 : i32 to index
      %parallel_loop3A_797 = arith.index_cast %parallel_loop3A_795 : i32 to index
      %parallel_loop3A_798 = tpu.vector_load %arg7[%parallel_loop3A_796, %parallel_loop3A_797] {strides = array<i32>} : memref<32x1024xi32, #tpu.memory_space<vmem>>, vector<16xi32>,
      %parallel_loop3A_799 = tpu.vector_load_idx %arg8[%parallel_loop3A_798] : memref<8192xf32, #tpu.memory_space<vmem>>[vector<16xi32>], vector<16xf32>,
      %parallel_loop3A_800 = arith.constant 3 : i32
      %parallel_loop3A_801 = arith.shrsi %parallel_loop3A_785, %parallel_loop3A_800 : i32
      %parallel_loop3A_802 = arith.constant 7 : i32
      %parallel_loop3A_803 = arith.andi %parallel_loop3A_785, %parallel_loop3A_802 : i32
      %parallel_loop3A_804 = arith.index_cast %parallel_loop3A_801 : i32 to index
      %parallel_loop3A_805 = arith.index_cast %parallel_loop3A_789 : i32 to index
      %parallel_loop3A_806 = arith.index_cast %parallel_loop3A_803 : i32 to index
      %parallel_loop3A_807 = arith.index_cast %parallel_loop3A_793 : i32 to index
      %parallel_loop3A_808 = tpu.vector_load %arg11[%parallel_loop3A_804, %parallel_loop3A_805, %parallel_loop3A_806, %parallel_loop3A_807] {strides = array<i32>} : memref<4x8x8x128xf32, #tpu.memory_space<vmem>>, vector<16xf32>,
      tpu.vector_store %arg11[%parallel_loop3A_804, %parallel_loop3A_805, %parallel_loop3A_806, %parallel_loop3A_807], %parallel_loop3A_799 {strides = array<i32>} : memref<4x8x8x128xf32, #tpu.memory_space<vmem>>, vector<16xf32>,
    } {sc.loop_unroll_factor = 8 : i64, sc.parallel_access}
    %dma_start3A_327 = arith.constant 0 : i32
    %dma_start3A_328 = arith.constant 0 : i32
    %dma_start3A_329 = arith.constant 0 : i32
    %dma_start3A_330 = arith.constant 0 : i32
    %dma_start3A_331 = tpu.memref_slice %arg6[%select_n3A, %add3A_301, %dma_start3A_327, %dma_start3A_328, %dma_start3A_329, %dma_start3A_330] : memref<4x131x4x8x8x128xf32, #tpu.memory_space<hbm>> -> memref<1x1x4x8x8x128xf32, #tpu.memory_space<hbm>>
    %dma_start3A_332 = tpu.memref_squeeze %dma_start3A_331 : memref<1x1x4x8x8x128xf32, #tpu.memory_space<hbm>> -> memref<4x8x8x128xf32, #tpu.memory_space<hbm>>
    %dma_start3A_333 = arith.constant 0 : i32
    %dma_start3A_334 = arith.constant 0 : i32
    %dma_start3A_335 = arith.constant 0 : i32
    %dma_start3A_336 = arith.constant 0 : i32
    %dma_start3A_337 = tpu.memref_slice %arg6[%select_n3A, %add3A_301, %dma_start3A_333, %dma_start3A_334, %dma_start3A_335, %dma_start3A_336] : memref<4x131x4x8x8x128xf32, #tpu.memory_space<hbm>> -> memref<1x1x4x8x8x128xf32, #tpu.memory_space<hbm>>
    %dma_start3A_338 = tpu.memref_squeeze %dma_start3A_337 : memref<1x1x4x8x8x128xf32, #tpu.memory_space<hbm>> -> memref<4x8x8x128xf32, #tpu.memory_space<hbm>>
    tpu.enqueue_dma source(%arg11 : memref<4x8x8x128xf32, #tpu.memory_space<vmem>>) target(%dma_start3A_338 : memref<4x8x8x128xf32, #tpu.memory_space<hbm>>) target_semaphore(%arg14 : memref<!tpu.dma_semaphore, #tpu.memory_space<semaphore_mem>>)
    %dma_wait3A_339 = arith.constant 0 : i32
    %dma_wait3A_340 = tpu.memref_slice %arg3[%select_n3A, %sub3A_305, %dma_wait3A_339] : memref<4x128x8192xf32, #tpu.memory_space<hbm>> -> memref<1x1x8192xf32, #tpu.memory_space<hbm>>
    %dma_wait3A_341 = tpu.memref_squeeze %dma_wait3A_340 : memref<1x1x8192xf32, #tpu.memory_space<hbm>> -> memref<8192xf32, #tpu.memory_space<hbm>>
    %dma_wait3A_342 = arith.constant 0 : i32
    %dma_wait3A_343 = tpu.memref_slice %arg3[%select_n3A, %sub3A_305, %dma_wait3A_342] : memref<4x128x8192xf32, #tpu.memory_space<hbm>> -> memref<1x1x8192xf32, #tpu.memory_space<hbm>>
    %dma_wait3A_344 = tpu.memref_squeeze %dma_wait3A_343 : memref<1x1x8192xf32, #tpu.memory_space<hbm>> -> memref<8192xf32, #tpu.memory_space<hbm>>
    tpu.wait_dma2 semaphore(%arg13 : memref<!tpu.dma_semaphore, #tpu.memory_space<semaphore_mem>>) src(%dma_wait3A_344 : memref<8192xf32, #tpu.memory_space<hbm>>) dst(%arg9 : memref<8192xf32, #tpu.memory_space<vmem>>)
    %add3A_345 = arith.constant 3 : i32
    %add3A_346 = arith.addi %add3A_345, %select_n3A_30 : i32
    %add3A_347 = arith.constant 56 : i32
    %add3A_348 = arith.addi %add3A_346, %add3A_347 : i32
    %add3A_349 = arith.constant 8 : i32
    %add3A_350 = arith.addi %add3A_348, %add3A_349 : i32
    %sub3A_351 = arith.constant 3 : i32
    %sub3A_352 = arith.subi %add3A_350, %sub3A_351 : i32
    %dma_start3A_353 = arith.constant 0 : i32
    %dma_start3A_354 = tpu.memref_slice %arg3[%select_n3A, %sub3A_352, %dma_start3A_353] : memref<4x128x8192xf32, #tpu.memory_space<hbm>> -> memref<1x1x8192xf32, #tpu.memory_space<hbm>>
    %dma_start3A_355 = tpu.memref_squeeze %dma_start3A_354 : memref<1x1x8192xf32, #tpu.memory_space<hbm>> -> memref<8192xf32, #tpu.memory_space<hbm>>
    %dma_start3A_356 = arith.constant 0 : i32
    %dma_start3A_357 = tpu.memref_slice %arg3[%select_n3A, %sub3A_352, %dma_start3A_356] : memref<4x128x8192xf32, #tpu.memory_space<hbm>> -> memref<1x1x8192xf32, #tpu.memory_space<hbm>>
    %dma_start3A_358 = tpu.memref_squeeze %dma_start3A_357 : memref<1x1x8192xf32, #tpu.memory_space<hbm>> -> memref<8192xf32, #tpu.memory_space<hbm>>
    tpu.enqueue_dma source(%dma_start3A_358 : memref<8192xf32, #tpu.memory_space<hbm>>) target(%arg8 : memref<8192xf32, #tpu.memory_space<vmem>>) target_semaphore(%arg13 : memref<!tpu.dma_semaphore, #tpu.memory_space<semaphore_mem>>)
    %dma_wait3A_359 = arith.constant 0 : i32
    %dma_wait3A_360 = arith.constant 0 : i32
    %dma_wait3A_361 = arith.constant 0 : i32
    %dma_wait3A_362 = arith.constant 0 : i32
    %dma_wait3A_363 = tpu.memref_slice %arg6[%select_n3A, %add3A_348, %dma_wait3A_359, %dma_wait3A_360, %dma_wait3A_361, %dma_wait3A_362] : memref<4x131x4x8x8x128xf32, #tpu.memory_space<hbm>> -> memref<1x1x4x8x8x128xf32, #tpu.memory_space<hbm>>
    %dma_wait3A_364 = tpu.memref_squeeze %dma_wait3A_363 : memref<1x1x4x8x8x128xf32, #tpu.memory_space<hbm>> -> memref<4x8x8x128xf32, #tpu.memory_space<hbm>>
    %dma_wait3A_365 = arith.constant 0 : i32
    %dma_wait3A_366 = arith.constant 0 : i32
    %dma_wait3A_367 = arith.constant 0 : i32
    %dma_wait3A_368 = arith.constant 0 : i32
    %dma_wait3A_369 = tpu.memref_slice %arg6[%select_n3A, %add3A_348, %dma_wait3A_365, %dma_wait3A_366, %dma_wait3A_367, %dma_wait3A_368] : memref<4x131x4x8x8x128xf32, #tpu.memory_space<hbm>> -> memref<1x1x4x8x8x128xf32, #tpu.memory_space<hbm>>
    %dma_wait3A_370 = tpu.memref_squeeze %dma_wait3A_369 : memref<1x1x4x8x8x128xf32, #tpu.memory_space<hbm>> -> memref<4x8x8x128xf32, #tpu.memory_space<hbm>>
    tpu.wait_dma2 semaphore(%arg15 : memref<!tpu.dma_semaphore, #tpu.memory_space<semaphore_mem>>) src(%arg12 : memref<4x8x8x128xf32, #tpu.memory_space<vmem>>) dst(%dma_wait3A_370 : memref<4x8x8x128xf32, #tpu.memory_space<hbm>>)
    %parallel_loop3A_371 = arith.constant 0 : i32
    %parallel_loop3A_372 = arith.constant 2048 : i32
    %parallel_loop3A_373 = arith.constant 1 : i32
    scf.for %parallel_loop3A_783 = %parallel_loop3A_371 to %parallel_loop3A_372 step %parallel_loop3A_373  : i32 {
      %parallel_loop3A_784 = arith.constant 6 : i32
      %parallel_loop3A_785 = arith.shrsi %parallel_loop3A_783, %parallel_loop3A_784 : i32
      %parallel_loop3A_786 = arith.constant 63 : i32
      %parallel_loop3A_787 = arith.andi %parallel_loop3A_783, %parallel_loop3A_786 : i32
      %parallel_loop3A_788 = arith.constant 3 : i32
      %parallel_loop3A_789 = arith.shrsi %parallel_loop3A_787, %parallel_loop3A_788 : i32
      %parallel_loop3A_790 = arith.constant 7 : i32
      %parallel_loop3A_791 = arith.andi %parallel_loop3A_787, %parallel_loop3A_790 : i32
      %parallel_loop3A_792 = arith.constant 16 : i32
      %parallel_loop3A_793 = arith.muli %parallel_loop3A_791, %parallel_loop3A_792 : i32
      %parallel_loop3A_794 = arith.constant 16 : i32
      %parallel_loop3A_795 = arith.muli %parallel_loop3A_787, %parallel_loop3A_794 : i32
      %parallel_loop3A_796 = arith.index_cast %parallel_loop3A_785 : i32 to index
      %parallel_loop3A_797 = arith.index_cast %parallel_loop3A_795 : i32 to index
      %parallel_loop3A_798 = tpu.vector_load %arg7[%parallel_loop3A_796, %parallel_loop3A_797] {strides = array<i32>} : memref<32x1024xi32, #tpu.memory_space<vmem>>, vector<16xi32>,
      %parallel_loop3A_799 = tpu.vector_load_idx %arg9[%parallel_loop3A_798] : memref<8192xf32, #tpu.memory_space<vmem>>[vector<16xi32>], vector<16xf32>,
      %parallel_loop3A_800 = arith.constant 3 : i32
      %parallel_loop3A_801 = arith.shrsi %parallel_loop3A_785, %parallel_loop3A_800 : i32
      %parallel_loop3A_802 = arith.constant 7 : i32
      %parallel_loop3A_803 = arith.andi %parallel_loop3A_785, %parallel_loop3A_802 : i32
      %parallel_loop3A_804 = arith.index_cast %parallel_loop3A_801 : i32 to index
      %parallel_loop3A_805 = arith.index_cast %parallel_loop3A_789 : i32 to index
      %parallel_loop3A_806 = arith.index_cast %parallel_loop3A_803 : i32 to index
      %parallel_loop3A_807 = arith.index_cast %parallel_loop3A_793 : i32 to index
      %parallel_loop3A_808 = tpu.vector_load %arg12[%parallel_loop3A_804, %parallel_loop3A_805, %parallel_loop3A_806, %parallel_loop3A_807] {strides = array<i32>} : memref<4x8x8x128xf32, #tpu.memory_space<vmem>>, vector<16xf32>,
      tpu.vector_store %arg12[%parallel_loop3A_804, %parallel_loop3A_805, %parallel_loop3A_806, %parallel_loop3A_807], %parallel_loop3A_799 {strides = array<i32>} : memref<4x8x8x128xf32, #tpu.memory_space<vmem>>, vector<16xf32>,
    } {sc.loop_unroll_factor = 8 : i64, sc.parallel_access}
    %dma_start3A_374 = arith.constant 0 : i32
    %dma_start3A_375 = arith.constant 0 : i32
    %dma_start3A_376 = arith.constant 0 : i32
    %dma_start3A_377 = arith.constant 0 : i32
    %dma_start3A_378 = tpu.memref_slice %arg6[%select_n3A, %add3A_348, %dma_start3A_374, %dma_start3A_375, %dma_start3A_376, %dma_start3A_377] : memref<4x131x4x8x8x128xf32, #tpu.memory_space<hbm>> -> memref<1x1x4x8x8x128xf32, #tpu.memory_space<hbm>>
    %dma_start3A_379 = tpu.memref_squeeze %dma_start3A_378 : memref<1x1x4x8x8x128xf32, #tpu.memory_space<hbm>> -> memref<4x8x8x128xf32, #tpu.memory_space<hbm>>
    %dma_start3A_380 = arith.constant 0 : i32
    %dma_start3A_381 = arith.constant 0 : i32
    %dma_start3A_382 = arith.constant 0 : i32
    %dma_start3A_383 = arith.constant 0 : i32
    %dma_start3A_384 = tpu.memref_slice %arg6[%select_n3A, %add3A_348, %dma_start3A_380, %dma_start3A_381, %dma_start3A_382, %dma_start3A_383] : memref<4x131x4x8x8x128xf32, #tpu.memory_space<hbm>> -> memref<1x1x4x8x8x128xf32, #tpu.memory_space<hbm>>
    %dma_start3A_385 = tpu.memref_squeeze %dma_start3A_384 : memref<1x1x4x8x8x128xf32, #tpu.memory_space<hbm>> -> memref<4x8x8x128xf32, #tpu.memory_space<hbm>>
    tpu.enqueue_dma source(%arg12 : memref<4x8x8x128xf32, #tpu.memory_space<vmem>>) target(%dma_start3A_385 : memref<4x8x8x128xf32, #tpu.memory_space<hbm>>) target_semaphore(%arg15 : memref<!tpu.dma_semaphore, #tpu.memory_space<semaphore_mem>>)
    %dma_wait3A_386 = arith.constant 0 : i32
    %dma_wait3A_387 = tpu.memref_slice %arg3[%select_n3A, %sub3A_352, %dma_wait3A_386] : memref<4x128x8192xf32, #tpu.memory_space<hbm>> -> memref<1x1x8192xf32, #tpu.memory_space<hbm>>
    %dma_wait3A_388 = tpu.memref_squeeze %dma_wait3A_387 : memref<1x1x8192xf32, #tpu.memory_space<hbm>> -> memref<8192xf32, #tpu.memory_space<hbm>>
    %dma_wait3A_389 = arith.constant 0 : i32
    %dma_wait3A_390 = tpu.memref_slice %arg3[%select_n3A, %sub3A_352, %dma_wait3A_389] : memref<4x128x8192xf32, #tpu.memory_space<hbm>> -> memref<1x1x8192xf32, #tpu.memory_space<hbm>>
    %dma_wait3A_391 = tpu.memref_squeeze %dma_wait3A_390 : memref<1x1x8192xf32, #tpu.memory_space<hbm>> -> memref<8192xf32, #tpu.memory_space<hbm>>
    tpu.wait_dma2 semaphore(%arg13 : memref<!tpu.dma_semaphore, #tpu.memory_space<semaphore_mem>>) src(%dma_wait3A_391 : memref<8192xf32, #tpu.memory_space<hbm>>) dst(%arg8 : memref<8192xf32, #tpu.memory_space<vmem>>)
    %add3A_392 = arith.constant 3 : i32
    %add3A_393 = arith.addi %add3A_392, %select_n3A_30 : i32
    %add3A_394 = arith.constant 64 : i32
    %add3A_395 = arith.addi %add3A_393, %add3A_394 : i32
    %add3A_396 = arith.constant 8 : i32
    %add3A_397 = arith.addi %add3A_395, %add3A_396 : i32
    %sub3A_398 = arith.constant 3 : i32
    %sub3A_399 = arith.subi %add3A_397, %sub3A_398 : i32
    %dma_start3A_400 = arith.constant 0 : i32
    %dma_start3A_401 = tpu.memref_slice %arg3[%select_n3A, %sub3A_399, %dma_start3A_400] : memref<4x128x8192xf32, #tpu.memory_space<hbm>> -> memref<1x1x8192xf32, #tpu.memory_space<hbm>>
    %dma_start3A_402 = tpu.memref_squeeze %dma_start3A_401 : memref<1x1x8192xf32, #tpu.memory_space<hbm>> -> memref<8192xf32, #tpu.memory_space<hbm>>
    %dma_start3A_403 = arith.constant 0 : i32
    %dma_start3A_404 = tpu.memref_slice %arg3[%select_n3A, %sub3A_399, %dma_start3A_403] : memref<4x128x8192xf32, #tpu.memory_space<hbm>> -> memref<1x1x8192xf32, #tpu.memory_space<hbm>>
    %dma_start3A_405 = tpu.memref_squeeze %dma_start3A_404 : memref<1x1x8192xf32, #tpu.memory_space<hbm>> -> memref<8192xf32, #tpu.memory_space<hbm>>
    tpu.enqueue_dma source(%dma_start3A_405 : memref<8192xf32, #tpu.memory_space<hbm>>) target(%arg9 : memref<8192xf32, #tpu.memory_space<vmem>>) target_semaphore(%arg13 : memref<!tpu.dma_semaphore, #tpu.memory_space<semaphore_mem>>)
    %dma_wait3A_406 = arith.constant 0 : i32
    %dma_wait3A_407 = arith.constant 0 : i32
    %dma_wait3A_408 = arith.constant 0 : i32
    %dma_wait3A_409 = arith.constant 0 : i32
    %dma_wait3A_410 = tpu.memref_slice %arg6[%select_n3A, %add3A_395, %dma_wait3A_406, %dma_wait3A_407, %dma_wait3A_408, %dma_wait3A_409] : memref<4x131x4x8x8x128xf32, #tpu.memory_space<hbm>> -> memref<1x1x4x8x8x128xf32, #tpu.memory_space<hbm>>
    %dma_wait3A_411 = tpu.memref_squeeze %dma_wait3A_410 : memref<1x1x4x8x8x128xf32, #tpu.memory_space<hbm>> -> memref<4x8x8x128xf32, #tpu.memory_space<hbm>>
    %dma_wait3A_412 = arith.constant 0 : i32
    %dma_wait3A_413 = arith.constant 0 : i32
    %dma_wait3A_414 = arith.constant 0 : i32
    %dma_wait3A_415 = arith.constant 0 : i32
    %dma_wait3A_416 = tpu.memref_slice %arg6[%select_n3A, %add3A_395, %dma_wait3A_412, %dma_wait3A_413, %dma_wait3A_414, %dma_wait3A_415] : memref<4x131x4x8x8x128xf32, #tpu.memory_space<hbm>> -> memref<1x1x4x8x8x128xf32, #tpu.memory_space<hbm>>
    %dma_wait3A_417 = tpu.memref_squeeze %dma_wait3A_416 : memref<1x1x4x8x8x128xf32, #tpu.memory_space<hbm>> -> memref<4x8x8x128xf32, #tpu.memory_space<hbm>>
    tpu.wait_dma2 semaphore(%arg14 : memref<!tpu.dma_semaphore, #tpu.memory_space<semaphore_mem>>) src(%arg11 : memref<4x8x8x128xf32, #tpu.memory_space<vmem>>) dst(%dma_wait3A_417 : memref<4x8x8x128xf32, #tpu.memory_space<hbm>>)
    %parallel_loop3A_418 = arith.constant 0 : i32
    %parallel_loop3A_419 = arith.constant 2048 : i32
    %parallel_loop3A_420 = arith.constant 1 : i32
    scf.for %parallel_loop3A_783 = %parallel_loop3A_418 to %parallel_loop3A_419 step %parallel_loop3A_420  : i32 {
      %parallel_loop3A_784 = arith.constant 6 : i32
      %parallel_loop3A_785 = arith.shrsi %parallel_loop3A_783, %parallel_loop3A_784 : i32
      %parallel_loop3A_786 = arith.constant 63 : i32
      %parallel_loop3A_787 = arith.andi %parallel_loop3A_783, %parallel_loop3A_786 : i32
      %parallel_loop3A_788 = arith.constant 3 : i32
      %parallel_loop3A_789 = arith.shrsi %parallel_loop3A_787, %parallel_loop3A_788 : i32
      %parallel_loop3A_790 = arith.constant 7 : i32
      %parallel_loop3A_791 = arith.andi %parallel_loop3A_787, %parallel_loop3A_790 : i32
      %parallel_loop3A_792 = arith.constant 16 : i32
      %parallel_loop3A_793 = arith.muli %parallel_loop3A_791, %parallel_loop3A_792 : i32
      %parallel_loop3A_794 = arith.constant 16 : i32
      %parallel_loop3A_795 = arith.muli %parallel_loop3A_787, %parallel_loop3A_794 : i32
      %parallel_loop3A_796 = arith.index_cast %parallel_loop3A_785 : i32 to index
      %parallel_loop3A_797 = arith.index_cast %parallel_loop3A_795 : i32 to index
      %parallel_loop3A_798 = tpu.vector_load %arg7[%parallel_loop3A_796, %parallel_loop3A_797] {strides = array<i32>} : memref<32x1024xi32, #tpu.memory_space<vmem>>, vector<16xi32>,
      %parallel_loop3A_799 = tpu.vector_load_idx %arg8[%parallel_loop3A_798] : memref<8192xf32, #tpu.memory_space<vmem>>[vector<16xi32>], vector<16xf32>,
      %parallel_loop3A_800 = arith.constant 3 : i32
      %parallel_loop3A_801 = arith.shrsi %parallel_loop3A_785, %parallel_loop3A_800 : i32
      %parallel_loop3A_802 = arith.constant 7 : i32
      %parallel_loop3A_803 = arith.andi %parallel_loop3A_785, %parallel_loop3A_802 : i32
      %parallel_loop3A_804 = arith.index_cast %parallel_loop3A_801 : i32 to index
      %parallel_loop3A_805 = arith.index_cast %parallel_loop3A_789 : i32 to index
      %parallel_loop3A_806 = arith.index_cast %parallel_loop3A_803 : i32 to index
      %parallel_loop3A_807 = arith.index_cast %parallel_loop3A_793 : i32 to index
      %parallel_loop3A_808 = tpu.vector_load %arg11[%parallel_loop3A_804, %parallel_loop3A_805, %parallel_loop3A_806, %parallel_loop3A_807] {strides = array<i32>} : memref<4x8x8x128xf32, #tpu.memory_space<vmem>>, vector<16xf32>,
      tpu.vector_store %arg11[%parallel_loop3A_804, %parallel_loop3A_805, %parallel_loop3A_806, %parallel_loop3A_807], %parallel_loop3A_799 {strides = array<i32>} : memref<4x8x8x128xf32, #tpu.memory_space<vmem>>, vector<16xf32>,
    } {sc.loop_unroll_factor = 8 : i64, sc.parallel_access}
    %dma_start3A_421 = arith.constant 0 : i32
    %dma_start3A_422 = arith.constant 0 : i32
    %dma_start3A_423 = arith.constant 0 : i32
    %dma_start3A_424 = arith.constant 0 : i32
    %dma_start3A_425 = tpu.memref_slice %arg6[%select_n3A, %add3A_395, %dma_start3A_421, %dma_start3A_422, %dma_start3A_423, %dma_start3A_424] : memref<4x131x4x8x8x128xf32, #tpu.memory_space<hbm>> -> memref<1x1x4x8x8x128xf32, #tpu.memory_space<hbm>>
    %dma_start3A_426 = tpu.memref_squeeze %dma_start3A_425 : memref<1x1x4x8x8x128xf32, #tpu.memory_space<hbm>> -> memref<4x8x8x128xf32, #tpu.memory_space<hbm>>
    %dma_start3A_427 = arith.constant 0 : i32
    %dma_start3A_428 = arith.constant 0 : i32
    %dma_start3A_429 = arith.constant 0 : i32
    %dma_start3A_430 = arith.constant 0 : i32
    %dma_start3A_431 = tpu.memref_slice %arg6[%select_n3A, %add3A_395, %dma_start3A_427, %dma_start3A_428, %dma_start3A_429, %dma_start3A_430] : memref<4x131x4x8x8x128xf32, #tpu.memory_space<hbm>> -> memref<1x1x4x8x8x128xf32, #tpu.memory_space<hbm>>
    %dma_start3A_432 = tpu.memref_squeeze %dma_start3A_431 : memref<1x1x4x8x8x128xf32, #tpu.memory_space<hbm>> -> memref<4x8x8x128xf32, #tpu.memory_space<hbm>>
    tpu.enqueue_dma source(%arg11 : memref<4x8x8x128xf32, #tpu.memory_space<vmem>>) target(%dma_start3A_432 : memref<4x8x8x128xf32, #tpu.memory_space<hbm>>) target_semaphore(%arg14 : memref<!tpu.dma_semaphore, #tpu.memory_space<semaphore_mem>>)
    %dma_wait3A_433 = arith.constant 0 : i32
    %dma_wait3A_434 = tpu.memref_slice %arg3[%select_n3A, %sub3A_399, %dma_wait3A_433] : memref<4x128x8192xf32, #tpu.memory_space<hbm>> -> memref<1x1x8192xf32, #tpu.memory_space<hbm>>
    %dma_wait3A_435 = tpu.memref_squeeze %dma_wait3A_434 : memref<1x1x8192xf32, #tpu.memory_space<hbm>> -> memref<8192xf32, #tpu.memory_space<hbm>>
    %dma_wait3A_436 = arith.constant 0 : i32
    %dma_wait3A_437 = tpu.memref_slice %arg3[%select_n3A, %sub3A_399, %dma_wait3A_436] : memref<4x128x8192xf32, #tpu.memory_space<hbm>> -> memref<1x1x8192xf32, #tpu.memory_space<hbm>>
    %dma_wait3A_438 = tpu.memref_squeeze %dma_wait3A_437 : memref<1x1x8192xf32, #tpu.memory_space<hbm>> -> memref<8192xf32, #tpu.memory_space<hbm>>
    tpu.wait_dma2 semaphore(%arg13 : memref<!tpu.dma_semaphore, #tpu.memory_space<semaphore_mem>>) src(%dma_wait3A_438 : memref<8192xf32, #tpu.memory_space<hbm>>) dst(%arg9 : memref<8192xf32, #tpu.memory_space<vmem>>)
    %add3A_439 = arith.constant 3 : i32
    %add3A_440 = arith.addi %add3A_439, %select_n3A_30 : i32
    %add3A_441 = arith.constant 72 : i32
    %add3A_442 = arith.addi %add3A_440, %add3A_441 : i32
    %add3A_443 = arith.constant 8 : i32
    %add3A_444 = arith.addi %add3A_442, %add3A_443 : i32
    %sub3A_445 = arith.constant 3 : i32
    %sub3A_446 = arith.subi %add3A_444, %sub3A_445 : i32
    %dma_start3A_447 = arith.constant 0 : i32
    %dma_start3A_448 = tpu.memref_slice %arg3[%select_n3A, %sub3A_446, %dma_start3A_447] : memref<4x128x8192xf32, #tpu.memory_space<hbm>> -> memref<1x1x8192xf32, #tpu.memory_space<hbm>>
    %dma_start3A_449 = tpu.memref_squeeze %dma_start3A_448 : memref<1x1x8192xf32, #tpu.memory_space<hbm>> -> memref<8192xf32, #tpu.memory_space<hbm>>
    %dma_start3A_450 = arith.constant 0 : i32
    %dma_start3A_451 = tpu.memref_slice %arg3[%select_n3A, %sub3A_446, %dma_start3A_450] : memref<4x128x8192xf32, #tpu.memory_space<hbm>> -> memref<1x1x8192xf32, #tpu.memory_space<hbm>>
    %dma_start3A_452 = tpu.memref_squeeze %dma_start3A_451 : memref<1x1x8192xf32, #tpu.memory_space<hbm>> -> memref<8192xf32, #tpu.memory_space<hbm>>
    tpu.enqueue_dma source(%dma_start3A_452 : memref<8192xf32, #tpu.memory_space<hbm>>) target(%arg8 : memref<8192xf32, #tpu.memory_space<vmem>>) target_semaphore(%arg13 : memref<!tpu.dma_semaphore, #tpu.memory_space<semaphore_mem>>)
    %dma_wait3A_453 = arith.constant 0 : i32
    %dma_wait3A_454 = arith.constant 0 : i32
    %dma_wait3A_455 = arith.constant 0 : i32
    %dma_wait3A_456 = arith.constant 0 : i32
    %dma_wait3A_457 = tpu.memref_slice %arg6[%select_n3A, %add3A_442, %dma_wait3A_453, %dma_wait3A_454, %dma_wait3A_455, %dma_wait3A_456] : memref<4x131x4x8x8x128xf32, #tpu.memory_space<hbm>> -> memref<1x1x4x8x8x128xf32, #tpu.memory_space<hbm>>
    %dma_wait3A_458 = tpu.memref_squeeze %dma_wait3A_457 : memref<1x1x4x8x8x128xf32, #tpu.memory_space<hbm>> -> memref<4x8x8x128xf32, #tpu.memory_space<hbm>>
    %dma_wait3A_459 = arith.constant 0 : i32
    %dma_wait3A_460 = arith.constant 0 : i32
    %dma_wait3A_461 = arith.constant 0 : i32
    %dma_wait3A_462 = arith.constant 0 : i32
    %dma_wait3A_463 = tpu.memref_slice %arg6[%select_n3A, %add3A_442, %dma_wait3A_459, %dma_wait3A_460, %dma_wait3A_461, %dma_wait3A_462] : memref<4x131x4x8x8x128xf32, #tpu.memory_space<hbm>> -> memref<1x1x4x8x8x128xf32, #tpu.memory_space<hbm>>
    %dma_wait3A_464 = tpu.memref_squeeze %dma_wait3A_463 : memref<1x1x4x8x8x128xf32, #tpu.memory_space<hbm>> -> memref<4x8x8x128xf32, #tpu.memory_space<hbm>>
    tpu.wait_dma2 semaphore(%arg15 : memref<!tpu.dma_semaphore, #tpu.memory_space<semaphore_mem>>) src(%arg12 : memref<4x8x8x128xf32, #tpu.memory_space<vmem>>) dst(%dma_wait3A_464 : memref<4x8x8x128xf32, #tpu.memory_space<hbm>>)
    %parallel_loop3A_465 = arith.constant 0 : i32
    %parallel_loop3A_466 = arith.constant 2048 : i32
    %parallel_loop3A_467 = arith.constant 1 : i32
    scf.for %parallel_loop3A_783 = %parallel_loop3A_465 to %parallel_loop3A_466 step %parallel_loop3A_467  : i32 {
      %parallel_loop3A_784 = arith.constant 6 : i32
      %parallel_loop3A_785 = arith.shrsi %parallel_loop3A_783, %parallel_loop3A_784 : i32
      %parallel_loop3A_786 = arith.constant 63 : i32
      %parallel_loop3A_787 = arith.andi %parallel_loop3A_783, %parallel_loop3A_786 : i32
      %parallel_loop3A_788 = arith.constant 3 : i32
      %parallel_loop3A_789 = arith.shrsi %parallel_loop3A_787, %parallel_loop3A_788 : i32
      %parallel_loop3A_790 = arith.constant 7 : i32
      %parallel_loop3A_791 = arith.andi %parallel_loop3A_787, %parallel_loop3A_790 : i32
      %parallel_loop3A_792 = arith.constant 16 : i32
      %parallel_loop3A_793 = arith.muli %parallel_loop3A_791, %parallel_loop3A_792 : i32
      %parallel_loop3A_794 = arith.constant 16 : i32
      %parallel_loop3A_795 = arith.muli %parallel_loop3A_787, %parallel_loop3A_794 : i32
      %parallel_loop3A_796 = arith.index_cast %parallel_loop3A_785 : i32 to index
      %parallel_loop3A_797 = arith.index_cast %parallel_loop3A_795 : i32 to index
      %parallel_loop3A_798 = tpu.vector_load %arg7[%parallel_loop3A_796, %parallel_loop3A_797] {strides = array<i32>} : memref<32x1024xi32, #tpu.memory_space<vmem>>, vector<16xi32>,
      %parallel_loop3A_799 = tpu.vector_load_idx %arg9[%parallel_loop3A_798] : memref<8192xf32, #tpu.memory_space<vmem>>[vector<16xi32>], vector<16xf32>,
      %parallel_loop3A_800 = arith.constant 3 : i32
      %parallel_loop3A_801 = arith.shrsi %parallel_loop3A_785, %parallel_loop3A_800 : i32
      %parallel_loop3A_802 = arith.constant 7 : i32
      %parallel_loop3A_803 = arith.andi %parallel_loop3A_785, %parallel_loop3A_802 : i32
      %parallel_loop3A_804 = arith.index_cast %parallel_loop3A_801 : i32 to index
      %parallel_loop3A_805 = arith.index_cast %parallel_loop3A_789 : i32 to index
      %parallel_loop3A_806 = arith.index_cast %parallel_loop3A_803 : i32 to index
      %parallel_loop3A_807 = arith.index_cast %parallel_loop3A_793 : i32 to index
      %parallel_loop3A_808 = tpu.vector_load %arg12[%parallel_loop3A_804, %parallel_loop3A_805, %parallel_loop3A_806, %parallel_loop3A_807] {strides = array<i32>} : memref<4x8x8x128xf32, #tpu.memory_space<vmem>>, vector<16xf32>,
      tpu.vector_store %arg12[%parallel_loop3A_804, %parallel_loop3A_805, %parallel_loop3A_806, %parallel_loop3A_807], %parallel_loop3A_799 {strides = array<i32>} : memref<4x8x8x128xf32, #tpu.memory_space<vmem>>, vector<16xf32>,
    } {sc.loop_unroll_factor = 8 : i64, sc.parallel_access}
    %dma_start3A_468 = arith.constant 0 : i32
    %dma_start3A_469 = arith.constant 0 : i32
    %dma_start3A_470 = arith.constant 0 : i32
    %dma_start3A_471 = arith.constant 0 : i32
    %dma_start3A_472 = tpu.memref_slice %arg6[%select_n3A, %add3A_442, %dma_start3A_468, %dma_start3A_469, %dma_start3A_470, %dma_start3A_471] : memref<4x131x4x8x8x128xf32, #tpu.memory_space<hbm>> -> memref<1x1x4x8x8x128xf32, #tpu.memory_space<hbm>>
    %dma_start3A_473 = tpu.memref_squeeze %dma_start3A_472 : memref<1x1x4x8x8x128xf32, #tpu.memory_space<hbm>> -> memref<4x8x8x128xf32, #tpu.memory_space<hbm>>
    %dma_start3A_474 = arith.constant 0 : i32
    %dma_start3A_475 = arith.constant 0 : i32
    %dma_start3A_476 = arith.constant 0 : i32
    %dma_start3A_477 = arith.constant 0 : i32
    %dma_start3A_478 = tpu.memref_slice %arg6[%select_n3A, %add3A_442, %dma_start3A_474, %dma_start3A_475, %dma_start3A_476, %dma_start3A_477] : memref<4x131x4x8x8x128xf32, #tpu.memory_space<hbm>> -> memref<1x1x4x8x8x128xf32, #tpu.memory_space<hbm>>
    %dma_start3A_479 = tpu.memref_squeeze %dma_start3A_478 : memref<1x1x4x8x8x128xf32, #tpu.memory_space<hbm>> -> memref<4x8x8x128xf32, #tpu.memory_space<hbm>>
    tpu.enqueue_dma source(%arg12 : memref<4x8x8x128xf32, #tpu.memory_space<vmem>>) target(%dma_start3A_479 : memref<4x8x8x128xf32, #tpu.memory_space<hbm>>) target_semaphore(%arg15 : memref<!tpu.dma_semaphore, #tpu.memory_space<semaphore_mem>>)
    %dma_wait3A_480 = arith.constant 0 : i32
    %dma_wait3A_481 = tpu.memref_slice %arg3[%select_n3A, %sub3A_446, %dma_wait3A_480] : memref<4x128x8192xf32, #tpu.memory_space<hbm>> -> memref<1x1x8192xf32, #tpu.memory_space<hbm>>
    %dma_wait3A_482 = tpu.memref_squeeze %dma_wait3A_481 : memref<1x1x8192xf32, #tpu.memory_space<hbm>> -> memref<8192xf32, #tpu.memory_space<hbm>>
    %dma_wait3A_483 = arith.constant 0 : i32
    %dma_wait3A_484 = tpu.memref_slice %arg3[%select_n3A, %sub3A_446, %dma_wait3A_483] : memref<4x128x8192xf32, #tpu.memory_space<hbm>> -> memref<1x1x8192xf32, #tpu.memory_space<hbm>>
    %dma_wait3A_485 = tpu.memref_squeeze %dma_wait3A_484 : memref<1x1x8192xf32, #tpu.memory_space<hbm>> -> memref<8192xf32, #tpu.memory_space<hbm>>
    tpu.wait_dma2 semaphore(%arg13 : memref<!tpu.dma_semaphore, #tpu.memory_space<semaphore_mem>>) src(%dma_wait3A_485 : memref<8192xf32, #tpu.memory_space<hbm>>) dst(%arg8 : memref<8192xf32, #tpu.memory_space<vmem>>)
    %add3A_486 = arith.constant 3 : i32
    %add3A_487 = arith.addi %add3A_486, %select_n3A_30 : i32
    %add3A_488 = arith.constant 80 : i32
    %add3A_489 = arith.addi %add3A_487, %add3A_488 : i32
    %add3A_490 = arith.constant 8 : i32
    %add3A_491 = arith.addi %add3A_489, %add3A_490 : i32
    %sub3A_492 = arith.constant 3 : i32
    %sub3A_493 = arith.subi %add3A_491, %sub3A_492 : i32
    %dma_start3A_494 = arith.constant 0 : i32
    %dma_start3A_495 = tpu.memref_slice %arg3[%select_n3A, %sub3A_493, %dma_start3A_494] : memref<4x128x8192xf32, #tpu.memory_space<hbm>> -> memref<1x1x8192xf32, #tpu.memory_space<hbm>>
    %dma_start3A_496 = tpu.memref_squeeze %dma_start3A_495 : memref<1x1x8192xf32, #tpu.memory_space<hbm>> -> memref<8192xf32, #tpu.memory_space<hbm>>
    %dma_start3A_497 = arith.constant 0 : i32
    %dma_start3A_498 = tpu.memref_slice %arg3[%select_n3A, %sub3A_493, %dma_start3A_497] : memref<4x128x8192xf32, #tpu.memory_space<hbm>> -> memref<1x1x8192xf32, #tpu.memory_space<hbm>>
    %dma_start3A_499 = tpu.memref_squeeze %dma_start3A_498 : memref<1x1x8192xf32, #tpu.memory_space<hbm>> -> memref<8192xf32, #tpu.memory_space<hbm>>
    tpu.enqueue_dma source(%dma_start3A_499 : memref<8192xf32, #tpu.memory_space<hbm>>) target(%arg9 : memref<8192xf32, #tpu.memory_space<vmem>>) target_semaphore(%arg13 : memref<!tpu.dma_semaphore, #tpu.memory_space<semaphore_mem>>)
    %dma_wait3A_500 = arith.constant 0 : i32
    %dma_wait3A_501 = arith.constant 0 : i32
    %dma_wait3A_502 = arith.constant 0 : i32
    %dma_wait3A_503 = arith.constant 0 : i32
    %dma_wait3A_504 = tpu.memref_slice %arg6[%select_n3A, %add3A_489, %dma_wait3A_500, %dma_wait3A_501, %dma_wait3A_502, %dma_wait3A_503] : memref<4x131x4x8x8x128xf32, #tpu.memory_space<hbm>> -> memref<1x1x4x8x8x128xf32, #tpu.memory_space<hbm>>
    %dma_wait3A_505 = tpu.memref_squeeze %dma_wait3A_504 : memref<1x1x4x8x8x128xf32, #tpu.memory_space<hbm>> -> memref<4x8x8x128xf32, #tpu.memory_space<hbm>>
    %dma_wait3A_506 = arith.constant 0 : i32
    %dma_wait3A_507 = arith.constant 0 : i32
    %dma_wait3A_508 = arith.constant 0 : i32
    %dma_wait3A_509 = arith.constant 0 : i32
    %dma_wait3A_510 = tpu.memref_slice %arg6[%select_n3A, %add3A_489, %dma_wait3A_506, %dma_wait3A_507, %dma_wait3A_508, %dma_wait3A_509] : memref<4x131x4x8x8x128xf32, #tpu.memory_space<hbm>> -> memref<1x1x4x8x8x128xf32, #tpu.memory_space<hbm>>
    %dma_wait3A_511 = tpu.memref_squeeze %dma_wait3A_510 : memref<1x1x4x8x8x128xf32, #tpu.memory_space<hbm>> -> memref<4x8x8x128xf32, #tpu.memory_space<hbm>>
    tpu.wait_dma2 semaphore(%arg14 : memref<!tpu.dma_semaphore, #tpu.memory_space<semaphore_mem>>) src(%arg11 : memref<4x8x8x128xf32, #tpu.memory_space<vmem>>) dst(%dma_wait3A_511 : memref<4x8x8x128xf32, #tpu.memory_space<hbm>>)
    %parallel_loop3A_512 = arith.constant 0 : i32
    %parallel_loop3A_513 = arith.constant 2048 : i32
    %parallel_loop3A_514 = arith.constant 1 : i32
    scf.for %parallel_loop3A_783 = %parallel_loop3A_512 to %parallel_loop3A_513 step %parallel_loop3A_514  : i32 {
      %parallel_loop3A_784 = arith.constant 6 : i32
      %parallel_loop3A_785 = arith.shrsi %parallel_loop3A_783, %parallel_loop3A_784 : i32
      %parallel_loop3A_786 = arith.constant 63 : i32
      %parallel_loop3A_787 = arith.andi %parallel_loop3A_783, %parallel_loop3A_786 : i32
      %parallel_loop3A_788 = arith.constant 3 : i32
      %parallel_loop3A_789 = arith.shrsi %parallel_loop3A_787, %parallel_loop3A_788 : i32
      %parallel_loop3A_790 = arith.constant 7 : i32
      %parallel_loop3A_791 = arith.andi %parallel_loop3A_787, %parallel_loop3A_790 : i32
      %parallel_loop3A_792 = arith.constant 16 : i32
      %parallel_loop3A_793 = arith.muli %parallel_loop3A_791, %parallel_loop3A_792 : i32
      %parallel_loop3A_794 = arith.constant 16 : i32
      %parallel_loop3A_795 = arith.muli %parallel_loop3A_787, %parallel_loop3A_794 : i32
      %parallel_loop3A_796 = arith.index_cast %parallel_loop3A_785 : i32 to index
      %parallel_loop3A_797 = arith.index_cast %parallel_loop3A_795 : i32 to index
      %parallel_loop3A_798 = tpu.vector_load %arg7[%parallel_loop3A_796, %parallel_loop3A_797] {strides = array<i32>} : memref<32x1024xi32, #tpu.memory_space<vmem>>, vector<16xi32>,
      %parallel_loop3A_799 = tpu.vector_load_idx %arg8[%parallel_loop3A_798] : memref<8192xf32, #tpu.memory_space<vmem>>[vector<16xi32>], vector<16xf32>,
      %parallel_loop3A_800 = arith.constant 3 : i32
      %parallel_loop3A_801 = arith.shrsi %parallel_loop3A_785, %parallel_loop3A_800 : i32
      %parallel_loop3A_802 = arith.constant 7 : i32
      %parallel_loop3A_803 = arith.andi %parallel_loop3A_785, %parallel_loop3A_802 : i32
      %parallel_loop3A_804 = arith.index_cast %parallel_loop3A_801 : i32 to index
      %parallel_loop3A_805 = arith.index_cast %parallel_loop3A_789 : i32 to index
      %parallel_loop3A_806 = arith.index_cast %parallel_loop3A_803 : i32 to index
      %parallel_loop3A_807 = arith.index_cast %parallel_loop3A_793 : i32 to index
      %parallel_loop3A_808 = tpu.vector_load %arg11[%parallel_loop3A_804, %parallel_loop3A_805, %parallel_loop3A_806, %parallel_loop3A_807] {strides = array<i32>} : memref<4x8x8x128xf32, #tpu.memory_space<vmem>>, vector<16xf32>,
      tpu.vector_store %arg11[%parallel_loop3A_804, %parallel_loop3A_805, %parallel_loop3A_806, %parallel_loop3A_807], %parallel_loop3A_799 {strides = array<i32>} : memref<4x8x8x128xf32, #tpu.memory_space<vmem>>, vector<16xf32>,
    } {sc.loop_unroll_factor = 8 : i64, sc.parallel_access}
    %dma_start3A_515 = arith.constant 0 : i32
    %dma_start3A_516 = arith.constant 0 : i32
    %dma_start3A_517 = arith.constant 0 : i32
    %dma_start3A_518 = arith.constant 0 : i32
    %dma_start3A_519 = tpu.memref_slice %arg6[%select_n3A, %add3A_489, %dma_start3A_515, %dma_start3A_516, %dma_start3A_517, %dma_start3A_518] : memref<4x131x4x8x8x128xf32, #tpu.memory_space<hbm>> -> memref<1x1x4x8x8x128xf32, #tpu.memory_space<hbm>>
    %dma_start3A_520 = tpu.memref_squeeze %dma_start3A_519 : memref<1x1x4x8x8x128xf32, #tpu.memory_space<hbm>> -> memref<4x8x8x128xf32, #tpu.memory_space<hbm>>
    %dma_start3A_521 = arith.constant 0 : i32
    %dma_start3A_522 = arith.constant 0 : i32
    %dma_start3A_523 = arith.constant 0 : i32
    %dma_start3A_524 = arith.constant 0 : i32
    %dma_start3A_525 = tpu.memref_slice %arg6[%select_n3A, %add3A_489, %dma_start3A_521, %dma_start3A_522, %dma_start3A_523, %dma_start3A_524] : memref<4x131x4x8x8x128xf32, #tpu.memory_space<hbm>> -> memref<1x1x4x8x8x128xf32, #tpu.memory_space<hbm>>
    %dma_start3A_526 = tpu.memref_squeeze %dma_start3A_525 : memref<1x1x4x8x8x128xf32, #tpu.memory_space<hbm>> -> memref<4x8x8x128xf32, #tpu.memory_space<hbm>>
    tpu.enqueue_dma source(%arg11 : memref<4x8x8x128xf32, #tpu.memory_space<vmem>>) target(%dma_start3A_526 : memref<4x8x8x128xf32, #tpu.memory_space<hbm>>) target_semaphore(%arg14 : memref<!tpu.dma_semaphore, #tpu.memory_space<semaphore_mem>>)
    %dma_wait3A_527 = arith.constant 0 : i32
    %dma_wait3A_528 = tpu.memref_slice %arg3[%select_n3A, %sub3A_493, %dma_wait3A_527] : memref<4x128x8192xf32, #tpu.memory_space<hbm>> -> memref<1x1x8192xf32, #tpu.memory_space<hbm>>
    %dma_wait3A_529 = tpu.memref_squeeze %dma_wait3A_528 : memref<1x1x8192xf32, #tpu.memory_space<hbm>> -> memref<8192xf32, #tpu.memory_space<hbm>>
    %dma_wait3A_530 = arith.constant 0 : i32
    %dma_wait3A_531 = tpu.memref_slice %arg3[%select_n3A, %sub3A_493, %dma_wait3A_530] : memref<4x128x8192xf32, #tpu.memory_space<hbm>> -> memref<1x1x8192xf32, #tpu.memory_space<hbm>>
    %dma_wait3A_532 = tpu.memref_squeeze %dma_wait3A_531 : memref<1x1x8192xf32, #tpu.memory_space<hbm>> -> memref<8192xf32, #tpu.memory_space<hbm>>
    tpu.wait_dma2 semaphore(%arg13 : memref<!tpu.dma_semaphore, #tpu.memory_space<semaphore_mem>>) src(%dma_wait3A_532 : memref<8192xf32, #tpu.memory_space<hbm>>) dst(%arg9 : memref<8192xf32, #tpu.memory_space<vmem>>)
    %add3A_533 = arith.constant 3 : i32
    %add3A_534 = arith.addi %add3A_533, %select_n3A_30 : i32
    %add3A_535 = arith.constant 88 : i32
    %add3A_536 = arith.addi %add3A_534, %add3A_535 : i32
    %add3A_537 = arith.constant 8 : i32
    %add3A_538 = arith.addi %add3A_536, %add3A_537 : i32
    %sub3A_539 = arith.constant 3 : i32
    %sub3A_540 = arith.subi %add3A_538, %sub3A_539 : i32
    %dma_start3A_541 = arith.constant 0 : i32
    %dma_start3A_542 = tpu.memref_slice %arg3[%select_n3A, %sub3A_540, %dma_start3A_541] : memref<4x128x8192xf32, #tpu.memory_space<hbm>> -> memref<1x1x8192xf32, #tpu.memory_space<hbm>>
    %dma_start3A_543 = tpu.memref_squeeze %dma_start3A_542 : memref<1x1x8192xf32, #tpu.memory_space<hbm>> -> memref<8192xf32, #tpu.memory_space<hbm>>
    %dma_start3A_544 = arith.constant 0 : i32
    %dma_start3A_545 = tpu.memref_slice %arg3[%select_n3A, %sub3A_540, %dma_start3A_544] : memref<4x128x8192xf32, #tpu.memory_space<hbm>> -> memref<1x1x8192xf32, #tpu.memory_space<hbm>>
    %dma_start3A_546 = tpu.memref_squeeze %dma_start3A_545 : memref<1x1x8192xf32, #tpu.memory_space<hbm>> -> memref<8192xf32, #tpu.memory_space<hbm>>
    tpu.enqueue_dma source(%dma_start3A_546 : memref<8192xf32, #tpu.memory_space<hbm>>) target(%arg8 : memref<8192xf32, #tpu.memory_space<vmem>>) target_semaphore(%arg13 : memref<!tpu.dma_semaphore, #tpu.memory_space<semaphore_mem>>)
    %dma_wait3A_547 = arith.constant 0 : i32
    %dma_wait3A_548 = arith.constant 0 : i32
    %dma_wait3A_549 = arith.constant 0 : i32
    %dma_wait3A_550 = arith.constant 0 : i32
    %dma_wait3A_551 = tpu.memref_slice %arg6[%select_n3A, %add3A_536, %dma_wait3A_547, %dma_wait3A_548, %dma_wait3A_549, %dma_wait3A_550] : memref<4x131x4x8x8x128xf32, #tpu.memory_space<hbm>> -> memref<1x1x4x8x8x128xf32, #tpu.memory_space<hbm>>
    %dma_wait3A_552 = tpu.memref_squeeze %dma_wait3A_551 : memref<1x1x4x8x8x128xf32, #tpu.memory_space<hbm>> -> memref<4x8x8x128xf32, #tpu.memory_space<hbm>>
    %dma_wait3A_553 = arith.constant 0 : i32
    %dma_wait3A_554 = arith.constant 0 : i32
    %dma_wait3A_555 = arith.constant 0 : i32
    %dma_wait3A_556 = arith.constant 0 : i32
    %dma_wait3A_557 = tpu.memref_slice %arg6[%select_n3A, %add3A_536, %dma_wait3A_553, %dma_wait3A_554, %dma_wait3A_555, %dma_wait3A_556] : memref<4x131x4x8x8x128xf32, #tpu.memory_space<hbm>> -> memref<1x1x4x8x8x128xf32, #tpu.memory_space<hbm>>
    %dma_wait3A_558 = tpu.memref_squeeze %dma_wait3A_557 : memref<1x1x4x8x8x128xf32, #tpu.memory_space<hbm>> -> memref<4x8x8x128xf32, #tpu.memory_space<hbm>>
    tpu.wait_dma2 semaphore(%arg15 : memref<!tpu.dma_semaphore, #tpu.memory_space<semaphore_mem>>) src(%arg12 : memref<4x8x8x128xf32, #tpu.memory_space<vmem>>) dst(%dma_wait3A_558 : memref<4x8x8x128xf32, #tpu.memory_space<hbm>>)
    %parallel_loop3A_559 = arith.constant 0 : i32
    %parallel_loop3A_560 = arith.constant 2048 : i32
    %parallel_loop3A_561 = arith.constant 1 : i32
    scf.for %parallel_loop3A_783 = %parallel_loop3A_559 to %parallel_loop3A_560 step %parallel_loop3A_561  : i32 {
      %parallel_loop3A_784 = arith.constant 6 : i32
      %parallel_loop3A_785 = arith.shrsi %parallel_loop3A_783, %parallel_loop3A_784 : i32
      %parallel_loop3A_786 = arith.constant 63 : i32
      %parallel_loop3A_787 = arith.andi %parallel_loop3A_783, %parallel_loop3A_786 : i32
      %parallel_loop3A_788 = arith.constant 3 : i32
      %parallel_loop3A_789 = arith.shrsi %parallel_loop3A_787, %parallel_loop3A_788 : i32
      %parallel_loop3A_790 = arith.constant 7 : i32
      %parallel_loop3A_791 = arith.andi %parallel_loop3A_787, %parallel_loop3A_790 : i32
      %parallel_loop3A_792 = arith.constant 16 : i32
      %parallel_loop3A_793 = arith.muli %parallel_loop3A_791, %parallel_loop3A_792 : i32
      %parallel_loop3A_794 = arith.constant 16 : i32
      %parallel_loop3A_795 = arith.muli %parallel_loop3A_787, %parallel_loop3A_794 : i32
      %parallel_loop3A_796 = arith.index_cast %parallel_loop3A_785 : i32 to index
      %parallel_loop3A_797 = arith.index_cast %parallel_loop3A_795 : i32 to index
      %parallel_loop3A_798 = tpu.vector_load %arg7[%parallel_loop3A_796, %parallel_loop3A_797] {strides = array<i32>} : memref<32x1024xi32, #tpu.memory_space<vmem>>, vector<16xi32>,
      %parallel_loop3A_799 = tpu.vector_load_idx %arg9[%parallel_loop3A_798] : memref<8192xf32, #tpu.memory_space<vmem>>[vector<16xi32>], vector<16xf32>,
      %parallel_loop3A_800 = arith.constant 3 : i32
      %parallel_loop3A_801 = arith.shrsi %parallel_loop3A_785, %parallel_loop3A_800 : i32
      %parallel_loop3A_802 = arith.constant 7 : i32
      %parallel_loop3A_803 = arith.andi %parallel_loop3A_785, %parallel_loop3A_802 : i32
      %parallel_loop3A_804 = arith.index_cast %parallel_loop3A_801 : i32 to index
      %parallel_loop3A_805 = arith.index_cast %parallel_loop3A_789 : i32 to index
      %parallel_loop3A_806 = arith.index_cast %parallel_loop3A_803 : i32 to index
      %parallel_loop3A_807 = arith.index_cast %parallel_loop3A_793 : i32 to index
      %parallel_loop3A_808 = tpu.vector_load %arg12[%parallel_loop3A_804, %parallel_loop3A_805, %parallel_loop3A_806, %parallel_loop3A_807] {strides = array<i32>} : memref<4x8x8x128xf32, #tpu.memory_space<vmem>>, vector<16xf32>,
      tpu.vector_store %arg12[%parallel_loop3A_804, %parallel_loop3A_805, %parallel_loop3A_806, %parallel_loop3A_807], %parallel_loop3A_799 {strides = array<i32>} : memref<4x8x8x128xf32, #tpu.memory_space<vmem>>, vector<16xf32>,
    } {sc.loop_unroll_factor = 8 : i64, sc.parallel_access}
    %dma_start3A_562 = arith.constant 0 : i32
    %dma_start3A_563 = arith.constant 0 : i32
    %dma_start3A_564 = arith.constant 0 : i32
    %dma_start3A_565 = arith.constant 0 : i32
    %dma_start3A_566 = tpu.memref_slice %arg6[%select_n3A, %add3A_536, %dma_start3A_562, %dma_start3A_563, %dma_start3A_564, %dma_start3A_565] : memref<4x131x4x8x8x128xf32, #tpu.memory_space<hbm>> -> memref<1x1x4x8x8x128xf32, #tpu.memory_space<hbm>>
    %dma_start3A_567 = tpu.memref_squeeze %dma_start3A_566 : memref<1x1x4x8x8x128xf32, #tpu.memory_space<hbm>> -> memref<4x8x8x128xf32, #tpu.memory_space<hbm>>
    %dma_start3A_568 = arith.constant 0 : i32
    %dma_start3A_569 = arith.constant 0 : i32
    %dma_start3A_570 = arith.constant 0 : i32
    %dma_start3A_571 = arith.constant 0 : i32
    %dma_start3A_572 = tpu.memref_slice %arg6[%select_n3A, %add3A_536, %dma_start3A_568, %dma_start3A_569, %dma_start3A_570, %dma_start3A_571] : memref<4x131x4x8x8x128xf32, #tpu.memory_space<hbm>> -> memref<1x1x4x8x8x128xf32, #tpu.memory_space<hbm>>
    %dma_start3A_573 = tpu.memref_squeeze %dma_start3A_572 : memref<1x1x4x8x8x128xf32, #tpu.memory_space<hbm>> -> memref<4x8x8x128xf32, #tpu.memory_space<hbm>>
    tpu.enqueue_dma source(%arg12 : memref<4x8x8x128xf32, #tpu.memory_space<vmem>>) target(%dma_start3A_573 : memref<4x8x8x128xf32, #tpu.memory_space<hbm>>) target_semaphore(%arg15 : memref<!tpu.dma_semaphore, #tpu.memory_space<semaphore_mem>>)
    %dma_wait3A_574 = arith.constant 0 : i32
    %dma_wait3A_575 = tpu.memref_slice %arg3[%select_n3A, %sub3A_540, %dma_wait3A_574] : memref<4x128x8192xf32, #tpu.memory_space<hbm>> -> memref<1x1x8192xf32, #tpu.memory_space<hbm>>
    %dma_wait3A_576 = tpu.memref_squeeze %dma_wait3A_575 : memref<1x1x8192xf32, #tpu.memory_space<hbm>> -> memref<8192xf32, #tpu.memory_space<hbm>>
    %dma_wait3A_577 = arith.constant 0 : i32
    %dma_wait3A_578 = tpu.memref_slice %arg3[%select_n3A, %sub3A_540, %dma_wait3A_577] : memref<4x128x8192xf32, #tpu.memory_space<hbm>> -> memref<1x1x8192xf32, #tpu.memory_space<hbm>>
    %dma_wait3A_579 = tpu.memref_squeeze %dma_wait3A_578 : memref<1x1x8192xf32, #tpu.memory_space<hbm>> -> memref<8192xf32, #tpu.memory_space<hbm>>
    tpu.wait_dma2 semaphore(%arg13 : memref<!tpu.dma_semaphore, #tpu.memory_space<semaphore_mem>>) src(%dma_wait3A_579 : memref<8192xf32, #tpu.memory_space<hbm>>) dst(%arg8 : memref<8192xf32, #tpu.memory_space<vmem>>)
    %add3A_580 = arith.constant 3 : i32
    %add3A_581 = arith.addi %add3A_580, %select_n3A_30 : i32
    %add3A_582 = arith.constant 96 : i32
    %add3A_583 = arith.addi %add3A_581, %add3A_582 : i32
    %add3A_584 = arith.constant 8 : i32
    %add3A_585 = arith.addi %add3A_583, %add3A_584 : i32
    %sub3A_586 = arith.constant 3 : i32
    %sub3A_587 = arith.subi %add3A_585, %sub3A_586 : i32
    %dma_start3A_588 = arith.constant 0 : i32
    %dma_start3A_589 = tpu.memref_slice %arg3[%select_n3A, %sub3A_587, %dma_start3A_588] : memref<4x128x8192xf32, #tpu.memory_space<hbm>> -> memref<1x1x8192xf32, #tpu.memory_space<hbm>>
    %dma_start3A_590 = tpu.memref_squeeze %dma_start3A_589 : memref<1x1x8192xf32, #tpu.memory_space<hbm>> -> memref<8192xf32, #tpu.memory_space<hbm>>
    %dma_start3A_591 = arith.constant 0 : i32
    %dma_start3A_592 = tpu.memref_slice %arg3[%select_n3A, %sub3A_587, %dma_start3A_591] : memref<4x128x8192xf32, #tpu.memory_space<hbm>> -> memref<1x1x8192xf32, #tpu.memory_space<hbm>>
    %dma_start3A_593 = tpu.memref_squeeze %dma_start3A_592 : memref<1x1x8192xf32, #tpu.memory_space<hbm>> -> memref<8192xf32, #tpu.memory_space<hbm>>
    tpu.enqueue_dma source(%dma_start3A_593 : memref<8192xf32, #tpu.memory_space<hbm>>) target(%arg9 : memref<8192xf32, #tpu.memory_space<vmem>>) target_semaphore(%arg13 : memref<!tpu.dma_semaphore, #tpu.memory_space<semaphore_mem>>)
    %dma_wait3A_594 = arith.constant 0 : i32
    %dma_wait3A_595 = arith.constant 0 : i32
    %dma_wait3A_596 = arith.constant 0 : i32
    %dma_wait3A_597 = arith.constant 0 : i32
    %dma_wait3A_598 = tpu.memref_slice %arg6[%select_n3A, %add3A_583, %dma_wait3A_594, %dma_wait3A_595, %dma_wait3A_596, %dma_wait3A_597] : memref<4x131x4x8x8x128xf32, #tpu.memory_space<hbm>> -> memref<1x1x4x8x8x128xf32, #tpu.memory_space<hbm>>
    %dma_wait3A_599 = tpu.memref_squeeze %dma_wait3A_598 : memref<1x1x4x8x8x128xf32, #tpu.memory_space<hbm>> -> memref<4x8x8x128xf32, #tpu.memory_space<hbm>>
    %dma_wait3A_600 = arith.constant 0 : i32
    %dma_wait3A_601 = arith.constant 0 : i32
    %dma_wait3A_602 = arith.constant 0 : i32
    %dma_wait3A_603 = arith.constant 0 : i32
    %dma_wait3A_604 = tpu.memref_slice %arg6[%select_n3A, %add3A_583, %dma_wait3A_600, %dma_wait3A_601, %dma_wait3A_602, %dma_wait3A_603] : memref<4x131x4x8x8x128xf32, #tpu.memory_space<hbm>> -> memref<1x1x4x8x8x128xf32, #tpu.memory_space<hbm>>
    %dma_wait3A_605 = tpu.memref_squeeze %dma_wait3A_604 : memref<1x1x4x8x8x128xf32, #tpu.memory_space<hbm>> -> memref<4x8x8x128xf32, #tpu.memory_space<hbm>>
    tpu.wait_dma2 semaphore(%arg14 : memref<!tpu.dma_semaphore, #tpu.memory_space<semaphore_mem>>) src(%arg11 : memref<4x8x8x128xf32, #tpu.memory_space<vmem>>) dst(%dma_wait3A_605 : memref<4x8x8x128xf32, #tpu.memory_space<hbm>>)
    %parallel_loop3A_606 = arith.constant 0 : i32
    %parallel_loop3A_607 = arith.constant 2048 : i32
    %parallel_loop3A_608 = arith.constant 1 : i32
    scf.for %parallel_loop3A_783 = %parallel_loop3A_606 to %parallel_loop3A_607 step %parallel_loop3A_608  : i32 {
      %parallel_loop3A_784 = arith.constant 6 : i32
      %parallel_loop3A_785 = arith.shrsi %parallel_loop3A_783, %parallel_loop3A_784 : i32
      %parallel_loop3A_786 = arith.constant 63 : i32
      %parallel_loop3A_787 = arith.andi %parallel_loop3A_783, %parallel_loop3A_786 : i32
      %parallel_loop3A_788 = arith.constant 3 : i32
      %parallel_loop3A_789 = arith.shrsi %parallel_loop3A_787, %parallel_loop3A_788 : i32
      %parallel_loop3A_790 = arith.constant 7 : i32
      %parallel_loop3A_791 = arith.andi %parallel_loop3A_787, %parallel_loop3A_790 : i32
      %parallel_loop3A_792 = arith.constant 16 : i32
      %parallel_loop3A_793 = arith.muli %parallel_loop3A_791, %parallel_loop3A_792 : i32
      %parallel_loop3A_794 = arith.constant 16 : i32
      %parallel_loop3A_795 = arith.muli %parallel_loop3A_787, %parallel_loop3A_794 : i32
      %parallel_loop3A_796 = arith.index_cast %parallel_loop3A_785 : i32 to index
      %parallel_loop3A_797 = arith.index_cast %parallel_loop3A_795 : i32 to index
      %parallel_loop3A_798 = tpu.vector_load %arg7[%parallel_loop3A_796, %parallel_loop3A_797] {strides = array<i32>} : memref<32x1024xi32, #tpu.memory_space<vmem>>, vector<16xi32>,
      %parallel_loop3A_799 = tpu.vector_load_idx %arg8[%parallel_loop3A_798] : memref<8192xf32, #tpu.memory_space<vmem>>[vector<16xi32>], vector<16xf32>,
      %parallel_loop3A_800 = arith.constant 3 : i32
      %parallel_loop3A_801 = arith.shrsi %parallel_loop3A_785, %parallel_loop3A_800 : i32
      %parallel_loop3A_802 = arith.constant 7 : i32
      %parallel_loop3A_803 = arith.andi %parallel_loop3A_785, %parallel_loop3A_802 : i32
      %parallel_loop3A_804 = arith.index_cast %parallel_loop3A_801 : i32 to index
      %parallel_loop3A_805 = arith.index_cast %parallel_loop3A_789 : i32 to index
      %parallel_loop3A_806 = arith.index_cast %parallel_loop3A_803 : i32 to index
      %parallel_loop3A_807 = arith.index_cast %parallel_loop3A_793 : i32 to index
      %parallel_loop3A_808 = tpu.vector_load %arg11[%parallel_loop3A_804, %parallel_loop3A_805, %parallel_loop3A_806, %parallel_loop3A_807] {strides = array<i32>} : memref<4x8x8x128xf32, #tpu.memory_space<vmem>>, vector<16xf32>,
      tpu.vector_store %arg11[%parallel_loop3A_804, %parallel_loop3A_805, %parallel_loop3A_806, %parallel_loop3A_807], %parallel_loop3A_799 {strides = array<i32>} : memref<4x8x8x128xf32, #tpu.memory_space<vmem>>, vector<16xf32>,
    } {sc.loop_unroll_factor = 8 : i64, sc.parallel_access}
    %dma_start3A_609 = arith.constant 0 : i32
    %dma_start3A_610 = arith.constant 0 : i32
    %dma_start3A_611 = arith.constant 0 : i32
    %dma_start3A_612 = arith.constant 0 : i32
    %dma_start3A_613 = tpu.memref_slice %arg6[%select_n3A, %add3A_583, %dma_start3A_609, %dma_start3A_610, %dma_start3A_611, %dma_start3A_612] : memref<4x131x4x8x8x128xf32, #tpu.memory_space<hbm>> -> memref<1x1x4x8x8x128xf32, #tpu.memory_space<hbm>>
    %dma_start3A_614 = tpu.memref_squeeze %dma_start3A_613 : memref<1x1x4x8x8x128xf32, #tpu.memory_space<hbm>> -> memref<4x8x8x128xf32, #tpu.memory_space<hbm>>
    %dma_start3A_615 = arith.constant 0 : i32
    %dma_start3A_616 = arith.constant 0 : i32
    %dma_start3A_617 = arith.constant 0 : i32
    %dma_start3A_618 = arith.constant 0 : i32
    %dma_start3A_619 = tpu.memref_slice %arg6[%select_n3A, %add3A_583, %dma_start3A_615, %dma_start3A_616, %dma_start3A_617, %dma_start3A_618] : memref<4x131x4x8x8x128xf32, #tpu.memory_space<hbm>> -> memref<1x1x4x8x8x128xf32, #tpu.memory_space<hbm>>
    %dma_start3A_620 = tpu.memref_squeeze %dma_start3A_619 : memref<1x1x4x8x8x128xf32, #tpu.memory_space<hbm>> -> memref<4x8x8x128xf32, #tpu.memory_space<hbm>>
    tpu.enqueue_dma source(%arg11 : memref<4x8x8x128xf32, #tpu.memory_space<vmem>>) target(%dma_start3A_620 : memref<4x8x8x128xf32, #tpu.memory_space<hbm>>) target_semaphore(%arg14 : memref<!tpu.dma_semaphore, #tpu.memory_space<semaphore_mem>>)
    %dma_wait3A_621 = arith.constant 0 : i32
    %dma_wait3A_622 = tpu.memref_slice %arg3[%select_n3A, %sub3A_587, %dma_wait3A_621] : memref<4x128x8192xf32, #tpu.memory_space<hbm>> -> memref<1x1x8192xf32, #tpu.memory_space<hbm>>
    %dma_wait3A_623 = tpu.memref_squeeze %dma_wait3A_622 : memref<1x1x8192xf32, #tpu.memory_space<hbm>> -> memref<8192xf32, #tpu.memory_space<hbm>>
    %dma_wait3A_624 = arith.constant 0 : i32
    %dma_wait3A_625 = tpu.memref_slice %arg3[%select_n3A, %sub3A_587, %dma_wait3A_624] : memref<4x128x8192xf32, #tpu.memory_space<hbm>> -> memref<1x1x8192xf32, #tpu.memory_space<hbm>>
    %dma_wait3A_626 = tpu.memref_squeeze %dma_wait3A_625 : memref<1x1x8192xf32, #tpu.memory_space<hbm>> -> memref<8192xf32, #tpu.memory_space<hbm>>
    tpu.wait_dma2 semaphore(%arg13 : memref<!tpu.dma_semaphore, #tpu.memory_space<semaphore_mem>>) src(%dma_wait3A_626 : memref<8192xf32, #tpu.memory_space<hbm>>) dst(%arg9 : memref<8192xf32, #tpu.memory_space<vmem>>)
    %add3A_627 = arith.constant 3 : i32
    %add3A_628 = arith.addi %add3A_627, %select_n3A_30 : i32
    %add3A_629 = arith.constant 104 : i32
    %add3A_630 = arith.addi %add3A_628, %add3A_629 : i32
    %add3A_631 = arith.constant 8 : i32
    %add3A_632 = arith.addi %add3A_630, %add3A_631 : i32
    %sub3A_633 = arith.constant 3 : i32
    %sub3A_634 = arith.subi %add3A_632, %sub3A_633 : i32
    %dma_start3A_635 = arith.constant 0 : i32
    %dma_start3A_636 = tpu.memref_slice %arg3[%select_n3A, %sub3A_634, %dma_start3A_635] : memref<4x128x8192xf32, #tpu.memory_space<hbm>> -> memref<1x1x8192xf32, #tpu.memory_space<hbm>>
    %dma_start3A_637 = tpu.memref_squeeze %dma_start3A_636 : memref<1x1x8192xf32, #tpu.memory_space<hbm>> -> memref<8192xf32, #tpu.memory_space<hbm>>
    %dma_start3A_638 = arith.constant 0 : i32
    %dma_start3A_639 = tpu.memref_slice %arg3[%select_n3A, %sub3A_634, %dma_start3A_638] : memref<4x128x8192xf32, #tpu.memory_space<hbm>> -> memref<1x1x8192xf32, #tpu.memory_space<hbm>>
    %dma_start3A_640 = tpu.memref_squeeze %dma_start3A_639 : memref<1x1x8192xf32, #tpu.memory_space<hbm>> -> memref<8192xf32, #tpu.memory_space<hbm>>
    tpu.enqueue_dma source(%dma_start3A_640 : memref<8192xf32, #tpu.memory_space<hbm>>) target(%arg8 : memref<8192xf32, #tpu.memory_space<vmem>>) target_semaphore(%arg13 : memref<!tpu.dma_semaphore, #tpu.memory_space<semaphore_mem>>)
    %dma_wait3A_641 = arith.constant 0 : i32
    %dma_wait3A_642 = arith.constant 0 : i32
    %dma_wait3A_643 = arith.constant 0 : i32
    %dma_wait3A_644 = arith.constant 0 : i32
    %dma_wait3A_645 = tpu.memref_slice %arg6[%select_n3A, %add3A_630, %dma_wait3A_641, %dma_wait3A_642, %dma_wait3A_643, %dma_wait3A_644] : memref<4x131x4x8x8x128xf32, #tpu.memory_space<hbm>> -> memref<1x1x4x8x8x128xf32, #tpu.memory_space<hbm>>
    %dma_wait3A_646 = tpu.memref_squeeze %dma_wait3A_645 : memref<1x1x4x8x8x128xf32, #tpu.memory_space<hbm>> -> memref<4x8x8x128xf32, #tpu.memory_space<hbm>>
    %dma_wait3A_647 = arith.constant 0 : i32
    %dma_wait3A_648 = arith.constant 0 : i32
    %dma_wait3A_649 = arith.constant 0 : i32
    %dma_wait3A_650 = arith.constant 0 : i32
    %dma_wait3A_651 = tpu.memref_slice %arg6[%select_n3A, %add3A_630, %dma_wait3A_647, %dma_wait3A_648, %dma_wait3A_649, %dma_wait3A_650] : memref<4x131x4x8x8x128xf32, #tpu.memory_space<hbm>> -> memref<1x1x4x8x8x128xf32, #tpu.memory_space<hbm>>
    %dma_wait3A_652 = tpu.memref_squeeze %dma_wait3A_651 : memref<1x1x4x8x8x128xf32, #tpu.memory_space<hbm>> -> memref<4x8x8x128xf32, #tpu.memory_space<hbm>>
    tpu.wait_dma2 semaphore(%arg15 : memref<!tpu.dma_semaphore, #tpu.memory_space<semaphore_mem>>) src(%arg12 : memref<4x8x8x128xf32, #tpu.memory_space<vmem>>) dst(%dma_wait3A_652 : memref<4x8x8x128xf32, #tpu.memory_space<hbm>>)
    %parallel_loop3A_653 = arith.constant 0 : i32
    %parallel_loop3A_654 = arith.constant 2048 : i32
    %parallel_loop3A_655 = arith.constant 1 : i32
    scf.for %parallel_loop3A_783 = %parallel_loop3A_653 to %parallel_loop3A_654 step %parallel_loop3A_655  : i32 {
      %parallel_loop3A_784 = arith.constant 6 : i32
      %parallel_loop3A_785 = arith.shrsi %parallel_loop3A_783, %parallel_loop3A_784 : i32
      %parallel_loop3A_786 = arith.constant 63 : i32
      %parallel_loop3A_787 = arith.andi %parallel_loop3A_783, %parallel_loop3A_786 : i32
      %parallel_loop3A_788 = arith.constant 3 : i32
      %parallel_loop3A_789 = arith.shrsi %parallel_loop3A_787, %parallel_loop3A_788 : i32
      %parallel_loop3A_790 = arith.constant 7 : i32
      %parallel_loop3A_791 = arith.andi %parallel_loop3A_787, %parallel_loop3A_790 : i32
      %parallel_loop3A_792 = arith.constant 16 : i32
      %parallel_loop3A_793 = arith.muli %parallel_loop3A_791, %parallel_loop3A_792 : i32
      %parallel_loop3A_794 = arith.constant 16 : i32
      %parallel_loop3A_795 = arith.muli %parallel_loop3A_787, %parallel_loop3A_794 : i32
      %parallel_loop3A_796 = arith.index_cast %parallel_loop3A_785 : i32 to index
      %parallel_loop3A_797 = arith.index_cast %parallel_loop3A_795 : i32 to index
      %parallel_loop3A_798 = tpu.vector_load %arg7[%parallel_loop3A_796, %parallel_loop3A_797] {strides = array<i32>} : memref<32x1024xi32, #tpu.memory_space<vmem>>, vector<16xi32>,
      %parallel_loop3A_799 = tpu.vector_load_idx %arg9[%parallel_loop3A_798] : memref<8192xf32, #tpu.memory_space<vmem>>[vector<16xi32>], vector<16xf32>,
      %parallel_loop3A_800 = arith.constant 3 : i32
      %parallel_loop3A_801 = arith.shrsi %parallel_loop3A_785, %parallel_loop3A_800 : i32
      %parallel_loop3A_802 = arith.constant 7 : i32
      %parallel_loop3A_803 = arith.andi %parallel_loop3A_785, %parallel_loop3A_802 : i32
      %parallel_loop3A_804 = arith.index_cast %parallel_loop3A_801 : i32 to index
      %parallel_loop3A_805 = arith.index_cast %parallel_loop3A_789 : i32 to index
      %parallel_loop3A_806 = arith.index_cast %parallel_loop3A_803 : i32 to index
      %parallel_loop3A_807 = arith.index_cast %parallel_loop3A_793 : i32 to index
      %parallel_loop3A_808 = tpu.vector_load %arg12[%parallel_loop3A_804, %parallel_loop3A_805, %parallel_loop3A_806, %parallel_loop3A_807] {strides = array<i32>} : memref<4x8x8x128xf32, #tpu.memory_space<vmem>>, vector<16xf32>,
      tpu.vector_store %arg12[%parallel_loop3A_804, %parallel_loop3A_805, %parallel_loop3A_806, %parallel_loop3A_807], %parallel_loop3A_799 {strides = array<i32>} : memref<4x8x8x128xf32, #tpu.memory_space<vmem>>, vector<16xf32>,
    } {sc.loop_unroll_factor = 8 : i64, sc.parallel_access}
    %dma_start3A_656 = arith.constant 0 : i32
    %dma_start3A_657 = arith.constant 0 : i32
    %dma_start3A_658 = arith.constant 0 : i32
    %dma_start3A_659 = arith.constant 0 : i32
    %dma_start3A_660 = tpu.memref_slice %arg6[%select_n3A, %add3A_630, %dma_start3A_656, %dma_start3A_657, %dma_start3A_658, %dma_start3A_659] : memref<4x131x4x8x8x128xf32, #tpu.memory_space<hbm>> -> memref<1x1x4x8x8x128xf32, #tpu.memory_space<hbm>>
    %dma_start3A_661 = tpu.memref_squeeze %dma_start3A_660 : memref<1x1x4x8x8x128xf32, #tpu.memory_space<hbm>> -> memref<4x8x8x128xf32, #tpu.memory_space<hbm>>
    %dma_start3A_662 = arith.constant 0 : i32
    %dma_start3A_663 = arith.constant 0 : i32
    %dma_start3A_664 = arith.constant 0 : i32
    %dma_start3A_665 = arith.constant 0 : i32
    %dma_start3A_666 = tpu.memref_slice %arg6[%select_n3A, %add3A_630, %dma_start3A_662, %dma_start3A_663, %dma_start3A_664, %dma_start3A_665] : memref<4x131x4x8x8x128xf32, #tpu.memory_space<hbm>> -> memref<1x1x4x8x8x128xf32, #tpu.memory_space<hbm>>
    %dma_start3A_667 = tpu.memref_squeeze %dma_start3A_666 : memref<1x1x4x8x8x128xf32, #tpu.memory_space<hbm>> -> memref<4x8x8x128xf32, #tpu.memory_space<hbm>>
    tpu.enqueue_dma source(%arg12 : memref<4x8x8x128xf32, #tpu.memory_space<vmem>>) target(%dma_start3A_667 : memref<4x8x8x128xf32, #tpu.memory_space<hbm>>) target_semaphore(%arg15 : memref<!tpu.dma_semaphore, #tpu.memory_space<semaphore_mem>>)
    %dma_wait3A_668 = arith.constant 0 : i32
    %dma_wait3A_669 = tpu.memref_slice %arg3[%select_n3A, %sub3A_634, %dma_wait3A_668] : memref<4x128x8192xf32, #tpu.memory_space<hbm>> -> memref<1x1x8192xf32, #tpu.memory_space<hbm>>
    %dma_wait3A_670 = tpu.memref_squeeze %dma_wait3A_669 : memref<1x1x8192xf32, #tpu.memory_space<hbm>> -> memref<8192xf32, #tpu.memory_space<hbm>>
    %dma_wait3A_671 = arith.constant 0 : i32
    %dma_wait3A_672 = tpu.memref_slice %arg3[%select_n3A, %sub3A_634, %dma_wait3A_671] : memref<4x128x8192xf32, #tpu.memory_space<hbm>> -> memref<1x1x8192xf32, #tpu.memory_space<hbm>>
    %dma_wait3A_673 = tpu.memref_squeeze %dma_wait3A_672 : memref<1x1x8192xf32, #tpu.memory_space<hbm>> -> memref<8192xf32, #tpu.memory_space<hbm>>
    tpu.wait_dma2 semaphore(%arg13 : memref<!tpu.dma_semaphore, #tpu.memory_space<semaphore_mem>>) src(%dma_wait3A_673 : memref<8192xf32, #tpu.memory_space<hbm>>) dst(%arg8 : memref<8192xf32, #tpu.memory_space<vmem>>)
    %add3A_674 = arith.constant 3 : i32
    %add3A_675 = arith.addi %add3A_674, %select_n3A_30 : i32
    %add3A_676 = arith.constant 112 : i32
    %add3A_677 = arith.addi %add3A_675, %add3A_676 : i32
    %add3A_678 = arith.constant 8 : i32
    %add3A_679 = arith.addi %add3A_677, %add3A_678 : i32
    %sub3A_680 = arith.constant 3 : i32
    %sub3A_681 = arith.subi %add3A_679, %sub3A_680 : i32
    %dma_start3A_682 = arith.constant 0 : i32
    %dma_start3A_683 = tpu.memref_slice %arg3[%select_n3A, %sub3A_681, %dma_start3A_682] : memref<4x128x8192xf32, #tpu.memory_space<hbm>> -> memref<1x1x8192xf32, #tpu.memory_space<hbm>>
    %dma_start3A_684 = tpu.memref_squeeze %dma_start3A_683 : memref<1x1x8192xf32, #tpu.memory_space<hbm>> -> memref<8192xf32, #tpu.memory_space<hbm>>
    %dma_start3A_685 = arith.constant 0 : i32
    %dma_start3A_686 = tpu.memref_slice %arg3[%select_n3A, %sub3A_681, %dma_start3A_685] : memref<4x128x8192xf32, #tpu.memory_space<hbm>> -> memref<1x1x8192xf32, #tpu.memory_space<hbm>>
    %dma_start3A_687 = tpu.memref_squeeze %dma_start3A_686 : memref<1x1x8192xf32, #tpu.memory_space<hbm>> -> memref<8192xf32, #tpu.memory_space<hbm>>
    tpu.enqueue_dma source(%dma_start3A_687 : memref<8192xf32, #tpu.memory_space<hbm>>) target(%arg9 : memref<8192xf32, #tpu.memory_space<vmem>>) target_semaphore(%arg13 : memref<!tpu.dma_semaphore, #tpu.memory_space<semaphore_mem>>)
    %dma_wait3A_688 = arith.constant 0 : i32
    %dma_wait3A_689 = arith.constant 0 : i32
    %dma_wait3A_690 = arith.constant 0 : i32
    %dma_wait3A_691 = arith.constant 0 : i32
    %dma_wait3A_692 = tpu.memref_slice %arg6[%select_n3A, %add3A_677, %dma_wait3A_688, %dma_wait3A_689, %dma_wait3A_690, %dma_wait3A_691] : memref<4x131x4x8x8x128xf32, #tpu.memory_space<hbm>> -> memref<1x1x4x8x8x128xf32, #tpu.memory_space<hbm>>
    %dma_wait3A_693 = tpu.memref_squeeze %dma_wait3A_692 : memref<1x1x4x8x8x128xf32, #tpu.memory_space<hbm>> -> memref<4x8x8x128xf32, #tpu.memory_space<hbm>>
    %dma_wait3A_694 = arith.constant 0 : i32
    %dma_wait3A_695 = arith.constant 0 : i32
    %dma_wait3A_696 = arith.constant 0 : i32
    %dma_wait3A_697 = arith.constant 0 : i32
    %dma_wait3A_698 = tpu.memref_slice %arg6[%select_n3A, %add3A_677, %dma_wait3A_694, %dma_wait3A_695, %dma_wait3A_696, %dma_wait3A_697] : memref<4x131x4x8x8x128xf32, #tpu.memory_space<hbm>> -> memref<1x1x4x8x8x128xf32, #tpu.memory_space<hbm>>
    %dma_wait3A_699 = tpu.memref_squeeze %dma_wait3A_698 : memref<1x1x4x8x8x128xf32, #tpu.memory_space<hbm>> -> memref<4x8x8x128xf32, #tpu.memory_space<hbm>>
    tpu.wait_dma2 semaphore(%arg14 : memref<!tpu.dma_semaphore, #tpu.memory_space<semaphore_mem>>) src(%arg11 : memref<4x8x8x128xf32, #tpu.memory_space<vmem>>) dst(%dma_wait3A_699 : memref<4x8x8x128xf32, #tpu.memory_space<hbm>>)
    %parallel_loop3A_700 = arith.constant 0 : i32
    %parallel_loop3A_701 = arith.constant 2048 : i32
    %parallel_loop3A_702 = arith.constant 1 : i32
    scf.for %parallel_loop3A_783 = %parallel_loop3A_700 to %parallel_loop3A_701 step %parallel_loop3A_702  : i32 {
      %parallel_loop3A_784 = arith.constant 6 : i32
      %parallel_loop3A_785 = arith.shrsi %parallel_loop3A_783, %parallel_loop3A_784 : i32
      %parallel_loop3A_786 = arith.constant 63 : i32
      %parallel_loop3A_787 = arith.andi %parallel_loop3A_783, %parallel_loop3A_786 : i32
      %parallel_loop3A_788 = arith.constant 3 : i32
      %parallel_loop3A_789 = arith.shrsi %parallel_loop3A_787, %parallel_loop3A_788 : i32
      %parallel_loop3A_790 = arith.constant 7 : i32
      %parallel_loop3A_791 = arith.andi %parallel_loop3A_787, %parallel_loop3A_790 : i32
      %parallel_loop3A_792 = arith.constant 16 : i32
      %parallel_loop3A_793 = arith.muli %parallel_loop3A_791, %parallel_loop3A_792 : i32
      %parallel_loop3A_794 = arith.constant 16 : i32
      %parallel_loop3A_795 = arith.muli %parallel_loop3A_787, %parallel_loop3A_794 : i32
      %parallel_loop3A_796 = arith.index_cast %parallel_loop3A_785 : i32 to index
      %parallel_loop3A_797 = arith.index_cast %parallel_loop3A_795 : i32 to index
      %parallel_loop3A_798 = tpu.vector_load %arg7[%parallel_loop3A_796, %parallel_loop3A_797] {strides = array<i32>} : memref<32x1024xi32, #tpu.memory_space<vmem>>, vector<16xi32>,
      %parallel_loop3A_799 = tpu.vector_load_idx %arg8[%parallel_loop3A_798] : memref<8192xf32, #tpu.memory_space<vmem>>[vector<16xi32>], vector<16xf32>,
      %parallel_loop3A_800 = arith.constant 3 : i32
      %parallel_loop3A_801 = arith.shrsi %parallel_loop3A_785, %parallel_loop3A_800 : i32
      %parallel_loop3A_802 = arith.constant 7 : i32
      %parallel_loop3A_803 = arith.andi %parallel_loop3A_785, %parallel_loop3A_802 : i32
      %parallel_loop3A_804 = arith.index_cast %parallel_loop3A_801 : i32 to index
      %parallel_loop3A_805 = arith.index_cast %parallel_loop3A_789 : i32 to index
      %parallel_loop3A_806 = arith.index_cast %parallel_loop3A_803 : i32 to index
      %parallel_loop3A_807 = arith.index_cast %parallel_loop3A_793 : i32 to index
      %parallel_loop3A_808 = tpu.vector_load %arg11[%parallel_loop3A_804, %parallel_loop3A_805, %parallel_loop3A_806, %parallel_loop3A_807] {strides = array<i32>} : memref<4x8x8x128xf32, #tpu.memory_space<vmem>>, vector<16xf32>,
      tpu.vector_store %arg11[%parallel_loop3A_804, %parallel_loop3A_805, %parallel_loop3A_806, %parallel_loop3A_807], %parallel_loop3A_799 {strides = array<i32>} : memref<4x8x8x128xf32, #tpu.memory_space<vmem>>, vector<16xf32>,
    } {sc.loop_unroll_factor = 8 : i64, sc.parallel_access}
    %dma_start3A_703 = arith.constant 0 : i32
    %dma_start3A_704 = arith.constant 0 : i32
    %dma_start3A_705 = arith.constant 0 : i32
    %dma_start3A_706 = arith.constant 0 : i32
    %dma_start3A_707 = tpu.memref_slice %arg6[%select_n3A, %add3A_677, %dma_start3A_703, %dma_start3A_704, %dma_start3A_705, %dma_start3A_706] : memref<4x131x4x8x8x128xf32, #tpu.memory_space<hbm>> -> memref<1x1x4x8x8x128xf32, #tpu.memory_space<hbm>>
    %dma_start3A_708 = tpu.memref_squeeze %dma_start3A_707 : memref<1x1x4x8x8x128xf32, #tpu.memory_space<hbm>> -> memref<4x8x8x128xf32, #tpu.memory_space<hbm>>
    %dma_start3A_709 = arith.constant 0 : i32
    %dma_start3A_710 = arith.constant 0 : i32
    %dma_start3A_711 = arith.constant 0 : i32
    %dma_start3A_712 = arith.constant 0 : i32
    %dma_start3A_713 = tpu.memref_slice %arg6[%select_n3A, %add3A_677, %dma_start3A_709, %dma_start3A_710, %dma_start3A_711, %dma_start3A_712] : memref<4x131x4x8x8x128xf32, #tpu.memory_space<hbm>> -> memref<1x1x4x8x8x128xf32, #tpu.memory_space<hbm>>
    %dma_start3A_714 = tpu.memref_squeeze %dma_start3A_713 : memref<1x1x4x8x8x128xf32, #tpu.memory_space<hbm>> -> memref<4x8x8x128xf32, #tpu.memory_space<hbm>>
    tpu.enqueue_dma source(%arg11 : memref<4x8x8x128xf32, #tpu.memory_space<vmem>>) target(%dma_start3A_714 : memref<4x8x8x128xf32, #tpu.memory_space<hbm>>) target_semaphore(%arg14 : memref<!tpu.dma_semaphore, #tpu.memory_space<semaphore_mem>>)
    %dma_wait3A_715 = arith.constant 0 : i32
    %dma_wait3A_716 = tpu.memref_slice %arg3[%select_n3A, %sub3A_681, %dma_wait3A_715] : memref<4x128x8192xf32, #tpu.memory_space<hbm>> -> memref<1x1x8192xf32, #tpu.memory_space<hbm>>
    %dma_wait3A_717 = tpu.memref_squeeze %dma_wait3A_716 : memref<1x1x8192xf32, #tpu.memory_space<hbm>> -> memref<8192xf32, #tpu.memory_space<hbm>>
    %dma_wait3A_718 = arith.constant 0 : i32
    %dma_wait3A_719 = tpu.memref_slice %arg3[%select_n3A, %sub3A_681, %dma_wait3A_718] : memref<4x128x8192xf32, #tpu.memory_space<hbm>> -> memref<1x1x8192xf32, #tpu.memory_space<hbm>>
    %dma_wait3A_720 = tpu.memref_squeeze %dma_wait3A_719 : memref<1x1x8192xf32, #tpu.memory_space<hbm>> -> memref<8192xf32, #tpu.memory_space<hbm>>
    tpu.wait_dma2 semaphore(%arg13 : memref<!tpu.dma_semaphore, #tpu.memory_space<semaphore_mem>>) src(%dma_wait3A_720 : memref<8192xf32, #tpu.memory_space<hbm>>) dst(%arg9 : memref<8192xf32, #tpu.memory_space<vmem>>)
    %add3A_721 = arith.constant 3 : i32
    %add3A_722 = arith.addi %add3A_721, %select_n3A_30 : i32
    %add3A_723 = arith.constant 120 : i32
    %add3A_724 = arith.addi %add3A_722, %add3A_723 : i32
    %dma_wait3A_725 = arith.constant 0 : i32
    %dma_wait3A_726 = arith.constant 0 : i32
    %dma_wait3A_727 = arith.constant 0 : i32
    %dma_wait3A_728 = arith.constant 0 : i32
    %dma_wait3A_729 = tpu.memref_slice %arg6[%select_n3A, %add3A_724, %dma_wait3A_725, %dma_wait3A_726, %dma_wait3A_727, %dma_wait3A_728] : memref<4x131x4x8x8x128xf32, #tpu.memory_space<hbm>> -> memref<1x1x4x8x8x128xf32, #tpu.memory_space<hbm>>
    %dma_wait3A_730 = tpu.memref_squeeze %dma_wait3A_729 : memref<1x1x4x8x8x128xf32, #tpu.memory_space<hbm>> -> memref<4x8x8x128xf32, #tpu.memory_space<hbm>>
    %dma_wait3A_731 = arith.constant 0 : i32
    %dma_wait3A_732 = arith.constant 0 : i32
    %dma_wait3A_733 = arith.constant 0 : i32
    %dma_wait3A_734 = arith.constant 0 : i32
    %dma_wait3A_735 = tpu.memref_slice %arg6[%select_n3A, %add3A_724, %dma_wait3A_731, %dma_wait3A_732, %dma_wait3A_733, %dma_wait3A_734] : memref<4x131x4x8x8x128xf32, #tpu.memory_space<hbm>> -> memref<1x1x4x8x8x128xf32, #tpu.memory_space<hbm>>
    %dma_wait3A_736 = tpu.memref_squeeze %dma_wait3A_735 : memref<1x1x4x8x8x128xf32, #tpu.memory_space<hbm>> -> memref<4x8x8x128xf32, #tpu.memory_space<hbm>>
    tpu.wait_dma2 semaphore(%arg15 : memref<!tpu.dma_semaphore, #tpu.memory_space<semaphore_mem>>) src(%arg12 : memref<4x8x8x128xf32, #tpu.memory_space<vmem>>) dst(%dma_wait3A_736 : memref<4x8x8x128xf32, #tpu.memory_space<hbm>>)
    %parallel_loop3A_737 = arith.constant 0 : i32
    %parallel_loop3A_738 = arith.constant 2048 : i32
    %parallel_loop3A_739 = arith.constant 1 : i32
    scf.for %parallel_loop3A_783 = %parallel_loop3A_737 to %parallel_loop3A_738 step %parallel_loop3A_739  : i32 {
      %parallel_loop3A_784 = arith.constant 6 : i32
      %parallel_loop3A_785 = arith.shrsi %parallel_loop3A_783, %parallel_loop3A_784 : i32
      %parallel_loop3A_786 = arith.constant 63 : i32
      %parallel_loop3A_787 = arith.andi %parallel_loop3A_783, %parallel_loop3A_786 : i32
      %parallel_loop3A_788 = arith.constant 3 : i32
      %parallel_loop3A_789 = arith.shrsi %parallel_loop3A_787, %parallel_loop3A_788 : i32
      %parallel_loop3A_790 = arith.constant 7 : i32
      %parallel_loop3A_791 = arith.andi %parallel_loop3A_787, %parallel_loop3A_790 : i32
      %parallel_loop3A_792 = arith.constant 16 : i32
      %parallel_loop3A_793 = arith.muli %parallel_loop3A_791, %parallel_loop3A_792 : i32
      %parallel_loop3A_794 = arith.constant 16 : i32
      %parallel_loop3A_795 = arith.muli %parallel_loop3A_787, %parallel_loop3A_794 : i32
      %parallel_loop3A_796 = arith.index_cast %parallel_loop3A_785 : i32 to index
      %parallel_loop3A_797 = arith.index_cast %parallel_loop3A_795 : i32 to index
      %parallel_loop3A_798 = tpu.vector_load %arg7[%parallel_loop3A_796, %parallel_loop3A_797] {strides = array<i32>} : memref<32x1024xi32, #tpu.memory_space<vmem>>, vector<16xi32>,
      %parallel_loop3A_799 = tpu.vector_load_idx %arg9[%parallel_loop3A_798] : memref<8192xf32, #tpu.memory_space<vmem>>[vector<16xi32>], vector<16xf32>,
      %parallel_loop3A_800 = arith.constant 3 : i32
      %parallel_loop3A_801 = arith.shrsi %parallel_loop3A_785, %parallel_loop3A_800 : i32
      %parallel_loop3A_802 = arith.constant 7 : i32
      %parallel_loop3A_803 = arith.andi %parallel_loop3A_785, %parallel_loop3A_802 : i32
      %parallel_loop3A_804 = arith.index_cast %parallel_loop3A_801 : i32 to index
      %parallel_loop3A_805 = arith.index_cast %parallel_loop3A_789 : i32 to index
      %parallel_loop3A_806 = arith.index_cast %parallel_loop3A_803 : i32 to index
      %parallel_loop3A_807 = arith.index_cast %parallel_loop3A_793 : i32 to index
      %parallel_loop3A_808 = tpu.vector_load %arg12[%parallel_loop3A_804, %parallel_loop3A_805, %parallel_loop3A_806, %parallel_loop3A_807] {strides = array<i32>} : memref<4x8x8x128xf32, #tpu.memory_space<vmem>>, vector<16xf32>,
      tpu.vector_store %arg12[%parallel_loop3A_804, %parallel_loop3A_805, %parallel_loop3A_806, %parallel_loop3A_807], %parallel_loop3A_799 {strides = array<i32>} : memref<4x8x8x128xf32, #tpu.memory_space<vmem>>, vector<16xf32>,
    } {sc.loop_unroll_factor = 8 : i64, sc.parallel_access}
    %dma_start3A_740 = arith.constant 0 : i32
    %dma_start3A_741 = arith.constant 0 : i32
    %dma_start3A_742 = arith.constant 0 : i32
    %dma_start3A_743 = arith.constant 0 : i32
    %dma_start3A_744 = tpu.memref_slice %arg6[%select_n3A, %add3A_724, %dma_start3A_740, %dma_start3A_741, %dma_start3A_742, %dma_start3A_743] : memref<4x131x4x8x8x128xf32, #tpu.memory_space<hbm>> -> memref<1x1x4x8x8x128xf32, #tpu.memory_space<hbm>>
    %dma_start3A_745 = tpu.memref_squeeze %dma_start3A_744 : memref<1x1x4x8x8x128xf32, #tpu.memory_space<hbm>> -> memref<4x8x8x128xf32, #tpu.memory_space<hbm>>
    %dma_start3A_746 = arith.constant 0 : i32
    %dma_start3A_747 = arith.constant 0 : i32
    %dma_start3A_748 = arith.constant 0 : i32
    %dma_start3A_749 = arith.constant 0 : i32
    %dma_start3A_750 = tpu.memref_slice %arg6[%select_n3A, %add3A_724, %dma_start3A_746, %dma_start3A_747, %dma_start3A_748, %dma_start3A_749] : memref<4x131x4x8x8x128xf32, #tpu.memory_space<hbm>> -> memref<1x1x4x8x8x128xf32, #tpu.memory_space<hbm>>
    %dma_start3A_751 = tpu.memref_squeeze %dma_start3A_750 : memref<1x1x4x8x8x128xf32, #tpu.memory_space<hbm>> -> memref<4x8x8x128xf32, #tpu.memory_space<hbm>>
    tpu.enqueue_dma source(%arg12 : memref<4x8x8x128xf32, #tpu.memory_space<vmem>>) target(%dma_start3A_751 : memref<4x8x8x128xf32, #tpu.memory_space<hbm>>) target_semaphore(%arg15 : memref<!tpu.dma_semaphore, #tpu.memory_space<semaphore_mem>>)
    %add3A_752 = arith.constant 3 : i32
    %add3A_753 = arith.addi %add3A_752, %select_n3A_30 : i32
    %dma_wait3A_754 = arith.constant 0 : i32
    %dma_wait3A_755 = arith.constant 0 : i32
    %dma_wait3A_756 = arith.constant 0 : i32
    %dma_wait3A_757 = arith.constant 0 : i32
    %dma_wait3A_758 = tpu.memref_slice %arg6[%select_n3A, %add3A_753, %dma_wait3A_754, %dma_wait3A_755, %dma_wait3A_756, %dma_wait3A_757] : memref<4x131x4x8x8x128xf32, #tpu.memory_space<hbm>> -> memref<1x1x4x8x8x128xf32, #tpu.memory_space<hbm>>
    %dma_wait3A_759 = tpu.memref_squeeze %dma_wait3A_758 : memref<1x1x4x8x8x128xf32, #tpu.memory_space<hbm>> -> memref<4x8x8x128xf32, #tpu.memory_space<hbm>>
    %dma_wait3A_760 = arith.constant 0 : i32
    %dma_wait3A_761 = arith.constant 0 : i32
    %dma_wait3A_762 = arith.constant 0 : i32
    %dma_wait3A_763 = arith.constant 0 : i32
    %dma_wait3A_764 = tpu.memref_slice %arg6[%select_n3A, %add3A_753, %dma_wait3A_760, %dma_wait3A_761, %dma_wait3A_762, %dma_wait3A_763] : memref<4x131x4x8x8x128xf32, #tpu.memory_space<hbm>> -> memref<1x1x4x8x8x128xf32, #tpu.memory_space<hbm>>
    %dma_wait3A_765 = tpu.memref_squeeze %dma_wait3A_764 : memref<1x1x4x8x8x128xf32, #tpu.memory_space<hbm>> -> memref<4x8x8x128xf32, #tpu.memory_space<hbm>>
    tpu.wait_dma2 semaphore(%arg14 : memref<!tpu.dma_semaphore, #tpu.memory_space<semaphore_mem>>) src(%arg11 : memref<4x8x8x128xf32, #tpu.memory_space<vmem>>) dst(%dma_wait3A_765 : memref<4x8x8x128xf32, #tpu.memory_space<hbm>>)
    %add3A_766 = arith.constant 3 : i32
    %add3A_767 = arith.addi %add3A_766, %select_n3A_30 : i32
    %dma_wait3A_768 = arith.constant 0 : i32
    %dma_wait3A_769 = arith.constant 0 : i32
    %dma_wait3A_770 = arith.constant 0 : i32
    %dma_wait3A_771 = arith.constant 0 : i32
    %dma_wait3A_772 = tpu.memref_slice %arg6[%select_n3A, %add3A_767, %dma_wait3A_768, %dma_wait3A_769, %dma_wait3A_770, %dma_wait3A_771] : memref<4x131x4x8x8x128xf32, #tpu.memory_space<hbm>> -> memref<1x1x4x8x8x128xf32, #tpu.memory_space<hbm>>
    %dma_wait3A_773 = tpu.memref_squeeze %dma_wait3A_772 : memref<1x1x4x8x8x128xf32, #tpu.memory_space<hbm>> -> memref<4x8x8x128xf32, #tpu.memory_space<hbm>>
    %dma_wait3A_774 = arith.constant 0 : i32
    %dma_wait3A_775 = arith.constant 0 : i32
    %dma_wait3A_776 = arith.constant 0 : i32
    %dma_wait3A_777 = arith.constant 0 : i32
    %dma_wait3A_778 = tpu.memref_slice %arg6[%select_n3A, %add3A_767, %dma_wait3A_774, %dma_wait3A_775, %dma_wait3A_776, %dma_wait3A_777] : memref<4x131x4x8x8x128xf32, #tpu.memory_space<hbm>> -> memref<1x1x4x8x8x128xf32, #tpu.memory_space<hbm>>
    %dma_wait3A_779 = tpu.memref_squeeze %dma_wait3A_778 : memref<1x1x4x8x8x128xf32, #tpu.memory_space<hbm>> -> memref<4x8x8x128xf32, #tpu.memory_space<hbm>>
    tpu.wait_dma2 semaphore(%arg15 : memref<!tpu.dma_semaphore, #tpu.memory_space<semaphore_mem>>) src(%arg12 : memref<4x8x8x128xf32, #tpu.memory_space<vmem>>) dst(%dma_wait3A_779 : memref<4x8x8x128xf32, #tpu.memory_space<hbm>>)
    %lt3A_780 = arith.constant 3 : i32
    %lt3A_781 = arith.cmpi slt, %select_n3A_30, %lt3A_780 : i32
    %convert_element_type3A = arith.extui %lt3A_781 : i1 to i32
    %cond3A = arith.constant 0 : i32
    %cond3A_782 = arith.cmpi ne, %convert_element_type3A, %cond3A : i32
    scf.if %cond3A_782 {
      %min3A = arith.constant 2 : i32
      %min3A_783 = arith.minsi %select_n3A_30, %min3A : i32
      "tpu.region"() ({
        %run_scoped3A = tpu.sem_alloc : memref<!tpu.dma_semaphore, #tpu.memory_space<semaphore_mem>>
        %dma_start3A_787 = arith.constant 0 : i32
        %dma_start3A_788 = tpu.memref_slice %arg2[%select_n3A, %min3A_783, %dma_start3A_787] : memref<4x3x8192xf32, #tpu.memory_space<hbm>> -> memref<1x1x8192xf32, #tpu.memory_space<hbm>>
        %dma_start3A_789 = tpu.memref_squeeze %dma_start3A_788 : memref<1x1x8192xf32, #tpu.memory_space<hbm>> -> memref<8192xf32, #tpu.memory_space<hbm>>
        %dma_start3A_790 = arith.constant 0 : i32
        %dma_start3A_791 = tpu.memref_slice %arg2[%select_n3A, %min3A_783, %dma_start3A_790] : memref<4x3x8192xf32, #tpu.memory_space<hbm>> -> memref<1x1x8192xf32, #tpu.memory_space<hbm>>
        %dma_start3A_792 = tpu.memref_squeeze %dma_start3A_791 : memref<1x1x8192xf32, #tpu.memory_space<hbm>> -> memref<8192xf32, #tpu.memory_space<hbm>>
        tpu.enqueue_dma source(%dma_start3A_792 : memref<8192xf32, #tpu.memory_space<hbm>>) target(%arg8 : memref<8192xf32, #tpu.memory_space<vmem>>) target_semaphore(%run_scoped3A : memref<!tpu.dma_semaphore, #tpu.memory_space<semaphore_mem>>)
        %dma_wait3A_793 = arith.constant 0 : i32
        %dma_wait3A_794 = tpu.memref_slice %arg2[%select_n3A, %min3A_783, %dma_wait3A_793] : memref<4x3x8192xf32, #tpu.memory_space<hbm>> -> memref<1x1x8192xf32, #tpu.memory_space<hbm>>
        %dma_wait3A_795 = tpu.memref_squeeze %dma_wait3A_794 : memref<1x1x8192xf32, #tpu.memory_space<hbm>> -> memref<8192xf32, #tpu.memory_space<hbm>>
        %dma_wait3A_796 = arith.constant 0 : i32
        %dma_wait3A_797 = tpu.memref_slice %arg2[%select_n3A, %min3A_783, %dma_wait3A_796] : memref<4x3x8192xf32, #tpu.memory_space<hbm>> -> memref<1x1x8192xf32, #tpu.memory_space<hbm>>
        %dma_wait3A_798 = tpu.memref_squeeze %dma_wait3A_797 : memref<1x1x8192xf32, #tpu.memory_space<hbm>> -> memref<8192xf32, #tpu.memory_space<hbm>>
        tpu.wait_dma2 semaphore(%run_scoped3A : memref<!tpu.dma_semaphore, #tpu.memory_space<semaphore_mem>>) src(%dma_wait3A_798 : memref<8192xf32, #tpu.memory_space<hbm>>) dst(%arg8 : memref<8192xf32, #tpu.memory_space<vmem>>)
        tpu.yield
      }) : () -> ()
      "tpu.region"() ({
        %run_scoped3A = tpu.sem_alloc : memref<!tpu.dma_semaphore, #tpu.memory_space<semaphore_mem>>
        %dma_start3A_787 = arith.constant 0 : i32
        %dma_start3A_788 = tpu.memref_slice %arg4[%select_n3A, %min3A_783, %dma_start3A_787] : memref<4x3x1024xf32, #tpu.memory_space<hbm>> -> memref<1x1x1024xf32, #tpu.memory_space<hbm>>
        %dma_start3A_789 = tpu.memref_squeeze %dma_start3A_788 : memref<1x1x1024xf32, #tpu.memory_space<hbm>> -> memref<1024xf32, #tpu.memory_space<hbm>>
        %dma_start3A_790 = arith.constant 0 : i32
        %dma_start3A_791 = tpu.memref_slice %arg4[%select_n3A, %min3A_783, %dma_start3A_790] : memref<4x3x1024xf32, #tpu.memory_space<hbm>> -> memref<1x1x1024xf32, #tpu.memory_space<hbm>>
        %dma_start3A_792 = tpu.memref_squeeze %dma_start3A_791 : memref<1x1x1024xf32, #tpu.memory_space<hbm>> -> memref<1024xf32, #tpu.memory_space<hbm>>
        tpu.enqueue_dma source(%dma_start3A_792 : memref<1024xf32, #tpu.memory_space<hbm>>) target(%arg10 : memref<1024xf32, #tpu.memory_space<vmem>>) target_semaphore(%run_scoped3A : memref<!tpu.dma_semaphore, #tpu.memory_space<semaphore_mem>>)
        %dma_wait3A_793 = arith.constant 0 : i32
        %dma_wait3A_794 = tpu.memref_slice %arg4[%select_n3A, %min3A_783, %dma_wait3A_793] : memref<4x3x1024xf32, #tpu.memory_space<hbm>> -> memref<1x1x1024xf32, #tpu.memory_space<hbm>>
        %dma_wait3A_795 = tpu.memref_squeeze %dma_wait3A_794 : memref<1x1x1024xf32, #tpu.memory_space<hbm>> -> memref<1024xf32, #tpu.memory_space<hbm>>
        %dma_wait3A_796 = arith.constant 0 : i32
        %dma_wait3A_797 = tpu.memref_slice %arg4[%select_n3A, %min3A_783, %dma_wait3A_796] : memref<4x3x1024xf32, #tpu.memory_space<hbm>> -> memref<1x1x1024xf32, #tpu.memory_space<hbm>>
        %dma_wait3A_798 = tpu.memref_squeeze %dma_wait3A_797 : memref<1x1x1024xf32, #tpu.memory_space<hbm>> -> memref<1024xf32, #tpu.memory_space<hbm>>
        tpu.wait_dma2 semaphore(%run_scoped3A : memref<!tpu.dma_semaphore, #tpu.memory_space<semaphore_mem>>) src(%dma_wait3A_798 : memref<1024xf32, #tpu.memory_space<hbm>>) dst(%arg10 : memref<1024xf32, #tpu.memory_space<vmem>>)
        tpu.yield
      }) : () -> ()
      %parallel_loop3A_784 = arith.constant 0 : i32
      %parallel_loop3A_785 = arith.constant 2048 : i32
      %parallel_loop3A_786 = arith.constant 1 : i32
      scf.for %parallel_loop3A_787 = %parallel_loop3A_784 to %parallel_loop3A_785 step %parallel_loop3A_786  : i32 {
        %parallel_loop3A_788 = arith.constant 6 : i32
        %parallel_loop3A_789 = arith.shrsi %parallel_loop3A_787, %parallel_loop3A_788 : i32
        %parallel_loop3A_790 = arith.constant 63 : i32
        %parallel_loop3A_791 = arith.andi %parallel_loop3A_787, %parallel_loop3A_790 : i32
        %parallel_loop3A_792 = arith.constant 3 : i32
        %parallel_loop3A_793 = arith.shrsi %parallel_loop3A_791, %parallel_loop3A_792 : i32
        %parallel_loop3A_794 = arith.constant 7 : i32
        %parallel_loop3A_795 = arith.andi %parallel_loop3A_791, %parallel_loop3A_794 : i32
        %parallel_loop3A_796 = arith.constant 16 : i32
        %parallel_loop3A_797 = arith.muli %parallel_loop3A_795, %parallel_loop3A_796 : i32
        %parallel_loop3A_798 = arith.constant 16 : i32
        %parallel_loop3A_799 = arith.muli %parallel_loop3A_791, %parallel_loop3A_798 : i32
        %parallel_loop3A_800 = arith.index_cast %parallel_loop3A_789 : i32 to index
        %parallel_loop3A_801 = arith.index_cast %parallel_loop3A_799 : i32 to index
        %parallel_loop3A_802 = tpu.vector_load %arg7[%parallel_loop3A_800, %parallel_loop3A_801] {strides = array<i32>} : memref<32x1024xi32, #tpu.memory_space<vmem>>, vector<16xi32>,
        %parallel_loop3A_803 = tpu.vector_load_idx %arg8[%parallel_loop3A_802] : memref<8192xf32, #tpu.memory_space<vmem>>[vector<16xi32>], vector<16xf32>,
        %parallel_loop3A_804 = arith.constant 16 : i32
        %parallel_loop3A_805 = arith.muli %parallel_loop3A_791, %parallel_loop3A_804 : i32
        %parallel_loop3A_806 = arith.index_cast %parallel_loop3A_805 : i32 to index
        %parallel_loop3A_807 = tpu.vector_load %arg10[%parallel_loop3A_806] {strides = array<i32>} : memref<1024xf32, #tpu.memory_space<vmem>>, vector<16xf32>,
        %parallel_loop3A_808 = arith.subf %parallel_loop3A_803, %parallel_loop3A_807 : vector<16xf32>
        %parallel_loop3A_809 = arith.constant 3 : i32
        %parallel_loop3A_810 = arith.shrsi %parallel_loop3A_789, %parallel_loop3A_809 : i32
        %parallel_loop3A_811 = arith.constant 7 : i32
        %parallel_loop3A_812 = arith.andi %parallel_loop3A_789, %parallel_loop3A_811 : i32
        %parallel_loop3A_813 = arith.index_cast %parallel_loop3A_810 : i32 to index
        %parallel_loop3A_814 = arith.index_cast %parallel_loop3A_793 : i32 to index
        %parallel_loop3A_815 = arith.index_cast %parallel_loop3A_812 : i32 to index
        %parallel_loop3A_816 = arith.index_cast %parallel_loop3A_797 : i32 to index
        %parallel_loop3A_817 = tpu.vector_load %arg11[%parallel_loop3A_813, %parallel_loop3A_814, %parallel_loop3A_815, %parallel_loop3A_816] {strides = array<i32>} : memref<4x8x8x128xf32, #tpu.memory_space<vmem>>, vector<16xf32>,
        tpu.vector_store %arg11[%parallel_loop3A_813, %parallel_loop3A_814, %parallel_loop3A_815, %parallel_loop3A_816], %parallel_loop3A_808 {strides = array<i32>} : memref<4x8x8x128xf32, #tpu.memory_space<vmem>>, vector<16xf32>,
      } {sc.loop_unroll_factor = 8 : i64, sc.parallel_access}
      "tpu.region"() ({
        %run_scoped3A = tpu.sem_alloc : memref<!tpu.dma_semaphore, #tpu.memory_space<semaphore_mem>>
        %dma_start3A_787 = arith.constant 0 : i32
        %dma_start3A_788 = arith.constant 0 : i32
        %dma_start3A_789 = arith.constant 0 : i32
        %dma_start3A_790 = arith.constant 0 : i32
        %dma_start3A_791 = tpu.memref_slice %arg6[%select_n3A, %min3A_783, %dma_start3A_787, %dma_start3A_788, %dma_start3A_789, %dma_start3A_790] : memref<4x131x4x8x8x128xf32, #tpu.memory_space<hbm>> -> memref<1x1x4x8x8x128xf32, #tpu.memory_space<hbm>>
        %dma_start3A_792 = tpu.memref_squeeze %dma_start3A_791 : memref<1x1x4x8x8x128xf32, #tpu.memory_space<hbm>> -> memref<4x8x8x128xf32, #tpu.memory_space<hbm>>
        %dma_start3A_793 = arith.constant 0 : i32
        %dma_start3A_794 = arith.constant 0 : i32
        %dma_start3A_795 = arith.constant 0 : i32
        %dma_start3A_796 = arith.constant 0 : i32
        %dma_start3A_797 = tpu.memref_slice %arg6[%select_n3A, %min3A_783, %dma_start3A_793, %dma_start3A_794, %dma_start3A_795, %dma_start3A_796] : memref<4x131x4x8x8x128xf32, #tpu.memory_space<hbm>> -> memref<1x1x4x8x8x128xf32, #tpu.memory_space<hbm>>
        %dma_start3A_798 = tpu.memref_squeeze %dma_start3A_797 : memref<1x1x4x8x8x128xf32, #tpu.memory_space<hbm>> -> memref<4x8x8x128xf32, #tpu.memory_space<hbm>>
        tpu.enqueue_dma source(%arg11 : memref<4x8x8x128xf32, #tpu.memory_space<vmem>>) target(%dma_start3A_798 : memref<4x8x8x128xf32, #tpu.memory_space<hbm>>) target_semaphore(%run_scoped3A : memref<!tpu.dma_semaphore, #tpu.memory_space<semaphore_mem>>)
        %dma_wait3A_799 = arith.constant 0 : i32
        %dma_wait3A_800 = arith.constant 0 : i32
        %dma_wait3A_801 = arith.constant 0 : i32
        %dma_wait3A_802 = arith.constant 0 : i32
        %dma_wait3A_803 = tpu.memref_slice %arg6[%select_n3A, %min3A_783, %dma_wait3A_799, %dma_wait3A_800, %dma_wait3A_801, %dma_wait3A_802] : memref<4x131x4x8x8x128xf32, #tpu.memory_space<hbm>> -> memref<1x1x4x8x8x128xf32, #tpu.memory_space<hbm>>
        %dma_wait3A_804 = tpu.memref_squeeze %dma_wait3A_803 : memref<1x1x4x8x8x128xf32, #tpu.memory_space<hbm>> -> memref<4x8x8x128xf32, #tpu.memory_space<hbm>>
        %dma_wait3A_805 = arith.constant 0 : i32
        %dma_wait3A_806 = arith.constant 0 : i32
        %dma_wait3A_807 = arith.constant 0 : i32
        %dma_wait3A_808 = arith.constant 0 : i32
        %dma_wait3A_809 = tpu.memref_slice %arg6[%select_n3A, %min3A_783, %dma_wait3A_805, %dma_wait3A_806, %dma_wait3A_807, %dma_wait3A_808] : memref<4x131x4x8x8x128xf32, #tpu.memory_space<hbm>> -> memref<1x1x4x8x8x128xf32, #tpu.memory_space<hbm>>
        %dma_wait3A_810 = tpu.memref_squeeze %dma_wait3A_809 : memref<1x1x4x8x8x128xf32, #tpu.memory_space<hbm>> -> memref<4x8x8x128xf32, #tpu.memory_space<hbm>>
        tpu.wait_dma2 semaphore(%run_scoped3A : memref<!tpu.dma_semaphore, #tpu.memory_space<semaphore_mem>>) src(%arg11 : memref<4x8x8x128xf32, #tpu.memory_space<vmem>>) dst(%dma_wait3A_810 : memref<4x8x8x128xf32, #tpu.memory_space<hbm>>)
        tpu.yield
      }) : () -> ()
    } else {
    }
    return
  }
}

</mosaic_0001>

<sc_bundles>
// kernel: kernel.4.cloned.1.call-start
scs
__scs_entry_jumppad:
0x0: {  	(pc) =	sbr.rel $0x88, $3  }
0x1: {  	(tag) =	ssettag $0x0;
	lr =	simm.s32 $0x1  }
0x2: {  	[smem:$0x3F9E] =	sst lr;
	_ =	strace $0xD0000000  }
0x3: {  	_ = 	snop  }
0x4: {  	_ = 	snop  }
0x5: {  	_ = 	snop  }
0x6: {  	_ = 	snop  }
0x7: {  	_ = 	snop  }
__scs_overlays_trampoline_lowered:
0x8: {  	[smem:$0x3FAD] =	sst s0  }
0x9: {  	[smem:$0x3FAE] =	sst s1  }
0xa: {  	[smem:$0x3FAF] =	sst s2  }
0xb: {  	[smem:$0x3FB0] =	sst s3  }
0xc: {  	[smem:$0x3FB1] =	sst s4  }
0xd: {  	[smem:$0x3FB2] =	sst s5  }
0xe: {  	[smem:$0x3FB3] =	sst s6  }
0xf: {  	[smem:$0x3FB4] =	sst s7  }
0x10: {  	[smem:$0x3FB5] =	sst s8  }
0x11: {  	[smem:$0x3FB6] =	sst s9;
	s0 =	simm.s32 @!p0 $0x0  }
0x12: {  	s1 =	sld [smem:$0x3F9C];
	s0 =	simm.s32 @p0 $0x1  }
0x13: {  	[smem:$0x3FB7] =	sst s0;
	s0 =	simm.s32 @!p1 $0x0  }
0x14: {  	s2 =	sld [smem:$0x3F9B];
	s0 =	simm.s32 @p1 $0x1  }
0x15: {  	[smem:$0x3FB8] =	sst s0;
	s0 =	simm.s32 @!p2 $0x0  }
0x16: {  	s3 =	sld [smem:$0x3FDB];
	s0 =	simm.s32 @p2 $0x1  }
0x17: {  	s4 =	simm.s32 $0x1BF5;
	[smem:$0x3FBA] =	sst s0  }
0x18: {  	s0 =	sld [smem:$0x3F9D];
	_ =	swait.ge [sflag:s4], $0x0  }
0x19: {  	s7 =	sld [smem:$0x3F9E]  }
0x1a: {  	s8 =	sadd.s32 $0xFFFFE003, lr  }
0x1b: {  	s9 =	sadd.s32 $0xFFFFFEF7, lr;
	s5 =	simm.s32 $0xFFFFFFFF;
	p2 =	slt.u32 s8, $0xFFFFF086  }
0x1c: {  	p1 =	slt.u32 s9, $0xF7A;
	s5 =	simm.s32 @!p2 $0x0  }
0x1d: {  	s5 =	simm.s32 @p1 $0x1;
	p0 =	seq.s32 s7, s2  }
0x1e: {  	s7 =	smul.u32 @!p0 $0xF7A, s2;
	p2 =	seq.s32 @!p0 s5, $0x0  }
0x1f: {  	s9 =	smul.u32 $0xF7A, s1;
	s8 =	simm.s32 @!p0 $0x1BF5;
	p2 =	por !p2, p0  }
0x20: {  	[sflag:s8] =	ssyncset.s32 @!p0 $0xFFFFF086;
	s6 =	sadd.s32 @!p0 s3, s7;
	s7 =	simm.s32 @!p0 $0x108  }
0x21: {  	s3 =	sadd.s32 s3, s9;
	s6 =	sadd.s32 @!p0 $0x88, s6;
	s7 =	simm.s32 @p2 $0x1082  }
0x22: {  	[simem:s7], [sflag:s8] =	dma.local @!p0 [hbm:s6], $0xF7A  }
0x23: {  	s9 =	sor.u32 $0xD0000000, s2;
	s6 =	simm.s32 $0x108;
	_ =	swait.ge @!p0 [sflag:s8], $0x0  }
0x24: {  	s3 =	sadd.s32 $0x88, s3;
	s6 =	simm.s32 @!p1 $0x1082;
	[sflag:s4] =	ssyncset.s32 $0xFFFFF086  }
0x25: {  	[simem:s6], [sflag:s4] =	dma.local [hbm:s3], $0xF7A  }
0x26: {  	[smem:$0x3F9E] =	sst s1;
	(tag) =	ssettag s2;
	_ =	strace s9  }
0x27: {  	s1 =	sld [smem:$0x3FAE]  }
0x28: {  	s2 =	sld [smem:$0x3FAF]  }
0x29: {  	s4 =	sld [smem:$0x3FB1]  }
0x2a: {  	p0 =	seq.s32 s5, $0x0;
	s5 =	sld [smem:$0x3FB2]  }
0x2b: {  	s6 =	sld [smem:$0x3FB3]  }
0x2c: {  	s7 =	sld [smem:$0x3FB4]  }
0x2d: {  	s3 =	simm.s32 $0x108;
	s8 =	sld [smem:$0x3FB5]  }
0x2e: {  	s3 =	simm.s32 @!p0 $0x1082;
	s9 =	sld [smem:$0x3FB6]  }
0x2f: {  	lr =	sadd.s32 s0, s3;
	s0 =	sld [smem:$0x3FAD]  }
0x30: {  	s3 =	sld [smem:$0x3FB0]  }
0x31: {  	[smem:$0x3FB9] =	sst s10  }
0x32: {  	s10 =	sld [smem:$0x3FB7];
	_ =	sdelay $0x3  }
0x33: {  	p0 =	seq.s32 s10, $0x1;
	s10 =	sld [smem:$0x3FB9];
	_ =	sdelay $0x3  }
0x34: {  	[smem:$0x3FB9] =	sst s10  }
0x35: {  	s10 =	sld [smem:$0x3FB8];
	_ =	sdelay $0x3  }
0x36: {  	p1 =	seq.s32 s10, $0x1;
	s10 =	sld [smem:$0x3FB9];
	_ =	sdelay $0x3  }
0x37: {  	[smem:$0x3FB9] =	sst s10  }
0x38: {  	s10 =	sld [smem:$0x3FBA]  }
0x39: {  	_ = 	snop;
	(pc) =	sbr.ind lr, $3  }
0x3a: {  	_ = 	snop  }
0x3b: {  	_ = 	snop  }
0x3c: {  	p2 =	seq.s32 s10, $0x1;
	s10 =	sld [smem:$0x3FB9]  }
0x3d: {  	_ =	shalt  }
0x3e: {  	_ =	shalt  }
0x3f: {  	_ =	shalt  }
0x40: {  	_ =	shalt  }
0x41: {  	_ =	shalt  }
0x42: {  	_ =	shalt  }
0x43: {  	_ =	shalt  }
0x44: {  	_ =	shalt  }
0x45: {  	_ =	shalt  }
0x46: {  	_ =	shalt  }
0x47: {  	_ =	shalt  }
0x48: {  	_ =	shalt  }
0x49: {  	_ =	shalt  }
0x4a: {  	_ =	shalt  }
0x4b: {  	_ =	shalt  }
0x4c: {  	_ =	shalt  }
0x4d: {  	_ =	shalt  }
0x4e: {  	_ =	shalt  }
0x4f: {  	_ =	shalt  }
0x50: {  	_ =	shalt  }
0x51: {  	_ =	shalt  }
0x52: {  	_ =	shalt  }
0x53: {  	_ =	shalt  }
0x54: {  	_ =	shalt  }
0x55: {  	_ =	shalt  }
0x56: {  	_ =	shalt  }
0x57: {  	_ =	shalt  }
0x58: {  	_ =	shalt  }
0x59: {  	_ =	shalt  }
0x5a: {  	_ =	shalt  }
0x5b: {  	_ =	shalt  }
0x5c: {  	_ =	shalt  }
0x5d: {  	_ =	shalt  }
0x5e: {  	_ =	shalt  }
0x5f: {  	_ =	shalt  }
0x60: {  	_ =	shalt  }
0x61: {  	_ =	shalt  }
0x62: {  	_ =	shalt  }
0x63: {  	_ =	shalt  }
0x64: {  	_ =	shalt  }
0x65: {  	_ =	shalt  }
0x66: {  	_ =	shalt  }
0x67: {  	_ =	shalt  }
0x68: {  	_ =	shalt  }
0x69: {  	_ =	shalt  }
0x6a: {  	_ =	shalt  }
0x6b: {  	_ =	shalt  }
0x6c: {  	_ =	shalt  }
0x6d: {  	_ =	shalt  }
0x6e: {  	_ =	shalt  }
0x6f: {  	_ =	shalt  }
0x70: {  	_ =	shalt  }
0x71: {  	_ =	shalt  }
0x72: {  	_ =	shalt  }
0x73: {  	_ =	shalt  }
0x74: {  	_ =	shalt  }
0x75: {  	_ =	shalt  }
0x76: {  	_ =	shalt  }
0x77: {  	_ =	shalt  }
0x78: {  	_ =	shalt  }
0x79: {  	_ =	shalt  }
0x7a: {  	_ =	shalt  }
0x7b: {  	_ =	shalt  }
0x7c: {  	_ =	shalt  }
0x7d: {  	_ =	shalt  }
0x7e: {  	_ =	shalt  }
0x7f: {  	_ =	shalt  }
0x80: {  	_ =	shalt  }
0x81: {  	_ =	shalt  }
0x82: {  	_ =	shalt  }
0x83: {  	_ =	shalt  }
0x84: {  	_ =	shalt  }
0x85: {  	_ =	shalt  }
0x86: {  	_ =	shalt  }
0x87: {  	_ =	shalt  }
.Lfunc_end0:
.L_simem_size_0:
called_computation_lowered:
.L_overlay_start_0:
0x88: {  	s2 =	sld [smem:$0x3FD9]  }
0x89: {  	s3 =	sld [smem:$0x3FFE];
	_ =	sdelay $0x1  }
0x8a: {  	s1 =	srdreg.scid  }
0x8b: {  	s0 =	sand.u32 $0x1, s1  }
0x8c: {  	s16 =	sshll.u32 s0, $0xA;
	s2 =	sadd.s32 s3, s2  }
0x8d: {  	s2 =	sadd.s32 s2, s16  }
0x8e: {  	[smem:$0x3FC5] =	sst s2  }
0x8f: {  	_ = 	snop  }
0x90: {  	(tm) =	ssettm $0x1  }
0x91: {  	s17 =	sld [smem:$0x3FFB];
	_ =	sdelay $0x3  }
0x92: {  	_ =	strace s17  }
0x93: {  	s2 =	sld [smem:$0x3FFC];
	_ =	sdelay $0x3  }
0x94: {  	_ =	strace s2  }
0x95: {  	s2 =	sld [smem:$0x3FFD];
	_ =	sdelay $0x3  }
0x96: {  	_ =	strace s2  }
0x97: {  	_ =	strace $0x8FFFFFFF  }
0x98: {  	s18 =	sld [smem:$0x3FDB];
	_ =	sdelay $0x1  }
0x99: {  	s19 =	simm.s32 $_scs_section_size  }
0x9a: {  	s4 =	simm.s32 $_size__tile_overlayer_lowered;
	s5 =	simm.s32 $_tile_overlayer_lowered  }
0x9b: {  	s22 =	simm.s32 $0x1BFF;
	s21 =	sshll.u32 s5, $0x1;
	s2 =	sadd.s32 s19, s18  }
0x9c: {  	s6 =	simm.s32 $0x0;
	s20 =	sshll.u32 s4, $0x1;
	s4 =	sadd.s32 s21, s2  }
0x9d: {  	[timem:s6], [sflag:s22] =	dma.local [hbm:s4], s20  }
0x9e: {  	_ =	swait.ge [sflag:s22], s20  }
0x9f: {  	s3 =	ssub.s32 $0x0, s20;
	[sflag:s22] =	ssyncset.done $0x0  }
0xa0: {  	[sflag:s22] =	ssyncadd.s32 s3;
	_ =	sdelay $0x1  }
0xa1: {  	s23 =	simm.s32 $0x1B8B  }
0xa2: {  	_ =	swait.ge [sflag:s23], $0x1  }
0xa3: {  	[sflag:s23] =	ssyncset.done $0x0  }
0xa4: {  	s25 =	simm.s32 $0x1B8E;
	s24 =	sld [smem:$0x3FFE];
	[sflag:s23] =	ssyncadd.s32 $0xFFFFFFFF  }
0xa5: {  	s26 =	simm.s32 $execute0_lowered;
	[smem:$0x3FD2] =	sst s25  }
0xa6: {  	s4 =	sshll.u32 s26, $0x1;
	_ =	strace $0x80000046;
	[dreg:$0x1] =	wrdreg $0xFFFFFFFF  }
0xa7: {  	s28 =	simm.s32 $_size_execute0_lowered;
	s2 =	sadd.s32 s2, s4;
	[dreg:$0x0] =	wrdreg $0x0  }
0xa8: {  	s4 =	sshll.u32 s28, $0x1;
	[dreg:$0x2] =	wrdreg s2  }
0xa9: {  	[dreg:$0x3] =	wrdreg s4  }
0xaa: {  	[dreg:$0x4] =	wrdreg $0xC0  }
0xab: {  	_ =	task [dreg:s6], $0x5FFFF  }
0xac: {  	[dreg:$0x1] =	wrdreg $0xFFFFFFFF  }
0xad: {  	[dreg:$0x0] =	wrdreg $0x60  }
0xae: {  	[dreg:$0x2] =	wrdreg s24  }
0xaf: {  	[dreg:$0x3] =	wrdreg $0x9  }
0xb0: {  	_ =	task.clear_ibuf [dreg:s6], $0x4FFFF;
	_ =	strace $0x90000046  }
0xb1: {  	s29 =	simm.s32 $0x9;
	_ =	strace $0x80000048  }
0xb2: {  	_ =	swait.ge [sflag:s29], $0x1  }
0xb3: {  	[sflag:s29] =	ssyncadd.s32 $0xFFFFFFFF  }
0xb4: {  	_ =	strace $0x90000048  }
0xb5: {  	_ =	sfence  }
0xb6: {  	s30 =	sld [smem:$0x0];
	_ =	sdelay $0x2  }
0xb7: {  	s31 =	sshll.u32 s1, $0xD;
	s1 =	sshrl.u32 s1, $0x2  }
0xb8: {  	s3 =	sand.u32 $0x4000, s31;
	s1 =	sadd.s32 s1, s30  }
0xb9: {  	s0 =	sor.u32 s3, s0;
	s1 =	sshll.u32 s1, $0x11  }
0xba: {  	s0 =	sor.u32 s1, s0  }
0xbb: {  	s0 =	sadd.s32 $0x8F2B, s0  }
0xbc: {  	[sflag:s0] =	ssyncadd.remote.s32 $0x1  }
0xbd: {  	_ =	sfence.sel $0xFFFF  }
0xbe: {  	[dreg:$0x0] =	wrdreg $0xFFFFFFFF;
	(pc) =	sbr.abs _section_cstart, $3  }
0xbf: {  	[dreg:$0x1] =	wrdreg $0xFFFFFFFF  }
0xc0: {  	_ =	task.clear_ibuf [dreg:s6], $0x2FFFF;
	_ =	strace $0x9FFFFFFF  }
0xc1: {  	(tm) =	ssettm $0x7FFFFFFF  }
tec
execute0_lowered:
.L_overlay_start_1:
0x0: {  	(tag) =	ssettag $0x1  }
0x1: {  	s3 =	rddreg [dreg:$0x0]  }
0x2: {  	s0 =	rddreg [dreg:$0x1];
	s2 =	simm.s32 $0x0;
	s1 =	stileid.u32  }
0x3: {  	s5 =	srdreg.scid;
	s11 =	simm.s32 $0x1;
	s12 =	simm.s32 $0x2000  }
0x4: {  	s13 =	simm.s32 $0x4000;
	s14 =	simm.s32 $0x6000;
	s15 =	simm.s32 $0x6080  }
0x5: {  	s16 =	simm.s32 $0x6100;
	s17 =	simm.s32 $0x6180;
	s18 =	simm.s32 $0x8180  }
0x6: {  	s19 =	simm.s32 $0x80;
	s20 =	simm.s32 $0x400;
	s21 =	simm.s32 $0x0  }
0x7: {  	s4 =	sshrl.u32 s1, $0x2;
	s6 =	sshll.u32 s1, $0x1;
	s5 =	sand.u32 $0x1, s5  }
0x8: {  	[smem:$0x7FF] =	sst s2;
	s7 =	smul.u32 $0x6000, s4;
	s6 =	sand.u32 $0x6, s6  }
0x9: {  	s8 =	smul.u32 $0xC00, s4;
	_ =	strace $0x80000047;
	s4 =	sshll.u32 s4, $0xF  }
0xa: {  	s6 =	sor.u32 s5, s6;
	s5 =	ssub.s32 $0x2, s5;
	s7 =	sshrl.u32 s7, $0x3  }
0xb: {  	s6 =	sshll.u32 s6, $0x7;
	s31 =	sshrl.u32 s5, $0x1;
	s7 =	sadd.s32 s7, s3  }
0xc: {  	s8 =	sor.u32 s8, s6;
	s4 =	sor.u32 s4, s6;
	s10 =	ssub.s32 s5, s31  }
0xd: {  	v0 =	vlaneseq.u32;
	s8 =	sshrl.u32 s8, $0x3;
	s4 =	sshrl.u32 s4, $0x3;
	s5 =	sadd.s32 $0x1600, s7  }
0xe: {  	v1 =	vmul.u32 $0x80, v0;
	s10 =	smax.u32 s10, $0x1;
	s8 =	sadd.s32 s8, s3;
	s9 =	sadd.s32 s4, s3  }
0xf: {  	v2 =	vimm.s32 $0x0;
	v3 =	vimm.s32 $0x1;
	s3 =	sadd.s32 $0xE00, s7;
	s4 =	sadd.s32 $0x1200, s7;
	s6 =	sadd.s32 $0x800, s8  }
0x10: {  	v4 =	vadd.s32 $0xFFFFFFFF, v0;
	v5 =	vadd.s32 $0xF, v0;
	v6 =	vor.u32 $0x800, v1;
	s7 =	sadd.s32 $0x880, s8;
	s8 =	sadd.s32 $0x900, s8;
	s9 =	sadd.s32 $0x3E00, s9  }
.LBB2_1:
0x11: {  	[tilespmem:s2], [sflag:$0x1] =	stream.linear.gather [hbm4b:s3+s2], $0x2000, $0x38;
	[tilespmem:$0x9180] =	vst v63  }
0x12: {  	_ =	swait.ge [sflag:s11], $0x2000  }
0x13: {  	[sflag:s11] =	ssyncset.done $0x0  }
0x14: {  	[sflag:s11] =	ssyncadd.s32 $0xFFFFE000  }
0x15: {  	[tilespmem:s12], [sflag:$0x1] =	stream.linear.gather [hbm4b:s4+s2], $0x2000, $0x38;
	[tilespmem:$0x9180] =	vst v63  }
0x16: {  	_ =	swait.ge [sflag:s11], $0x2000  }
0x17: {  	[sflag:s11] =	ssyncset.done $0x0  }
0x18: {  	[sflag:s11] =	ssyncadd.s32 $0xFFFFE000  }
0x19: {  	[tilespmem:s13], [sflag:$0x1] =	stream.linear.gather [hbm4b:s5+s2], $0x2000, $0x38;
	[tilespmem:$0x9180] =	vst v63  }
0x1a: {  	_ =	swait.ge [sflag:s11], $0x2000  }
0x1b: {  	[sflag:s11] =	ssyncset.done $0x0  }
0x1c: {  	[sflag:s11] =	ssyncadd.s32 $0xFFFFE000  }
0x1d: {  	[tilespmem:s14], [sflag:$0x1] =	stream.linear.gather [hbm4b:s6+s2], $0x80, $0x38;
	[tilespmem:$0x9180] =	vst v63  }
0x1e: {  	_ =	swait.ge [sflag:s11], $0x80  }
0x1f: {  	[sflag:s11] =	ssyncset.done $0x0  }
0x20: {  	[sflag:s11] =	ssyncadd.s32 $0xFFFFFF80  }
0x21: {  	[tilespmem:s15], [sflag:$0x1] =	stream.linear.gather [hbm4b:s7+s2], $0x80, $0x38;
	[tilespmem:$0x9180] =	vst v63  }
0x22: {  	_ =	swait.ge [sflag:s11], $0x80  }
0x23: {  	[sflag:s11] =	ssyncset.done $0x0  }
0x24: {  	[sflag:s11] =	ssyncadd.s32 $0xFFFFFF80  }
0x25: {  	[tilespmem:s16], [sflag:$0x1] =	stream.linear.gather [hbm4b:s8+s2], $0x80, $0x38;
	[tilespmem:$0x9180] =	vst v63  }
0x26: {  	_ =	swait.ge [sflag:s11], $0x80  }
0x27: {  	[sflag:s11] =	ssyncset.done $0x0  }
0x28: {  	s22 =	simm.s32 $0x0;
	[sflag:s11] =	ssyncadd.s32 $0xFFFFFF80  }
.LBB2_2:
0x29: {  	v7 =	vmov s22;
	_ =	sdelay $0x4  }
0x2a: {  	v8 =	vld.idx.msk [tilespmem:v7+s14+$0x0], $0xffff  }
0x2b: {  	v9 =	vld.idx.msk [tilespmem:v7+s15+$0x0], $0xffff  }
0x2c: {  	s23 =	simm.s32 $0x2020;
	v10 =	vld.idx.msk [tilespmem:v7+s16+$0x0], $0xffff;
	[tilespmem:$0x6180] =	vst v2  }
0x2d: {  	s24 =	simm.s32 $0x4020;
	v11 =	vld [tilespmem:s23+$0xFFFFFFE0]  }
0x2e: {  	v12 =	vld [tilespmem:s24+$0xFFFFFFF0]  }
0x2f: {  	v13 =	vld [tilespmem:s24+$0x10]  }
0x30: {  	v14 =	vld [tilespmem:s24+$0xFFFFFFE0]  }
0x31: {  	v15 =	vld [tilespmem:s23+$0x10]  }
0x32: {  	v16 =	vld [tilespmem:s23+$0xFFFFFFF0]  }
0x33: {  	s25 =	simm.s32 $0x20;
	v17 =	vld [tilespmem:s24+$0x0]  }
0x34: {  	v18 =	vld [tilespmem:s25+$0xFFFFFFE0]  }
0x35: {  	v19 =	vld [tilespmem:s25+$0x0]  }
0x36: {  	v20 =	vld [tilespmem:s23+$0x0];
	v11 =	vsub.f32 v11, v9  }
0x37: {  	v21 =	vld [tilespmem:s25+$0xFFFFFFF0];
	v14 =	vsub.f32 v14, v10;
	v12 =	vsub.f32 v12, v10  }
0x38: {  	v22 =	vld [tilespmem:s25+$0x10];
	v15 =	vsub.f32 v15, v9;
	v16 =	vsub.f32 v16, v9  }
0x39: {  	v13 =	vsub.f32 v13, v10;
	v17 =	vsub.f32 v17, v10  }
0x3a: {  	v23 =	vimm.s32 $0xFFFFFFFF;
	v18 =	vsub.f32 v18, v8;
	v19 =	vsub.f32 v19, v8  }
0x3b: {  	s24 =	simm.s32 $0x4060;
	v20 =	vsub.f32 v20, v9;
	v11 =	vmul.f32 v11, v11;
	v14 =	vmul.f32 v14, v14  }
0x3c: {  	v25 =	vld [tilespmem:s24+$0xFFFFFFF0];
	v21 =	vsub.f32 v21, v8;
	v15 =	vmul.f32 v15, v15;
	v18 =	vmul.f32 v18, v18  }
0x3d: {  	s23 =	simm.s32 $0x2060;
	v22 =	vsub.f32 v22, v8;
	v19 =	vmul.f32 v19, v19;
	v20 =	vmul.f32 v20, v20  }
0x3e: {  	v24 =	vld [tilespmem:s23+$0xFFFFFFE0];
	v16 =	vmul.f32 v16, v16;
	v11 =	vadd.f32 v11, v18;
	v18 =	vmul.f32 v21, v21  }
0x3f: {  	v17 =	vmul.f32 v17, v17;
	v21 =	vmul.f32 v12, v12;
	v19 =	vadd.f32 v20, v19  }
0x40: {  	v20 =	vld [tilespmem:s24+$0x10];
	v11 =	vadd.f32 v14, v11;
	v14 =	vadd.f32 v16, v18;
	v16 =	vmul.f32 v22, v22  }
0x41: {  	v25 =	vsub.f32 v25, v10;
	v13 =	vmul.f32 v13, v13;
	v18 =	vld [tilespmem:s24+$0xFFFFFFE0];
	v17 =	vadd.f32 v17, v19  }
0x42: {  	s26 =	simm.s32 $0x10;
	v19 =	vld [tilespmem:s23+$0x10];
	vm0 =	vlt.f32 v11, $9.999999770e-03;
	v14 =	vadd.f32 v21, v14;
	v15 =	vadd.f32 v15, v16  }
0x43: {  	v12 =	vor.u32 s26, v0;
	v16 =	vsub.f32 v24, v9;
	v21 =	vld [tilespmem:s23+$0xFFFFFFF0];
	vm2 =	vlt.f32 v17, $9.999999770e-03;
	(xrf0) =	vadd.scan.msk.s32 vm0, v3  }
0x44: {  	s31 =	simm.s32 $0x50;
	v24 =	vld [tilespmem:s24+$0x0];
	v22 =	vmpcnt.ones.xlane vm0;
	vm1 =	vlt.f32 v14, $9.999999770e-03;
	v13 =	vadd.f32 v13, v15;
	(xrf0) =	vadd.scan.msk.s32 vm2, v3  }
0x45: {  	s26 =	simm.s32 $0x60;
	v11 =	vor.u32 s31, v0;
	v14 =	vmpcnt.ones.xlane vm2;
	v17 =	vmul.f32 v16, v16;
	(xrf0) =	vadd.scan.msk.s32 vm1, v3  }
0x46: {  	v15 =	vld [tilespmem:s26+$0xFFFFFFE0];
	v16 =	vsub.f32 v18, v10;
	v27 =	vmpcnt.ones.xlane vm1;
	vm3 =	vlt.f32 v13, $9.999999770e-03  }
0x47: {  	vm2 =	vmmov vm2;
	v26 =	vadd.s32 v23, v22;
	v19 =	vsub.f32 v19, v9;
	v13 =	vld [tilespmem:s26+$0x0];
	(xrf0) =	vadd.scan.msk.s32 vm3, v3  }
0x48: {  	v29 =	vld [tilespmem:s23+$0x0];
	v18 =	vmul.f32 v16, v16;
	v16 =	vsub.f32 v20, v10;
	v20 =	vadd.s32 v26, v27  }
0x49: {  	v30 =	vld [tilespmem:s26+$0xFFFFFFF0];
	v28 =	vmpcnt.ones.xlane vm3;
	v21 =	vsub.f32 v21, v9;
	v22 =	vsub.f32 v24, v10;
	v24, _, _ =	vpop (xrf0)  }
0x4a: {  	v31 =	vld [tilespmem:s26+$0x10];
	v19 =	vmul.f32 v19, v19;
	v27 =	vadd.s32 v20, v14;
	v16 =	vmul.f32 v16, v16;
	v14, _, _ =	vpop (xrf0)  }
0x4b: {  	v32 =	vsub.f32 v15, v8;
	v15 =	vadd.s32 v23, v24;
	v14 =	vadd.s32 v20, v14;
	v20, _, _ =	vpop (xrf0)  }
0x4c: {  	v23 =	vmul.f32 v25, v25;
	v33 =	vsub.f32 v13, v8;
	v24 =	vadd.s32 v26, v20  }
0x4d: {  	s28 =	simm.s32 $0xA0;
	s31 =	simm.s32 $0x30;
	v13 =	vadd.s32 v27, v28;
	v28 =	vmul.f32 v32, v32;
	v26 =	vsub.f32 v29, v9;
	v25, _, _ =	vpop (xrf0)  }
0x4e: {  	s29 =	simm.s32 $0x20A0;
	s30 =	simm.s32 $0x40A0;
	s25 =	simm.s32 $0x4;
	v20 =	vor.u32 s31, v0;
	v29 =	vsub.f32 v30, v8;
	v25 =	vadd.s32 v27, v25  }
0x4f: {  	s24 =	simm.s32 $0x0;
	s23 =	simm.s32 $0x40;
	s26 =	simm.s32 $0x80;
	v27 =	vmul.f32 v33, v33;
	v30 =	vmul.f32 v26, v26;
	v26 =	vsub.f32 v31, v8  }
.LBB2_3:
0x50: {  	v31 =	vld [tilespmem:s29+$0xFFFFFFE0];
	s31 =	sadd.s32 $0x10, s26;
	s25 =	sadd.s32 $0x4, s25;
	v17 =	vadd.f32 v17, v28;
	v28 =	vmul.f32 v29, v29;
	v21 =	vmul.f32 v21, v21  }
0x51: {  	v22 =	vmul.f32 v22, v22;
	v29 =	vld [tilespmem:s30+$0xFFFFFFF0];
	v32 =	vor.u32 s31, v0;
	p0 =	slt.u32 s25, $0x1FC;
	v27 =	vadd.f32 v30, v27;
	[tilespmem:v24+s17+$0x0] =	vst.idx.msk vm1, v12  }
0x52: {  	s31 =	sadd.s32 $0x20, s24;
	v12 =	vmovc v11;
	v24 =	vld [tilespmem:s30+$0x10];
	v17 =	vadd.f32 v18, v17;
	v18 =	vadd.f32 v21, v28;
	v21 =	vmul.f32 v26, v26  }
0x53: {  	v28 =	vor.u32 s31, v0;
	v11 =	vmovc v32;
	v26 =	vld [tilespmem:s30+$0xFFFFFFE0];
	v22 =	vadd.f32 v22, v27;
	v27 =	vor.u32 s24, v0;
	[tilespmem:v25+s17+$0x0] =	vst.idx.msk vm3, v20;
	s24 =	smov.u32 s23;
	s23 =	smov.u32 s26  }
0x54: {  	v20 =	vld [tilespmem:s29+$0x10];
	v18 =	vadd.f32 v23, v18;
	v19 =	vadd.f32 v19, v21;
	[tilespmem:v15+s17+$0x0] =	vst.idx.msk vm0, v27;
	vm0 =	vlt.f32 v17, $9.999999770e-03  }
0x55: {  	v15 =	vsub.f32 v31, v9;
	v21 =	vld [tilespmem:s29+$0xFFFFFFF0];
	v23 =	vmpcnt.ones.xlane vm0;
	vm4 =	vlt.f32 v22, $9.999999770e-03;
	(xrf0) =	vadd.scan.msk.s32 vm0, v3  }
0x56: {  	v22 =	vld [tilespmem:s30+$0x0];
	vm1 =	vlt.f32 v18, $9.999999770e-03;
	v25 =	vmpcnt.ones.xlane vm4;
	v16 =	vadd.f32 v16, v19;
	(xrf0) =	vadd.scan.msk.s32 vm4, v3  }
0x57: {  	v27 =	vld [tilespmem:s28+$0xFFFFFFE0];
	v17 =	vmul.f32 v15, v15;
	v30 =	vadd.s32 v13, v23;
	(xrf0) =	vadd.scan.msk.s32 vm1, v3;
	[tilespmem:v14+s17+$0x0] =	vst.idx.msk vm2, v28  }
0x58: {  	v23 =	vsub.f32 v29, v10;
	v14 =	vsub.f32 v26, v10;
	vm3 =	vlt.f32 v16, $9.999999770e-03  }
0x59: {  	v16 =	vmpcnt.ones.xlane vm1;
	v26 =	vld [tilespmem:s28+$0x0];
	v15 =	vsub.f32 v20, v9;
	v28 =	vmpcnt.ones.xlane vm3;
	(xrf0) =	vadd.scan.msk.s32 vm3, v3  }
0x5a: {  	v33 =	vsub.f32 v24, v10;
	v18 =	vmul.f32 v14, v14;
	v21 =	vsub.f32 v21, v9;
	v20 =	vld [tilespmem:s29+$0x0]  }
0x5b: {  	vm2 =	vmmov vm4;
	v24 =	vadd.s32 v30, v16;
	v29 =	vld [tilespmem:s28+$0xFFFFFFF0];
	v22 =	vsub.f32 v22, v10;
	v31, _, _ =	vpop (xrf0)  }
0x5c: {  	v16 =	vmul.f32 v33, v33;
	v19 =	vmul.f32 v15, v15;
	v25 =	vadd.s32 v24, v25;
	v32 =	vld [tilespmem:s28+$0x10];
	v14, _, _ =	vpop (xrf0)  }
.Ltmp0:
0x5d: {  	v27 =	vsub.f32 v27, v8;
	v15 =	vadd.s32 v13, v31;
	v14 =	vadd.s32 v24, v14;
	v13, _, _ =	vpop (xrf0);
	(pc) =	sbr.rel @p0 .LBB2_3-.Ltmp0, $4  }
0x5e: {  	s31 =	sadd.s32 $0x30, s24;
	v23 =	vmul.f32 v23, v23;
	v26 =	vsub.f32 v26, v8;
	v24 =	vadd.s32 v30, v13  }
0x5f: {  	v13 =	vadd.s32 v25, v28;
	v30 =	vsub.f32 v20, v9;
	v20 =	vor.u32 s31, v0;
	v31, _, _ =	vpop (xrf0)  }
0x60: {  	s26 =	sadd.s32 $0x40, s26;
	v28 =	vmul.f32 v27, v27;
	v29 =	vsub.f32 v29, v8;
	v25 =	vadd.s32 v25, v31  }
0x61: {  	s30 =	sadd.s32 $0x40, s30;
	s29 =	sadd.s32 $0x40, s29;
	s28 =	sadd.s32 $0x40, s28;
	v27 =	vmul.f32 v26, v26;
	v30 =	vmul.f32 v30, v30;
	v26 =	vsub.f32 v32, v8  }
0x62: {  	v8 =	vadd.f32 v17, v28;
	v9 =	vmul.f32 v29, v29;
	v10 =	vmul.f32 v21, v21  }
0x63: {  	v44 =	vmul.f32 v22, v22;
	v43 =	vadd.f32 v30, v27;
	v45 =	vmul.f32 v26, v26  }
0x64: {  	v8 =	vadd.f32 v18, v8;
	v9 =	vadd.f32 v10, v9  }
0x65: {  	v46 =	vadd.f32 v44, v43;
	v47 =	vadd.f32 v19, v45  }
0x66: {  	vm4 =	vlt.f32 v8, $9.999999770e-03;
	v8 =	vadd.f32 v23, v9  }
0x67: {  	vm7 =	vlt.f32 v46, $9.999999770e-03;
	(xrf0) =	vadd.scan.msk.s32 vm4, v3;
	v48 =	vadd.f32 v16, v47  }
0x68: {  	vm5 =	vlt.f32 v8, $9.999999770e-03;
	(xrf0) =	vadd.scan.msk.s32 vm7, v3  }
0x69: {  	(xrf0) =	vadd.scan.msk.s32 vm5, v3;
	vm6 =	vlt.f32 v48, $9.999999770e-03  }
0x6a: {  	(xrf0) =	vadd.scan.msk.s32 vm6, v3  }
0x6b: {  	v8 =	vmpcnt.ones.xlane vm4  }
0x6c: {  	v49 =	vmpcnt.ones.xlane vm5  }
0x6d: {  	v51 =	vmpcnt.ones.xlane vm7;
	v8 =	vadd.s32 v13, v8;
	v50, _, _ =	vpop (xrf0)  }
0x6e: {  	v53 =	vmpcnt.ones.xlane vm6;
	v9 =	vadd.s32 v8, v49;
	v52, _, _ =	vpop (xrf0)  }
0x6f: {  	v16 =	vadd.s32 v9, v51;
	v54, _, _ =	vpop (xrf0);
	v9 =	vadd.s32 v9, v52  }
0x70: {  	[tilespmem:v24+s17+$0x0] =	vst.idx.msk vm1, v12;
	v18 =	vadd.s32 v16, v53;
	v8 =	vadd.s32 v8, v54;
	v55, _, _ =	vpop (xrf0)  }
0x71: {  	v56 =	vor.u32 s24, v0;
	[tilespmem:v25+s17+$0x0] =	vst.idx.msk vm3, v20;
	s29 =	sadd.s32 $0x20, s24;
	v57 =	vadd.s32 $0x1, v18;
	v16 =	vadd.s32 v16, v55  }
0x72: {  	s31 =	sadd.s32 $0x20, s23;
	[tilespmem:v15+s17+$0x0] =	vst.idx.msk vm0, v56;
	v58 =	vor.u32 s29, v0;
	v10 =	vadd.s32 v13, v50;
	v59 =	vshra.s32 v57, $0x1F  }
0x73: {  	v62 =	vor.u32 s31, v0;
	[tilespmem:v14+s17+$0x0] =	vst.idx.msk vm2, v58;
	v60 =	vand.u32 v59, v57  }
0x74: {  	s30 =	sadd.s32 $0x30, s23;
	[tilespmem:v9+s17+$0x0] =	vst.idx.msk vm7, v62  }
0x75: {  	v61 =	vor.u32 s30, v0;
	[tilespmem:v8+s17+$0x0] =	vst.idx.msk vm5, v11  }
0x76: {  	v8 =	vor.u32 s23, v0;
	[tilespmem:v16+s17+$0x0] =	vst.idx.msk vm6, v61  }
0x77: {  	[tilespmem:v10+s17+$0x0] =	vst.idx.msk vm4, v8  }
0x78: {  	v8 =	vld.idx.msk [tilespmem:v60+s17+$0x0], $0xffff  }
0x79: {  	v7 =	vand.u32 $0x7F, v7;
	v9 =	vld [tilespmem:$0x6180]  }
0x7a: {  	v63 =	vor.u32 v1, v7;
	_ =	sdelay $0x2  }
0x7b: {  	vm14 =	vgt.s32 v18, v4  }
0x7c: {  	v9 =	vsel vm14, v9, v8  }
0x7d: {  	[tilespmem:v63+s18+$0x0] =	vst.idx.msk $0xffff, v9  }
0x7e: {  	s22 =	sadd.s32 $0x1, s22;
	v9 =	vld [tilespmem:$0x6190]  }
0x7f: {  	v7 =	vor.u32 v6, v7;
	p0 =	sne.s32 s22, $0x80  }
.Ltmp1:
0x80: {  	_ = 	snop;
	(pc) =	sbr.rel @p0 .LBB2_2-.Ltmp1, $4  }
0x81: {  	_ = 	snop  }
0x82: {  	vm15 =	vgt.s32 v18, v5  }
0x83: {  	v8 =	vsel vm15, v9, v8  }
0x84: {  	vm13 =	vmmov vm7;
	[tilespmem:v7+s18+$0x0] =	vst.idx.msk $0xffff, v8  }
0x85: {  	s21 =	sadd.s32 $0x1, s21  }
0x86: {  	p0 =	sne.s32 s21, s10  }
.Ltmp2:
0x87: {  	_ = 	snop;
	(pc) =	sbr.rel @p0 .LBB2_1-.Ltmp2, $4  }
0x88: {  	[hbm4b:s9+s19] =	stream.strided.scatter [tilespmem:s18], [sflag:$0x1], $0x1000, s20, s19, $0x38;
	[tilespmem:$0x9180] =	vst v63  }
0x89: {  	_ =	swait.ge [sflag:s11], $0x1000  }
0x8a: {  	[sflag:s11] =	ssyncset.done $0x0  }
0x8b: {  	[sflag:s11] =	ssyncadd.s32 $0xFFFFF000  }
0x8c: {  	_ =	sfence.sel $0x180000  }
0x8d: {  	[bflag:$0x0] =	sbarrier.arrive $0xFFFF  }
0x8e: {  	p0 =	sne.s32 s1, $0x0;
	_ =	strace $0x90000047  }
0x8f: {  	s0 =	sadd.s32 @!p0 $0x100000, s0;
	[bflag:$0x2] =	sbarrier.arrive $0xFFFF  }
0x90: {  	[sflag:s0] =	ssyncadd.tile.s32 @!p0 $0x1;
	_ =	shalt  }
.Lfunc_end2:
_tile_overlayer_lowered:
.L_overlay_start_2:
0x91: {  	(tag) =	ssettag $0x2  }
0x92: {  	s0 =	rddreg [dreg:$0x0];
	s2 =	stileid.u32  }
0x93: {  	s1 =	rddreg [dreg:$0x1];
	p0 =	sne.s32 s2, $0x0  }
0x94: {  	s3 =	rddreg [dreg:$0x2];
	[bflag:$0x3] =	sbarrier.arrive $0xFFFF;
	s2 =	simm.s32 @!p0 $0x1C01  }
0x95: {  	[timem:s3], [sflag:s2] =	dma.local @!p0 [hbm:s0], s1  }
0x96: {  	s0 =	simm.s32 @!p0 $0x1  }
0x97: {  	_ =	swait.ge @!p0 [sflag:s0], s1  }
0x98: {  	s1 =	ssub.s32 @!p0 $0x0, s1;
	[sflag:s0] =	ssyncset.done @!p0 $0x0  }
0x99: {  	[sflag:s0] =	ssyncadd.s32 @!p0 s1  }
0x9a: {  	[bflag:$0x3] =	sbarrier.arrive $0xFFFF  }
0x9b: {  	_ =	shalt  }

// kernel: kernel.7.cloned.1.call-start
scs
__scs_entry_jumppad:
0x0: {  	(pc) =	sbr.rel $0x88, $3  }
0x1: {  	(tag) =	ssettag $0x0;
	lr =	simm.s32 $0x1  }
0x2: {  	[smem:$0x3F9E] =	sst lr;
	_ =	strace $0xD0000000  }
0x3: {  	_ = 	snop  }
0x4: {  	_ = 	snop  }
0x5: {  	_ = 	snop  }
0x6: {  	_ = 	snop  }
0x7: {  	_ = 	snop  }
__scs_overlays_trampoline_lowered:
0x8: {  	[smem:$0x3FAD] =	sst s0  }
0x9: {  	[smem:$0x3FAE] =	sst s1  }
0xa: {  	[smem:$0x3FAF] =	sst s2  }
0xb: {  	[smem:$0x3FB0] =	sst s3  }
0xc: {  	[smem:$0x3FB1] =	sst s4  }
0xd: {  	[smem:$0x3FB2] =	sst s5  }
0xe: {  	[smem:$0x3FB3] =	sst s6  }
0xf: {  	[smem:$0x3FB4] =	sst s7  }
0x10: {  	[smem:$0x3FB5] =	sst s8  }
0x11: {  	[smem:$0x3FB6] =	sst s9;
	s0 =	simm.s32 @!p0 $0x0  }
0x12: {  	s1 =	sld [smem:$0x3F9C];
	s0 =	simm.s32 @p0 $0x1  }
0x13: {  	[smem:$0x3FB7] =	sst s0;
	s0 =	simm.s32 @!p1 $0x0  }
0x14: {  	s2 =	sld [smem:$0x3F9B];
	s0 =	simm.s32 @p1 $0x1  }
0x15: {  	[smem:$0x3FB8] =	sst s0;
	s0 =	simm.s32 @!p2 $0x0  }
0x16: {  	s3 =	sld [smem:$0x3FDB];
	s0 =	simm.s32 @p2 $0x1  }
0x17: {  	s4 =	simm.s32 $0x1BF5;
	[smem:$0x3FBA] =	sst s0  }
0x18: {  	s0 =	sld [smem:$0x3F9D];
	_ =	swait.ge [sflag:s4], $0x0  }
0x19: {  	s7 =	sld [smem:$0x3F9E]  }
0x1a: {  	s8 =	sadd.s32 $0xFFFFE003, lr  }
0x1b: {  	s9 =	sadd.s32 $0xFFFFFEF7, lr;
	s5 =	simm.s32 $0xFFFFFFFF;
	p2 =	slt.u32 s8, $0xFFFFF086  }
0x1c: {  	p1 =	slt.u32 s9, $0xF7A;
	s5 =	simm.s32 @!p2 $0x0  }
0x1d: {  	s5 =	simm.s32 @p1 $0x1;
	p0 =	seq.s32 s7, s2  }
0x1e: {  	s7 =	smul.u32 @!p0 $0xF7A, s2;
	p2 =	seq.s32 @!p0 s5, $0x0  }
0x1f: {  	s9 =	smul.u32 $0xF7A, s1;
	s8 =	simm.s32 @!p0 $0x1BF5;
	p2 =	por !p2, p0  }
0x20: {  	[sflag:s8] =	ssyncset.s32 @!p0 $0xFFFFF086;
	s6 =	sadd.s32 @!p0 s3, s7;
	s7 =	simm.s32 @!p0 $0x108  }
0x21: {  	s3 =	sadd.s32 s3, s9;
	s6 =	sadd.s32 @!p0 $0x88, s6;
	s7 =	simm.s32 @p2 $0x1082  }
0x22: {  	[simem:s7], [sflag:s8] =	dma.local @!p0 [hbm:s6], $0xF7A  }
0x23: {  	s9 =	sor.u32 $0xD0000000, s2;
	s6 =	simm.s32 $0x108;
	_ =	swait.ge @!p0 [sflag:s8], $0x0  }
0x24: {  	s3 =	sadd.s32 $0x88, s3;
	s6 =	simm.s32 @!p1 $0x1082;
	[sflag:s4] =	ssyncset.s32 $0xFFFFF086  }
0x25: {  	[simem:s6], [sflag:s4] =	dma.local [hbm:s3], $0xF7A  }
0x26: {  	[smem:$0x3F9E] =	sst s1;
	(tag) =	ssettag s2;
	_ =	strace s9  }
0x27: {  	s1 =	sld [smem:$0x3FAE]  }
0x28: {  	s2 =	sld [smem:$0x3FAF]  }
0x29: {  	s4 =	sld [smem:$0x3FB1]  }
0x2a: {  	p0 =	seq.s32 s5, $0x0;
	s5 =	sld [smem:$0x3FB2]  }
0x2b: {  	s6 =	sld [smem:$0x3FB3]  }
0x2c: {  	s7 =	sld [smem:$0x3FB4]  }
0x2d: {  	s3 =	simm.s32 $0x108;
	s8 =	sld [smem:$0x3FB5]  }
0x2e: {  	s3 =	simm.s32 @!p0 $0x1082;
	s9 =	sld [smem:$0x3FB6]  }
0x2f: {  	lr =	sadd.s32 s0, s3;
	s0 =	sld [smem:$0x3FAD]  }
0x30: {  	s3 =	sld [smem:$0x3FB0]  }
0x31: {  	[smem:$0x3FB9] =	sst s10  }
0x32: {  	s10 =	sld [smem:$0x3FB7];
	_ =	sdelay $0x3  }
0x33: {  	p0 =	seq.s32 s10, $0x1;
	s10 =	sld [smem:$0x3FB9];
	_ =	sdelay $0x3  }
0x34: {  	[smem:$0x3FB9] =	sst s10  }
0x35: {  	s10 =	sld [smem:$0x3FB8];
	_ =	sdelay $0x3  }
0x36: {  	p1 =	seq.s32 s10, $0x1;
	s10 =	sld [smem:$0x3FB9];
	_ =	sdelay $0x3  }
0x37: {  	[smem:$0x3FB9] =	sst s10  }
0x38: {  	s10 =	sld [smem:$0x3FBA]  }
0x39: {  	_ = 	snop;
	(pc) =	sbr.ind lr, $3  }
0x3a: {  	_ = 	snop  }
0x3b: {  	_ = 	snop  }
0x3c: {  	p2 =	seq.s32 s10, $0x1;
	s10 =	sld [smem:$0x3FB9]  }
0x3d: {  	_ =	shalt  }
0x3e: {  	_ =	shalt  }
0x3f: {  	_ =	shalt  }
0x40: {  	_ =	shalt  }
0x41: {  	_ =	shalt  }
0x42: {  	_ =	shalt  }
0x43: {  	_ =	shalt  }
0x44: {  	_ =	shalt  }
0x45: {  	_ =	shalt  }
0x46: {  	_ =	shalt  }
0x47: {  	_ =	shalt  }
0x48: {  	_ =	shalt  }
0x49: {  	_ =	shalt  }
0x4a: {  	_ =	shalt  }
0x4b: {  	_ =	shalt  }
0x4c: {  	_ =	shalt  }
0x4d: {  	_ =	shalt  }
0x4e: {  	_ =	shalt  }
0x4f: {  	_ =	shalt  }
0x50: {  	_ =	shalt  }
0x51: {  	_ =	shalt  }
0x52: {  	_ =	shalt  }
0x53: {  	_ =	shalt  }
0x54: {  	_ =	shalt  }
0x55: {  	_ =	shalt  }
0x56: {  	_ =	shalt  }
0x57: {  	_ =	shalt  }
0x58: {  	_ =	shalt  }
0x59: {  	_ =	shalt  }
0x5a: {  	_ =	shalt  }
0x5b: {  	_ =	shalt  }
0x5c: {  	_ =	shalt  }
0x5d: {  	_ =	shalt  }
0x5e: {  	_ =	shalt  }
0x5f: {  	_ =	shalt  }
0x60: {  	_ =	shalt  }
0x61: {  	_ =	shalt  }
0x62: {  	_ =	shalt  }
0x63: {  	_ =	shalt  }
0x64: {  	_ =	shalt  }
0x65: {  	_ =	shalt  }
0x66: {  	_ =	shalt  }
0x67: {  	_ =	shalt  }
0x68: {  	_ =	shalt  }
0x69: {  	_ =	shalt  }
0x6a: {  	_ =	shalt  }
0x6b: {  	_ =	shalt  }
0x6c: {  	_ =	shalt  }
0x6d: {  	_ =	shalt  }
0x6e: {  	_ =	shalt  }
0x6f: {  	_ =	shalt  }
0x70: {  	_ =	shalt  }
0x71: {  	_ =	shalt  }
0x72: {  	_ =	shalt  }
0x73: {  	_ =	shalt  }
0x74: {  	_ =	shalt  }
0x75: {  	_ =	shalt  }
0x76: {  	_ =	shalt  }
0x77: {  	_ =	shalt  }
0x78: {  	_ =	shalt  }
0x79: {  	_ =	shalt  }
0x7a: {  	_ =	shalt  }
0x7b: {  	_ =	shalt  }
0x7c: {  	_ =	shalt  }
0x7d: {  	_ =	shalt  }
0x7e: {  	_ =	shalt  }
0x7f: {  	_ =	shalt  }
0x80: {  	_ =	shalt  }
0x81: {  	_ =	shalt  }
0x82: {  	_ =	shalt  }
0x83: {  	_ =	shalt  }
0x84: {  	_ =	shalt  }
0x85: {  	_ =	shalt  }
0x86: {  	_ =	shalt  }
0x87: {  	_ =	shalt  }
.Lfunc_end0:
.L_simem_size_0:
called_computation.1_lowered:
.L_overlay_start_0:
0x88: {  	s2 =	sld [smem:$0x3FD9]  }
0x89: {  	s3 =	sld [smem:$0x3FFE];
	_ =	sdelay $0x1  }
0x8a: {  	s1 =	srdreg.scid  }
0x8b: {  	s0 =	sand.u32 $0x1, s1  }
0x8c: {  	s17 =	sshll.u32 s0, $0xA;
	s2 =	sadd.s32 s3, s2  }
0x8d: {  	s2 =	sadd.s32 s2, s17  }
0x8e: {  	[smem:$0x3FC5] =	sst s2  }
0x8f: {  	_ = 	snop  }
0x90: {  	s2 =	sld [smem:$0x3FD0];
	(tm) =	ssettm $0x1  }
0x91: {  	s18 =	sld [smem:$0x3FFB];
	_ =	sdelay $0x3  }
0x92: {  	_ =	strace s18  }
0x93: {  	s3 =	sld [smem:$0x3FFC];
	_ =	sdelay $0x3  }
0x94: {  	_ =	strace s3  }
0x95: {  	s3 =	sld [smem:$0x3FFD];
	_ =	sdelay $0x3  }
0x96: {  	_ =	strace s3  }
0x97: {  	_ =	strace $0x8FFFFFFF  }
0x98: {  	s19 =	sld [smem:$0x3FDB];
	_ =	sdelay $0x1  }
0x99: {  	s4 =	simm.s32 $_scs_section_size  }
0x9a: {  	s5 =	simm.s32 $_size__tile_overlayer_lowered;
	s6 =	simm.s32 $_tile_overlayer_lowered  }
0x9b: {  	s22 =	simm.s32 $0x1BFF;
	s21 =	sshll.u32 s6, $0x1;
	s3 =	sadd.s32 s4, s19  }
0x9c: {  	s7 =	simm.s32 $0x0;
	s20 =	sshll.u32 s5, $0x1;
	s5 =	sadd.s32 s21, s3  }
0x9d: {  	[timem:s7], [sflag:s22] =	dma.local [hbm:s5], s20  }
0x9e: {  	_ =	swait.ge [sflag:s22], s20  }
0x9f: {  	s4 =	ssub.s32 $0x0, s20;
	[sflag:s22] =	ssyncset.done $0x0  }
0xa0: {  	[sflag:s22] =	ssyncadd.s32 s4;
	_ =	sdelay $0x1  }
0xa1: {  	s23 =	simm.s32 $0x1B8B  }
0xa2: {  	_ =	swait.ge [sflag:s23], $0x1  }
0xa3: {  	[sflag:s23] =	ssyncset.done $0x0  }
0xa4: {  	s25 =	simm.s32 $0x1B8E;
	s24 =	sld [smem:$0x3FFE];
	[sflag:s23] =	ssyncadd.s32 $0xFFFFFFFF  }
0xa5: {  	s26 =	simm.s32 $execute0_lowered;
	[smem:$0x3FD2] =	sst s25  }
0xa6: {  	s5 =	sshll.u32 s26, $0x1;
	_ =	strace $0x80000049;
	[dreg:$0x1] =	wrdreg $0xFFFFFFFF  }
0xa7: {  	s28 =	simm.s32 $_size_execute0_lowered;
	s3 =	sadd.s32 s3, s5;
	[dreg:$0x0] =	wrdreg $0x0  }
0xa8: {  	s5 =	sshll.u32 s28, $0x1;
	[dreg:$0x2] =	wrdreg s3  }
0xa9: {  	[dreg:$0x3] =	wrdreg s5  }
0xaa: {  	[dreg:$0x4] =	wrdreg $0xC0  }
0xab: {  	_ =	task [dreg:s7], $0x5FFFF  }
0xac: {  	[dreg:$0x1] =	wrdreg $0xFFFFFFFF  }
0xad: {  	[dreg:$0x0] =	wrdreg $0x60  }
0xae: {  	[dreg:$0x2] =	wrdreg s24  }
0xaf: {  	[dreg:$0x3] =	wrdreg s2  }
0xb0: {  	[dreg:$0x4] =	wrdreg $0x9  }
0xb1: {  	_ =	task.clear_ibuf [dreg:s7], $0x5FFFF;
	_ =	strace $0x90000049  }
0xb2: {  	s29 =	simm.s32 $0x9;
	_ =	strace $0x8000004B  }
0xb3: {  	_ =	swait.ge [sflag:s29], $0x1  }
0xb4: {  	[sflag:s29] =	ssyncadd.s32 $0xFFFFFFFF  }
0xb5: {  	_ =	strace $0x9000004B  }
0xb6: {  	_ =	sfence  }
0xb7: {  	s30 =	sld [smem:$0x0];
	_ =	sdelay $0x2  }
0xb8: {  	s31 =	sshll.u32 s1, $0xD;
	s1 =	sshrl.u32 s1, $0x2  }
0xb9: {  	s3 =	sand.u32 $0x4000, s31;
	s1 =	sadd.s32 s1, s30  }
0xba: {  	s0 =	sor.u32 s3, s0;
	s1 =	sshll.u32 s1, $0x11  }
0xbb: {  	s0 =	sor.u32 s1, s0  }
0xbc: {  	s0 =	sadd.s32 $0x8F2B, s0  }
0xbd: {  	[sflag:s0] =	ssyncadd.remote.s32 $0x1  }
0xbe: {  	_ =	sfence.sel $0xFFFF  }
0xbf: {  	[dreg:$0x0] =	wrdreg $0xFFFFFFFF;
	(pc) =	sbr.abs _section_cstart, $3  }
0xc0: {  	[dreg:$0x1] =	wrdreg $0xFFFFFFFF  }
0xc1: {  	_ =	task.clear_ibuf [dreg:s7], $0x2FFFF;
	_ =	strace $0x9FFFFFFF  }
0xc2: {  	(tm) =	ssettm $0x7FFFFFFF  }
0xc3: {  	_ =	shalt  }
tec
execute0_lowered:
.L_overlay_start_1:
0x0: {  	(tag) =	ssettag $0x1  }
0x1: {  	s0 =	rddreg [dreg:$0x0]  }
0x2: {  	s1 =	rddreg [dreg:$0x1]  }
0x3: {  	s5 =	stileid.u32;
	s2 =	simm.s32 $0x0;
	s3 =	srdreg.scid  }
0x4: {  	s4 =	sshll.u32 s5, $0x1;
	s3 =	sand.u32 $0x1, s3;
	s5 =	sshrl.u32 s5, $0x2  }
0x5: {  	[smem:$0x7FF] =	sst s2;
	s4 =	sand.u32 $0x6, s4;
	s6 =	smul.u32 $0x6000, s5  }
0x6: {  	s8 =	sshll.u32 s5, $0x14;
	s9 =	smul.u32 $0xC00, s5;
	s4 =	sor.u32 s3, s4  }
0x7: {  	s23 =	smul.u32 $0x418000, s5;
	s5 =	sshll.u32 s5, $0xC;
	s7 =	sshll.u32 s4, $0xD  }
0x8: {  	s22 =	sshll.u32 s4, $0xA;
	s10 =	sshll.u32 s4, $0xF;
	s6 =	sadd.s32 s6, s7  }
0x9: {  	s7 =	sor.u32 s8, s7;
	s8 =	sadd.s32 s9, s22;
	s9 =	sadd.s32 s23, s10  }
0xa: {  	s6 =	sshrl.u32 s6, $0x3;
	s7 =	sshrl.u32 s7, $0x3;
	s8 =	sshrl.u32 s8, $0x3  }
0xb: {  	s24 =	sshrl.u32 s9, $0x3;
	s6 =	sadd.s32 s6, s0;
	s7 =	sadd.s32 s7, s0  }
0xc: {  	s8 =	sadd.s32 s8, s0;
	s0 =	sadd.s32 s5, s0;
	s9 =	sadd.s32 s1, s24  }
0xd: {  	_ =	strace $0x8000004A;
	s0 =	sadd.s32 $0x3E00, s0;
	[dreg:$0x5] =	wrdreg s9  }
0xe: {  	s25 =	sadd.s32 $0x7E00, s7;
	[dreg:$0x3] =	wrdreg s0  }
0xf: {  	s26 =	sadd.s32 $0x9E00, s7;
	[dreg:$0x4] =	wrdreg s25  }
0x10: {  	s1 =	sadd.s32 $0x3000, s9;
	[dreg:$0x6] =	wrdreg s26  }
0x11: {  	s3 =	ssub.s32 $0x2, s3;
	s5 =	sadd.s32 $0xBE00, s7;
	[dreg:$0x7] =	wrdreg s1  }
0x12: {  	s11 =	sshrl.u32 s3, $0x1;
	s10 =	sadd.s32 $0xB000, s9;
	[dreg:$0x8] =	wrdreg s5  }
0x13: {  	s3 =	ssub.s32 s3, s11;
	s11 =	sadd.s32 $0xDE00, s7;
	[dreg:$0x9] =	wrdreg s10  }
0x14: {  	s12 =	sadd.s32 $0xFE00, s7;
	[dreg:$0xa] =	wrdreg s11  }
0x15: {  	s13 =	sadd.s32 $0x11E00, s7;
	[dreg:$0xb] =	wrdreg s12  }
0x16: {  	s14 =	sadd.s32 $0x13E00, s7;
	[dreg:$0xc] =	wrdreg s13  }
0x17: {  	s15 =	sadd.s32 $0x15E00, s7;
	[dreg:$0xd] =	wrdreg s14  }
0x18: {  	s16 =	sadd.s32 $0x17E00, s7;
	[dreg:$0xe] =	wrdreg s15  }
0x19: {  	s17 =	sadd.s32 $0x19E00, s7;
	[dreg:$0xf] =	wrdreg s16  }
0x1a: {  	s18 =	sadd.s32 $0x1BE00, s7;
	[dreg:$0x10] =	wrdreg s17  }
0x1b: {  	p0 =	sgt.u32 s4, $0x2;
	s19 =	sadd.s32 $0x1DE00, s7;
	[dreg:$0x11] =	wrdreg s18  }
0x1c: {  	s20 =	sadd.s32 $0x1FE00, s7;
	s21 =	sadd.s32 $0x21E00, s7;
	[dreg:$0x12] =	wrdreg s19  }
0x1d: {  	s22 =	sadd.s32 $0x23E00, s7;
	s23 =	sadd.s32 $0x25E00, s7;
	[dreg:$0x13] =	wrdreg s20  }
0x1e: {  	s24 =	sadd.s32 $0xE00, s6;
	s28 =	sadd.s32 $0x1B000, s9;
	[dreg:$0x14] =	wrdreg s21  }
0x1f: {  	s29 =	sadd.s32 $0x23000, s9;
	s30 =	sadd.s32 $0x2B000, s9;
	[dreg:$0x15] =	wrdreg s22  }
0x20: {  	s31 =	sadd.s32 $0x33000, s9;
	s4 =	sadd.s32 $0x63000, s9;
	[dreg:$0x16] =	wrdreg s23  }
0x21: {  	s6 =	sadd.s32 $0x73000, s9;
	s7 =	sadd.s32 $0x7B000, s9;
	[dreg:$0x17] =	wrdreg s24  }
0x22: {  	s25 =	sadd.s32 $0x800, s8;
	s26 =	smax.u32 s3, $0x1;
	s0 =	sadd.s32 $0x3B000, s9  }
0x23: {  	s1 =	sadd.s32 $0x43000, s9;
	s23 =	sadd.s32 $0x4B000, s9;
	s24 =	sadd.s32 $0x53000, s9  }
.Ltmp0:
0x24: {  	s3 =	sadd.s32 $0x5B000, s9;
	s5 =	sadd.s32 $0x6B000, s9;
	(pc) =	sbr.rel .LBB2_1-.Ltmp0, $4  }
0x25: {  	s8 =	simm.s32 $0x4;
	s10 =	simm.s32 $0x1;
	s11 =	simm.s32 $0xA000  }
0x26: {  	s12 =	simm.s32 $0xC400;
	s13 =	simm.s32 $0x14400;
	s14 =	simm.s32 $0x2  }
0x27: {  	s15 =	simm.s32 $0x3;
	s16 =	simm.s32 $0x0;
	[dreg:$0x18] =	wrdreg s25  }
0x28: {  	[dreg:$0x19] =	wrdreg s26;
	s26 =	sadd.s32 $0x13000, s9;
	s9 =	simm.s32 $0x8000  }
.LBB2_36:
0x29: {  	v9 =	vld [tilespmem:s19+$0xC040]  }
0x2a: {  	v10 =	vld [tilespmem:s19+$0xC050]  }
0x2b: {  	v5 =	vsub.f32 v5, v8;
	v60 =	vld [tilespmem:s19+$0xC060]  }
0x2c: {  	v0 =	vsub.f32 v0, v7  }
0x2d: {  	v2 =	vsub.f32 v2, v6;
	[tilespmem:s20+$0xC410] =	vst v5  }
0x2e: {  	[tilespmem:s20+$0xC420] =	vst v0;
	v61 =	vsub.f32 v1, v9  }
0x2f: {  	[tilespmem:s20+$0xC430] =	vst v2;
	v62 =	vsub.f32 v3, v10  }
0x30: {  	v63 =	vsub.f32 v4, v60;
	[tilespmem:s20+$0xC440] =	vst v61  }
0x31: {  	[tilespmem:s20+$0xC450] =	vst v62  }
0x32: {  	[tilespmem:s20+$0xC460] =	vst v63  }
0x33: {  	s17 =	rddreg [dreg:$0x5]  }
0x34: {  	[hbm4b:s17+s2] =	stream.linear.scatter [tilespmem:s12], [sflag:$0x4], $0x8000, $0x38;
	[tilespmem:$0x1C400] =	vst v63  }
0x35: {  	_ =	swait.ge [sflag:s8], $0x8000  }
0x36: {  	[sflag:s8] =	ssyncset.done $0x0  }
0x37: {  	[sflag:s8] =	ssyncadd.s32 $0xFFFF8000  }
.LBB2_37:
0x38: {  	s16 =	sadd.s32 $0x1, s16;
	s17 =	rddreg [dreg:$0x19]  }
0x39: {  	p1 =	sne.s32 s16, s17  }
.Ltmp1:
0x3a: {  	_ = 	snop;
	(pc) =	sbr.rel @!p1 .LBB2_38-.Ltmp1, $1  }
0x3b: {  	_ =	sdelay $0x3  }
.LBB2_1:
0x3c: {  	s17 =	rddreg [dreg:$0x3]  }
0x3d: {  	[tilespmem:s2], [sflag:$0x4] =	stream.linear.gather [hbm4b:s17+s2], $0x8000, $0x38;
	[tilespmem:$0x1C400] =	vst v63  }
0x3e: {  	_ =	swait.ge [sflag:s8], $0x8000  }
0x3f: {  	[sflag:s8] =	ssyncset.done $0x0  }
0x40: {  	s17 =	simm.s32 $0x0;
	s22 =	rddreg [dreg:$0x4];
	[sflag:s8] =	ssyncadd.s32 $0xFFFF8000  }
0x41: {  	[tilespmem:s9], [sflag:$0x1] =	stream.linear.gather [hbm4b:s22+s2], $0x2000, $0x38;
	[tilespmem:$0x1C400] =	vst v63  }
0x42: {  	s19 =	simm.s32 $0x0;
	s18 =	sand.u32 $0x38, s17;
	_ =	swait.ge [sflag:s10], $0x2000  }
0x43: {  	s19 =	sand.u32 $0x3FFFFC00, s19;
	s20 =	sshll.u32 s18, $0x4;
	[sflag:s10] =	ssyncset.done $0x0  }
0x44: {  	s19 =	sor.u32 s20, s19;
	s25 =	rddreg [dreg:$0x6];
	[sflag:s10] =	ssyncadd.s32 $0xFFFFE000  }
0x45: {  	[tilespmem:s11], [sflag:$0x1] =	stream.linear.gather [hbm4b:s25+s2], $0x2000, $0x38;
	[tilespmem:$0x1C400] =	vst v63  }
0x46: {  	v2 =	vld [tilespmem:s19+$0x70]  }
0x47: {  	v4 =	vld [tilespmem:s19+$0x0]  }
0x48: {  	v7 =	vld [tilespmem:s19+$0x10]  }
0x49: {  	v8 =	vld [tilespmem:s19+$0x20]  }
0x4a: {  	v5 =	vld [tilespmem:s19+$0x30]  }
0x4b: {  	v3 =	vld [tilespmem:s19+$0x40]  }
0x4c: {  	v1 =	vld [tilespmem:s19+$0x50]  }
0x4d: {  	v0 =	vld [tilespmem:s19+$0x60]  }
0x4e: {  	v6 =	vld.idx.msk [tilespmem:v2+s9+$0x0], $0xffff  }
0x4f: {  	v4 =	vld.idx.msk [tilespmem:v4+s9+$0x0], $0xffff  }
0x50: {  	s21 =	sshll.u32 s18, $0x7;
	v2 =	vld.idx.msk [tilespmem:v7+s9+$0x0], $0xffff  }
0x51: {  	s18 =	simm.s32 $0x0;
	s20 =	simm.s32 $0x0;
	s19 =	sand.u32 $0x6000, s2;
	v7 =	vld.idx.msk [tilespmem:v8+s9+$0x0], $0xffff  }
.LBB2_2:
0x52: {  	s17 =	sadd.s32 $0x8, s17;
	s20 =	sand.u32 $0x380, s20;
	s19 =	sor.u32 s21, s19;
	v5 =	vld.idx.msk [tilespmem:v5+s9+$0x0], $0xffff  }
0x53: {  	s21 =	sand.u32 $0x38, s17;
	s22 =	sshll.u32 s17, $0x4;
	s19 =	sor.u32 s20, s19;
	v3 =	vld.idx.msk [tilespmem:v3+s9+$0x0], $0xffff  }
0x54: {  	p1 =	slt.u32 s17, $0x7F8;
	s20 =	sand.u32 $0x3FFFFC00, s22;
	s22 =	sshll.u32 s21, $0x4;
	v1 =	vld.idx.msk [tilespmem:v1+s9+$0x0], $0xffff;
	[tilespmem:s19+$0xC470] =	vst v6  }
0x55: {  	s20 =	sor.u32 s22, s20;
	[tilespmem:s19+$0xC400] =	vst v4;
	v0 =	vld.idx.msk [tilespmem:v0+s9+$0x0], $0xffff  }
0x56: {  	v4 =	vld [tilespmem:s20+$0x70];
	[tilespmem:s19+$0xC410] =	vst v2  }
0x57: {  	v2 =	vld [tilespmem:s20+$0x0];
	[tilespmem:s19+$0xC420] =	vst v7  }
0x58: {  	v7 =	vld [tilespmem:s20+$0x10];
	[tilespmem:s19+$0xC430] =	vst v5  }
0x59: {  	v8 =	vld [tilespmem:s20+$0x20];
	[tilespmem:s19+$0xC440] =	vst v3  }
0x5a: {  	v5 =	vld [tilespmem:s20+$0x30];
	[tilespmem:s19+$0xC450] =	vst v1  }
0x5b: {  	v3 =	vld [tilespmem:s20+$0x40];
	[tilespmem:s19+$0xC460] =	vst v0  }
0x5c: {  	v1 =	vld [tilespmem:s20+$0x50]  }
.Ltmp2:
0x5d: {  	v0 =	vld [tilespmem:s20+$0x60];
	(pc) =	sbr.rel @p1 .LBB2_2-.Ltmp2, $4  }
0x5e: {  	v6 =	vld.idx.msk [tilespmem:v4+s9+$0x0], $0xffff  }
0x5f: {  	v4 =	vld.idx.msk [tilespmem:v2+s9+$0x0], $0xffff  }
0x60: {  	s18 =	sadd.s32 $0x80, s18;
	v2 =	vld.idx.msk [tilespmem:v7+s9+$0x0], $0xffff  }
0x61: {  	s21 =	sshll.u32 s21, $0x7;
	s19 =	sand.u32 $0x6000, s18;
	s20 =	sshll.u32 s17, $0x1;
	v7 =	vld.idx.msk [tilespmem:v8+s9+$0x0], $0xffff  }
0x62: {  	_ =	sdelay $0x2  }
0x63: {  	s17 =	sand.u32 $0x380, s20;
	s18 =	sor.u32 s21, s19  }
0x64: {  	v5 =	vld.idx.msk [tilespmem:v5+s9+$0x0], $0xffff;
	s17 =	sor.u32 s17, s18  }
0x65: {  	v3 =	vld.idx.msk [tilespmem:v3+s9+$0x0], $0xffff;
	[tilespmem:s17+$0xC470] =	vst v6  }
0x66: {  	v1 =	vld.idx.msk [tilespmem:v1+s9+$0x0], $0xffff;
	[tilespmem:s17+$0xC400] =	vst v4  }
0x67: {  	v0 =	vld.idx.msk [tilespmem:v0+s9+$0x0], $0xffff;
	[tilespmem:s17+$0xC410] =	vst v2  }
0x68: {  	[tilespmem:s17+$0xC420] =	vst v7  }
0x69: {  	[tilespmem:s17+$0xC430] =	vst v5  }
0x6a: {  	[tilespmem:s17+$0xC440] =	vst v3  }
0x6b: {  	[tilespmem:s17+$0xC450] =	vst v1  }
0x6c: {  	[tilespmem:s17+$0xC460] =	vst v0  }
0x6d: {  	s17 =	simm.s32 $0x0;
	s19 =	rddreg [dreg:$0x7]  }
0x6e: {  	[hbm4b:s19+s17] =	stream.linear.scatter [tilespmem:s12], [sflag:$0x2], $0x8000, $0x38;
	[tilespmem:$0x1C400] =	vst v63  }
0x6f: {  	_ =	swait.ge [sflag:s10], $0x2000  }
0x70: {  	s21 =	simm.s32 $0x0;
	s18 =	simm.s32 $0x0;
	[sflag:s10] =	ssyncset.done $0x0  }
0x71: {  	s19 =	sand.u32 $0x38, s18;
	s20 =	rddreg [dreg:$0x8];
	[sflag:s10] =	ssyncadd.s32 $0xFFFFE000  }
0x72: {  	[tilespmem:s9], [sflag:$0x1] =	stream.linear.gather [hbm4b:s20+s17], $0x2000, $0x38;
	[tilespmem:$0x1C400] =	vst v63  }
0x73: {  	s22 =	sshll.u32 s19, $0x4;
	s20 =	sand.u32 $0x3FFFFC00, s21  }
0x74: {  	s20 =	sor.u32 s22, s20  }
0x75: {  	v3 =	vld [tilespmem:s20+$0x70]  }
0x76: {  	v6 =	vld [tilespmem:s20+$0x0]  }
0x77: {  	v7 =	vld [tilespmem:s20+$0x10]  }
0x78: {  	v8 =	vld [tilespmem:s20+$0x20]  }
0x79: {  	v4 =	vld [tilespmem:s20+$0x30]  }
0x7a: {  	v2 =	vld [tilespmem:s20+$0x40]  }
0x7b: {  	v1 =	vld [tilespmem:s20+$0x50]  }
0x7c: {  	v0 =	vld [tilespmem:s20+$0x60]  }
0x7d: {  	v5 =	vld.idx.msk [tilespmem:v3+s11+$0x0], $0xffff  }
0x7e: {  	v3 =	vld.idx.msk [tilespmem:v6+s11+$0x0], $0xffff  }
0x7f: {  	s25 =	simm.s32 $0x0;
	s22 =	sshll.u32 s19, $0x7;
	s20 =	sand.u32 $0x6000, s17;
	v6 =	vld.idx.msk [tilespmem:v7+s11+$0x0], $0xffff  }
0x80: {  	s19 =	sand.u32 $0x380, s25;
	s20 =	sor.u32 s22, s20;
	v7 =	vld.idx.msk [tilespmem:v8+s11+$0x0], $0xffff  }
.LBB2_4:
0x81: {  	s18 =	sadd.s32 $0x8, s18;
	s19 =	sor.u32 s19, s20;
	v4 =	vld.idx.msk [tilespmem:v4+s11+$0x0], $0xffff  }
0x82: {  	s20 =	sand.u32 $0x38, s18;
	s21 =	sshll.u32 s18, $0x4;
	s22 =	sadd.s32 $0x14400, s19;
	v2 =	vld.idx.msk [tilespmem:v2+s11+$0x0], $0xffff  }
0x83: {  	p1 =	slt.u32 s18, $0x7F8;
	s21 =	sand.u32 $0x3FFFFC00, s21;
	s25 =	sshll.u32 s20, $0x4;
	v1 =	vld.idx.msk [tilespmem:v1+s11+$0x0], $0xffff;
	[tilespmem:s22+$0x70] =	vst v5  }
0x84: {  	s21 =	sor.u32 s25, s21;
	[tilespmem:s19+$0x14400] =	vst v3;
	v0 =	vld.idx.msk [tilespmem:v0+s11+$0x0], $0xffff  }
0x85: {  	v3 =	vld [tilespmem:s21+$0x70];
	[tilespmem:s22+$0x10] =	vst v6  }
0x86: {  	v6 =	vld [tilespmem:s21+$0x0];
	[tilespmem:s22+$0x20] =	vst v7  }
0x87: {  	v7 =	vld [tilespmem:s21+$0x10];
	[tilespmem:s22+$0x30] =	vst v4  }
0x88: {  	v8 =	vld [tilespmem:s21+$0x20];
	[tilespmem:s22+$0x40] =	vst v2  }
0x89: {  	v4 =	vld [tilespmem:s21+$0x30];
	[tilespmem:s22+$0x50] =	vst v1  }
0x8a: {  	v2 =	vld [tilespmem:s21+$0x40];
	[tilespmem:s22+$0x60] =	vst v0  }
0x8b: {  	v1 =	vld [tilespmem:s21+$0x50]  }
.Ltmp3:
0x8c: {  	v0 =	vld [tilespmem:s21+$0x60];
	(pc) =	sbr.rel @p1 .LBB2_4-.Ltmp3, $4  }
0x8d: {  	v5 =	vld.idx.msk [tilespmem:v3+s11+$0x0], $0xffff  }
0x8e: {  	s17 =	sadd.s32 $0x80, s17;
	v3 =	vld.idx.msk [tilespmem:v6+s11+$0x0], $0xffff  }
0x8f: {  	s20 =	sshll.u32 s20, $0x7;
	s19 =	sshll.u32 s18, $0x1;
	s21 =	sand.u32 $0x6000, s17;
	v6 =	vld.idx.msk [tilespmem:v7+s11+$0x0], $0xffff  }
0x90: {  	s19 =	sand.u32 $0x380, s19;
	s20 =	sor.u32 s20, s21;
	v7 =	vld.idx.msk [tilespmem:v8+s11+$0x0], $0xffff  }
0x91: {  	_ =	sdelay $0x2  }
0x92: {  	s17 =	sor.u32 s19, s20  }
0x93: {  	v4 =	vld.idx.msk [tilespmem:v4+s11+$0x0], $0xffff;
	s18 =	sadd.s32 $0x14400, s17  }
0x94: {  	v2 =	vld.idx.msk [tilespmem:v2+s11+$0x0], $0xffff;
	[tilespmem:s18+$0x70] =	vst v5  }
0x95: {  	v1 =	vld.idx.msk [tilespmem:v1+s11+$0x0], $0xffff;
	[tilespmem:s17+$0x14400] =	vst v3  }
0x96: {  	v0 =	vld.idx.msk [tilespmem:v0+s11+$0x0], $0xffff;
	[tilespmem:s18+$0x10] =	vst v6  }
0x97: {  	[tilespmem:s18+$0x20] =	vst v7  }
0x98: {  	[tilespmem:s18+$0x30] =	vst v4  }
0x99: {  	[tilespmem:s18+$0x40] =	vst v2  }
0x9a: {  	[tilespmem:s18+$0x50] =	vst v1  }
0x9b: {  	[tilespmem:s18+$0x60] =	vst v0  }
0x9c: {  	s17 =	simm.s32 $0x0;
	s18 =	rddreg [dreg:$0x9]  }
0x9d: {  	[hbm4b:s18+s17] =	stream.linear.scatter [tilespmem:s13], [sflag:$0x3], $0x8000, $0x38;
	[tilespmem:$0x1C400] =	vst v63  }
0x9e: {  	_ =	swait.ge [sflag:s10], $0x2000  }
0x9f: {  	[sflag:s10] =	ssyncset.done $0x0  }
0xa0: {  	s18 =	simm.s32 $0x0;
	s21 =	rddreg [dreg:$0xa];
	[sflag:s10] =	ssyncadd.s32 $0xFFFFE000  }
0xa1: {  	[tilespmem:s11], [sflag:$0x1] =	stream.linear.gather [hbm4b:s21+s17], $0x2000, $0x38;
	[tilespmem:$0x1C400] =	vst v63  }
0xa2: {  	s22 =	simm.s32 $0x0;
	s21 =	sand.u32 $0x38, s18;
	_ =	swait.ge [sflag:s14], $0x8000  }
0xa3: {  	s19 =	sand.u32 $0x3FFFFC00, s22;
	s25 =	sshll.u32 s21, $0x4;
	[sflag:s14] =	ssyncset.done $0x0  }
0xa4: {  	s19 =	sor.u32 s25, s19;
	[sflag:s14] =	ssyncadd.s32 $0xFFFF8000  }
0xa5: {  	v2 =	vld [tilespmem:s19+$0x70]  }
0xa6: {  	v4 =	vld [tilespmem:s19+$0x0]  }
0xa7: {  	v7 =	vld [tilespmem:s19+$0x10]  }
0xa8: {  	v8 =	vld [tilespmem:s19+$0x20]  }
0xa9: {  	v5 =	vld [tilespmem:s19+$0x30]  }
0xaa: {  	v3 =	vld [tilespmem:s19+$0x40]  }
0xab: {  	v1 =	vld [tilespmem:s19+$0x50]  }
0xac: {  	v0 =	vld [tilespmem:s19+$0x60]  }
0xad: {  	v6 =	vld.idx.msk [tilespmem:v2+s9+$0x0], $0xffff  }
0xae: {  	v4 =	vld.idx.msk [tilespmem:v4+s9+$0x0], $0xffff  }
0xaf: {  	v2 =	vld.idx.msk [tilespmem:v7+s9+$0x0], $0xffff  }
0xb0: {  	s20 =	simm.s32 $0x0;
	s21 =	sshll.u32 s21, $0x7;
	s19 =	sand.u32 $0x6000, s17;
	v7 =	vld.idx.msk [tilespmem:v8+s9+$0x0], $0xffff  }
.LBB2_6:
0xb1: {  	s18 =	sadd.s32 $0x8, s18;
	s20 =	sand.u32 $0x380, s20;
	s19 =	sor.u32 s21, s19;
	v5 =	vld.idx.msk [tilespmem:v5+s9+$0x0], $0xffff  }
0xb2: {  	s21 =	sand.u32 $0x38, s18;
	s22 =	sshll.u32 s18, $0x4;
	s19 =	sor.u32 s20, s19;
	v3 =	vld.idx.msk [tilespmem:v3+s9+$0x0], $0xffff  }
0xb3: {  	p1 =	slt.u32 s18, $0x7F8;
	s20 =	sand.u32 $0x3FFFFC00, s22;
	s22 =	sshll.u32 s21, $0x4;
	v1 =	vld.idx.msk [tilespmem:v1+s9+$0x0], $0xffff;
	[tilespmem:s19+$0xC470] =	vst v6  }
0xb4: {  	s20 =	sor.u32 s22, s20;
	[tilespmem:s19+$0xC400] =	vst v4;
	v0 =	vld.idx.msk [tilespmem:v0+s9+$0x0], $0xffff  }
0xb5: {  	v4 =	vld [tilespmem:s20+$0x70];
	[tilespmem:s19+$0xC410] =	vst v2  }
0xb6: {  	v2 =	vld [tilespmem:s20+$0x0];
	[tilespmem:s19+$0xC420] =	vst v7  }
0xb7: {  	v7 =	vld [tilespmem:s20+$0x10];
	[tilespmem:s19+$0xC430] =	vst v5  }
0xb8: {  	v8 =	vld [tilespmem:s20+$0x20];
	[tilespmem:s19+$0xC440] =	vst v3  }
0xb9: {  	v5 =	vld [tilespmem:s20+$0x30];
	[tilespmem:s19+$0xC450] =	vst v1  }
0xba: {  	v3 =	vld [tilespmem:s20+$0x40];
	[tilespmem:s19+$0xC460] =	vst v0  }
0xbb: {  	v1 =	vld [tilespmem:s20+$0x50]  }
.Ltmp4:
0xbc: {  	v0 =	vld [tilespmem:s20+$0x60];
	(pc) =	sbr.rel @p1 .LBB2_6-.Ltmp4, $4  }
0xbd: {  	v6 =	vld.idx.msk [tilespmem:v4+s9+$0x0], $0xffff  }
0xbe: {  	v4 =	vld.idx.msk [tilespmem:v2+s9+$0x0], $0xffff  }
0xbf: {  	s17 =	sadd.s32 $0x80, s17;
	v2 =	vld.idx.msk [tilespmem:v7+s9+$0x0], $0xffff  }
0xc0: {  	s21 =	sshll.u32 s21, $0x7;
	s19 =	sand.u32 $0x6000, s17;
	s20 =	sshll.u32 s18, $0x1;
	v7 =	vld.idx.msk [tilespmem:v8+s9+$0x0], $0xffff  }
0xc1: {  	_ =	sdelay $0x2  }
0xc2: {  	s17 =	sand.u32 $0x380, s20;
	s18 =	sor.u32 s21, s19  }
0xc3: {  	v5 =	vld.idx.msk [tilespmem:v5+s9+$0x0], $0xffff;
	s17 =	sor.u32 s17, s18  }
0xc4: {  	v3 =	vld.idx.msk [tilespmem:v3+s9+$0x0], $0xffff;
	[tilespmem:s17+$0xC470] =	vst v6  }
0xc5: {  	v1 =	vld.idx.msk [tilespmem:v1+s9+$0x0], $0xffff;
	[tilespmem:s17+$0xC400] =	vst v4  }
0xc6: {  	v0 =	vld.idx.msk [tilespmem:v0+s9+$0x0], $0xffff;
	[tilespmem:s17+$0xC410] =	vst v2  }
0xc7: {  	[tilespmem:s17+$0xC420] =	vst v7  }
0xc8: {  	[tilespmem:s17+$0xC430] =	vst v5  }
0xc9: {  	[tilespmem:s17+$0xC440] =	vst v3  }
0xca: {  	[tilespmem:s17+$0xC450] =	vst v1  }
0xcb: {  	[tilespmem:s17+$0xC460] =	vst v0;
	s17 =	simm.s32 $0x0  }
0xcc: {  	[hbm4b:s26+s17] =	stream.linear.scatter [tilespmem:s12], [sflag:$0x2], $0x8000, $0x38;
	[tilespmem:$0x1C400] =	vst v63  }
0xcd: {  	_ =	swait.ge [sflag:s10], $0x2000  }
0xce: {  	[sflag:s10] =	ssyncset.done $0x0  }
0xcf: {  	s18 =	simm.s32 $0x0;
	s20 =	rddreg [dreg:$0xb];
	[sflag:s10] =	ssyncadd.s32 $0xFFFFE000  }
0xd0: {  	[tilespmem:s9], [sflag:$0x1] =	stream.linear.gather [hbm4b:s20+s17], $0x2000, $0x38;
	[tilespmem:$0x1C400] =	vst v63  }
0xd1: {  	s21 =	simm.s32 $0x0;
	s19 =	sand.u32 $0x38, s18;
	_ =	swait.ge [sflag:s15], $0x8000  }
0xd2: {  	s22 =	sshll.u32 s19, $0x4;
	s20 =	sand.u32 $0x3FFFFC00, s21;
	[sflag:s15] =	ssyncset.done $0x0  }
0xd3: {  	s20 =	sor.u32 s22, s20;
	[sflag:s15] =	ssyncadd.s32 $0xFFFF8000  }
0xd4: {  	v3 =	vld [tilespmem:s20+$0x70]  }
0xd5: {  	v6 =	vld [tilespmem:s20+$0x0]  }
0xd6: {  	v7 =	vld [tilespmem:s20+$0x10]  }
0xd7: {  	v8 =	vld [tilespmem:s20+$0x20]  }
0xd8: {  	v4 =	vld [tilespmem:s20+$0x30]  }
0xd9: {  	v2 =	vld [tilespmem:s20+$0x40]  }
0xda: {  	v1 =	vld [tilespmem:s20+$0x50]  }
0xdb: {  	v0 =	vld [tilespmem:s20+$0x60]  }
0xdc: {  	v5 =	vld.idx.msk [tilespmem:v3+s11+$0x0], $0xffff  }
0xdd: {  	v3 =	vld.idx.msk [tilespmem:v6+s11+$0x0], $0xffff  }
0xde: {  	s25 =	simm.s32 $0x0;
	s22 =	sshll.u32 s19, $0x7;
	s20 =	sand.u32 $0x6000, s17;
	v6 =	vld.idx.msk [tilespmem:v7+s11+$0x0], $0xffff  }
0xdf: {  	s19 =	sand.u32 $0x380, s25;
	s20 =	sor.u32 s22, s20;
	v7 =	vld.idx.msk [tilespmem:v8+s11+$0x0], $0xffff  }
.LBB2_8:
0xe0: {  	s18 =	sadd.s32 $0x8, s18;
	s19 =	sor.u32 s19, s20;
	v4 =	vld.idx.msk [tilespmem:v4+s11+$0x0], $0xffff  }
0xe1: {  	s20 =	sand.u32 $0x38, s18;
	s21 =	sshll.u32 s18, $0x4;
	s22 =	sadd.s32 $0x14400, s19;
	v2 =	vld.idx.msk [tilespmem:v2+s11+$0x0], $0xffff  }
0xe2: {  	p1 =	slt.u32 s18, $0x7F8;
	s21 =	sand.u32 $0x3FFFFC00, s21;
	s25 =	sshll.u32 s20, $0x4;
	v1 =	vld.idx.msk [tilespmem:v1+s11+$0x0], $0xffff;
	[tilespmem:s22+$0x70] =	vst v5  }
0xe3: {  	s21 =	sor.u32 s25, s21;
	[tilespmem:s19+$0x14400] =	vst v3;
	v0 =	vld.idx.msk [tilespmem:v0+s11+$0x0], $0xffff  }
0xe4: {  	v3 =	vld [tilespmem:s21+$0x70];
	[tilespmem:s22+$0x10] =	vst v6  }
0xe5: {  	v6 =	vld [tilespmem:s21+$0x0];
	[tilespmem:s22+$0x20] =	vst v7  }
0xe6: {  	v7 =	vld [tilespmem:s21+$0x10];
	[tilespmem:s22+$0x30] =	vst v4  }
0xe7: {  	v8 =	vld [tilespmem:s21+$0x20];
	[tilespmem:s22+$0x40] =	vst v2  }
0xe8: {  	v4 =	vld [tilespmem:s21+$0x30];
	[tilespmem:s22+$0x50] =	vst v1  }
0xe9: {  	v2 =	vld [tilespmem:s21+$0x40];
	[tilespmem:s22+$0x60] =	vst v0  }
0xea: {  	v1 =	vld [tilespmem:s21+$0x50]  }
.Ltmp5:
0xeb: {  	v0 =	vld [tilespmem:s21+$0x60];
	(pc) =	sbr.rel @p1 .LBB2_8-.Ltmp5, $4  }
0xec: {  	v5 =	vld.idx.msk [tilespmem:v3+s11+$0x0], $0xffff  }
0xed: {  	s17 =	sadd.s32 $0x80, s17;
	v3 =	vld.idx.msk [tilespmem:v6+s11+$0x0], $0xffff  }
0xee: {  	s20 =	sshll.u32 s20, $0x7;
	s19 =	sshll.u32 s18, $0x1;
	s21 =	sand.u32 $0x6000, s17;
	v6 =	vld.idx.msk [tilespmem:v7+s11+$0x0], $0xffff  }
0xef: {  	s19 =	sand.u32 $0x380, s19;
	s20 =	sor.u32 s20, s21;
	v7 =	vld.idx.msk [tilespmem:v8+s11+$0x0], $0xffff  }
0xf0: {  	_ =	sdelay $0x2  }
0xf1: {  	s17 =	sor.u32 s19, s20  }
0xf2: {  	v4 =	vld.idx.msk [tilespmem:v4+s11+$0x0], $0xffff;
	s18 =	sadd.s32 $0x14400, s17  }
0xf3: {  	v2 =	vld.idx.msk [tilespmem:v2+s11+$0x0], $0xffff;
	[tilespmem:s18+$0x70] =	vst v5  }
0xf4: {  	v1 =	vld.idx.msk [tilespmem:v1+s11+$0x0], $0xffff;
	[tilespmem:s17+$0x14400] =	vst v3  }
0xf5: {  	v0 =	vld.idx.msk [tilespmem:v0+s11+$0x0], $0xffff;
	[tilespmem:s18+$0x10] =	vst v6  }
0xf6: {  	[tilespmem:s18+$0x20] =	vst v7  }
0xf7: {  	[tilespmem:s18+$0x30] =	vst v4  }
0xf8: {  	[tilespmem:s18+$0x40] =	vst v2  }
0xf9: {  	[tilespmem:s18+$0x50] =	vst v1  }
0xfa: {  	s17 =	simm.s32 $0x0;
	[tilespmem:s18+$0x60] =	vst v0  }
0xfb: {  	[hbm4b:s28+s17] =	stream.linear.scatter [tilespmem:s13], [sflag:$0x3], $0x8000, $0x38;
	[tilespmem:$0x1C400] =	vst v63  }
0xfc: {  	_ =	swait.ge [sflag:s10], $0x2000  }
0xfd: {  	[sflag:s10] =	ssyncset.done $0x0  }
0xfe: {  	s18 =	simm.s32 $0x0;
	s21 =	rddreg [dreg:$0xc];
	[sflag:s10] =	ssyncadd.s32 $0xFFFFE000  }
0xff: {  	[tilespmem:s11], [sflag:$0x1] =	stream.linear.gather [hbm4b:s21+s17], $0x2000, $0x38;
	[tilespmem:$0x1C400] =	vst v63  }
0x100: {  	s22 =	simm.s32 $0x0;
	s21 =	sand.u32 $0x38, s18;
	_ =	swait.ge [sflag:s14], $0x8000  }
0x101: {  	s19 =	sand.u32 $0x3FFFFC00, s22;
	s25 =	sshll.u32 s21, $0x4;
	[sflag:s14] =	ssyncset.done $0x0  }
0x102: {  	s19 =	sor.u32 s25, s19;
	[sflag:s14] =	ssyncadd.s32 $0xFFFF8000  }
0x103: {  	v2 =	vld [tilespmem:s19+$0x70]  }
0x104: {  	v4 =	vld [tilespmem:s19+$0x0]  }
0x105: {  	v7 =	vld [tilespmem:s19+$0x10]  }
0x106: {  	v8 =	vld [tilespmem:s19+$0x20]  }
0x107: {  	v5 =	vld [tilespmem:s19+$0x30]  }
0x108: {  	v3 =	vld [tilespmem:s19+$0x40]  }
0x109: {  	v1 =	vld [tilespmem:s19+$0x50]  }
0x10a: {  	v0 =	vld [tilespmem:s19+$0x60]  }
0x10b: {  	v6 =	vld.idx.msk [tilespmem:v2+s9+$0x0], $0xffff  }
0x10c: {  	v4 =	vld.idx.msk [tilespmem:v4+s9+$0x0], $0xffff  }
0x10d: {  	v2 =	vld.idx.msk [tilespmem:v7+s9+$0x0], $0xffff  }
0x10e: {  	s20 =	simm.s32 $0x0;
	s21 =	sshll.u32 s21, $0x7;
	s19 =	sand.u32 $0x6000, s17;
	v7 =	vld.idx.msk [tilespmem:v8+s9+$0x0], $0xffff  }
.LBB2_10:
0x10f: {  	s18 =	sadd.s32 $0x8, s18;
	s20 =	sand.u32 $0x380, s20;
	s19 =	sor.u32 s21, s19;
	v5 =	vld.idx.msk [tilespmem:v5+s9+$0x0], $0xffff  }
0x110: {  	s21 =	sand.u32 $0x38, s18;
	s22 =	sshll.u32 s18, $0x4;
	s19 =	sor.u32 s20, s19;
	v3 =	vld.idx.msk [tilespmem:v3+s9+$0x0], $0xffff  }
0x111: {  	p1 =	slt.u32 s18, $0x7F8;
	s20 =	sand.u32 $0x3FFFFC00, s22;
	s22 =	sshll.u32 s21, $0x4;
	v1 =	vld.idx.msk [tilespmem:v1+s9+$0x0], $0xffff;
	[tilespmem:s19+$0xC470] =	vst v6  }
0x112: {  	s20 =	sor.u32 s22, s20;
	[tilespmem:s19+$0xC400] =	vst v4;
	v0 =	vld.idx.msk [tilespmem:v0+s9+$0x0], $0xffff  }
0x113: {  	v4 =	vld [tilespmem:s20+$0x70];
	[tilespmem:s19+$0xC410] =	vst v2  }
0x114: {  	v2 =	vld [tilespmem:s20+$0x0];
	[tilespmem:s19+$0xC420] =	vst v7  }
0x115: {  	v7 =	vld [tilespmem:s20+$0x10];
	[tilespmem:s19+$0xC430] =	vst v5  }
0x116: {  	v8 =	vld [tilespmem:s20+$0x20];
	[tilespmem:s19+$0xC440] =	vst v3  }
0x117: {  	v5 =	vld [tilespmem:s20+$0x30];
	[tilespmem:s19+$0xC450] =	vst v1  }
0x118: {  	v3 =	vld [tilespmem:s20+$0x40];
	[tilespmem:s19+$0xC460] =	vst v0  }
0x119: {  	v1 =	vld [tilespmem:s20+$0x50]  }
.Ltmp6:
0x11a: {  	v0 =	vld [tilespmem:s20+$0x60];
	(pc) =	sbr.rel @p1 .LBB2_10-.Ltmp6, $4  }
0x11b: {  	v6 =	vld.idx.msk [tilespmem:v4+s9+$0x0], $0xffff  }
0x11c: {  	v4 =	vld.idx.msk [tilespmem:v2+s9+$0x0], $0xffff  }
0x11d: {  	s17 =	sadd.s32 $0x80, s17;
	v2 =	vld.idx.msk [tilespmem:v7+s9+$0x0], $0xffff  }
0x11e: {  	s21 =	sshll.u32 s21, $0x7;
	s19 =	sand.u32 $0x6000, s17;
	s20 =	sshll.u32 s18, $0x1;
	v7 =	vld.idx.msk [tilespmem:v8+s9+$0x0], $0xffff  }
0x11f: {  	_ =	sdelay $0x2  }
0x120: {  	s17 =	sand.u32 $0x380, s20;
	s18 =	sor.u32 s21, s19  }
0x121: {  	v5 =	vld.idx.msk [tilespmem:v5+s9+$0x0], $0xffff;
	s17 =	sor.u32 s17, s18  }
0x122: {  	v3 =	vld.idx.msk [tilespmem:v3+s9+$0x0], $0xffff;
	[tilespmem:s17+$0xC470] =	vst v6  }
0x123: {  	v1 =	vld.idx.msk [tilespmem:v1+s9+$0x0], $0xffff;
	[tilespmem:s17+$0xC400] =	vst v4  }
0x124: {  	v0 =	vld.idx.msk [tilespmem:v0+s9+$0x0], $0xffff;
	[tilespmem:s17+$0xC410] =	vst v2  }
0x125: {  	[tilespmem:s17+$0xC420] =	vst v7  }
0x126: {  	[tilespmem:s17+$0xC430] =	vst v5  }
0x127: {  	[tilespmem:s17+$0xC440] =	vst v3  }
0x128: {  	[tilespmem:s17+$0xC450] =	vst v1  }
0x129: {  	[tilespmem:s17+$0xC460] =	vst v0;
	s17 =	simm.s32 $0x0  }
0x12a: {  	[hbm4b:s29+s17] =	stream.linear.scatter [tilespmem:s12], [sflag:$0x2], $0x8000, $0x38;
	[tilespmem:$0x1C400] =	vst v63  }
0x12b: {  	_ =	swait.ge [sflag:s10], $0x2000  }
0x12c: {  	[sflag:s10] =	ssyncset.done $0x0  }
0x12d: {  	s18 =	simm.s32 $0x0;
	s20 =	rddreg [dreg:$0xd];
	[sflag:s10] =	ssyncadd.s32 $0xFFFFE000  }
0x12e: {  	[tilespmem:s9], [sflag:$0x1] =	stream.linear.gather [hbm4b:s20+s17], $0x2000, $0x38;
	[tilespmem:$0x1C400] =	vst v63  }
0x12f: {  	s21 =	simm.s32 $0x0;
	s19 =	sand.u32 $0x38, s18;
	_ =	swait.ge [sflag:s15], $0x8000  }
0x130: {  	s22 =	sshll.u32 s19, $0x4;
	s20 =	sand.u32 $0x3FFFFC00, s21;
	[sflag:s15] =	ssyncset.done $0x0  }
0x131: {  	s20 =	sor.u32 s22, s20;
	[sflag:s15] =	ssyncadd.s32 $0xFFFF8000  }
0x132: {  	v3 =	vld [tilespmem:s20+$0x70]  }
0x133: {  	v6 =	vld [tilespmem:s20+$0x0]  }
0x134: {  	v7 =	vld [tilespmem:s20+$0x10]  }
0x135: {  	v8 =	vld [tilespmem:s20+$0x20]  }
0x136: {  	v4 =	vld [tilespmem:s20+$0x30]  }
0x137: {  	v2 =	vld [tilespmem:s20+$0x40]  }
0x138: {  	v1 =	vld [tilespmem:s20+$0x50]  }
0x139: {  	v0 =	vld [tilespmem:s20+$0x60]  }
0x13a: {  	v5 =	vld.idx.msk [tilespmem:v3+s11+$0x0], $0xffff  }
0x13b: {  	v3 =	vld.idx.msk [tilespmem:v6+s11+$0x0], $0xffff  }
0x13c: {  	s25 =	simm.s32 $0x0;
	s22 =	sshll.u32 s19, $0x7;
	s20 =	sand.u32 $0x6000, s17;
	v6 =	vld.idx.msk [tilespmem:v7+s11+$0x0], $0xffff  }
0x13d: {  	s19 =	sand.u32 $0x380, s25;
	s20 =	sor.u32 s22, s20;
	v7 =	vld.idx.msk [tilespmem:v8+s11+$0x0], $0xffff  }
.LBB2_12:
0x13e: {  	s18 =	sadd.s32 $0x8, s18;
	s19 =	sor.u32 s19, s20;
	v4 =	vld.idx.msk [tilespmem:v4+s11+$0x0], $0xffff  }
0x13f: {  	s20 =	sand.u32 $0x38, s18;
	s21 =	sshll.u32 s18, $0x4;
	s22 =	sadd.s32 $0x14400, s19;
	v2 =	vld.idx.msk [tilespmem:v2+s11+$0x0], $0xffff  }
0x140: {  	p1 =	slt.u32 s18, $0x7F8;
	s21 =	sand.u32 $0x3FFFFC00, s21;
	s25 =	sshll.u32 s20, $0x4;
	v1 =	vld.idx.msk [tilespmem:v1+s11+$0x0], $0xffff;
	[tilespmem:s22+$0x70] =	vst v5  }
0x141: {  	s21 =	sor.u32 s25, s21;
	[tilespmem:s19+$0x14400] =	vst v3;
	v0 =	vld.idx.msk [tilespmem:v0+s11+$0x0], $0xffff  }
0x142: {  	v3 =	vld [tilespmem:s21+$0x70];
	[tilespmem:s22+$0x10] =	vst v6  }
0x143: {  	v6 =	vld [tilespmem:s21+$0x0];
	[tilespmem:s22+$0x20] =	vst v7  }
0x144: {  	v7 =	vld [tilespmem:s21+$0x10];
	[tilespmem:s22+$0x30] =	vst v4  }
0x145: {  	v8 =	vld [tilespmem:s21+$0x20];
	[tilespmem:s22+$0x40] =	vst v2  }
0x146: {  	v4 =	vld [tilespmem:s21+$0x30];
	[tilespmem:s22+$0x50] =	vst v1  }
0x147: {  	v2 =	vld [tilespmem:s21+$0x40];
	[tilespmem:s22+$0x60] =	vst v0  }
0x148: {  	v1 =	vld [tilespmem:s21+$0x50]  }
.Ltmp7:
0x149: {  	v0 =	vld [tilespmem:s21+$0x60];
	(pc) =	sbr.rel @p1 .LBB2_12-.Ltmp7, $4  }
0x14a: {  	v5 =	vld.idx.msk [tilespmem:v3+s11+$0x0], $0xffff  }
0x14b: {  	s17 =	sadd.s32 $0x80, s17;
	v3 =	vld.idx.msk [tilespmem:v6+s11+$0x0], $0xffff  }
0x14c: {  	s20 =	sshll.u32 s20, $0x7;
	s19 =	sshll.u32 s18, $0x1;
	s21 =	sand.u32 $0x6000, s17;
	v6 =	vld.idx.msk [tilespmem:v7+s11+$0x0], $0xffff  }
0x14d: {  	s19 =	sand.u32 $0x380, s19;
	s20 =	sor.u32 s20, s21;
	v7 =	vld.idx.msk [tilespmem:v8+s11+$0x0], $0xffff  }
0x14e: {  	_ =	sdelay $0x2  }
0x14f: {  	s17 =	sor.u32 s19, s20  }
0x150: {  	v4 =	vld.idx.msk [tilespmem:v4+s11+$0x0], $0xffff;
	s18 =	sadd.s32 $0x14400, s17  }
0x151: {  	v2 =	vld.idx.msk [tilespmem:v2+s11+$0x0], $0xffff;
	[tilespmem:s18+$0x70] =	vst v5  }
0x152: {  	v1 =	vld.idx.msk [tilespmem:v1+s11+$0x0], $0xffff;
	[tilespmem:s17+$0x14400] =	vst v3  }
0x153: {  	v0 =	vld.idx.msk [tilespmem:v0+s11+$0x0], $0xffff;
	[tilespmem:s18+$0x10] =	vst v6  }
0x154: {  	[tilespmem:s18+$0x20] =	vst v7  }
0x155: {  	[tilespmem:s18+$0x30] =	vst v4  }
0x156: {  	[tilespmem:s18+$0x40] =	vst v2  }
0x157: {  	[tilespmem:s18+$0x50] =	vst v1  }
0x158: {  	s17 =	simm.s32 $0x0;
	[tilespmem:s18+$0x60] =	vst v0  }
0x159: {  	[hbm4b:s30+s17] =	stream.linear.scatter [tilespmem:s13], [sflag:$0x3], $0x8000, $0x38;
	[tilespmem:$0x1C400] =	vst v63  }
0x15a: {  	_ =	swait.ge [sflag:s10], $0x2000  }
0x15b: {  	[sflag:s10] =	ssyncset.done $0x0  }
0x15c: {  	s18 =	simm.s32 $0x0;
	s21 =	rddreg [dreg:$0xe];
	[sflag:s10] =	ssyncadd.s32 $0xFFFFE000  }
0x15d: {  	[tilespmem:s11], [sflag:$0x1] =	stream.linear.gather [hbm4b:s21+s17], $0x2000, $0x38;
	[tilespmem:$0x1C400] =	vst v63  }
0x15e: {  	s22 =	simm.s32 $0x0;
	s21 =	sand.u32 $0x38, s18;
	_ =	swait.ge [sflag:s14], $0x8000  }
0x15f: {  	s19 =	sand.u32 $0x3FFFFC00, s22;
	s25 =	sshll.u32 s21, $0x4;
	[sflag:s14] =	ssyncset.done $0x0  }
0x160: {  	s19 =	sor.u32 s25, s19;
	[sflag:s14] =	ssyncadd.s32 $0xFFFF8000  }
0x161: {  	v2 =	vld [tilespmem:s19+$0x70]  }
0x162: {  	v4 =	vld [tilespmem:s19+$0x0]  }
0x163: {  	v7 =	vld [tilespmem:s19+$0x10]  }
0x164: {  	v8 =	vld [tilespmem:s19+$0x20]  }
0x165: {  	v5 =	vld [tilespmem:s19+$0x30]  }
0x166: {  	v3 =	vld [tilespmem:s19+$0x40]  }
0x167: {  	v1 =	vld [tilespmem:s19+$0x50]  }
0x168: {  	v0 =	vld [tilespmem:s19+$0x60]  }
0x169: {  	v6 =	vld.idx.msk [tilespmem:v2+s9+$0x0], $0xffff  }
0x16a: {  	v4 =	vld.idx.msk [tilespmem:v4+s9+$0x0], $0xffff  }
0x16b: {  	v2 =	vld.idx.msk [tilespmem:v7+s9+$0x0], $0xffff  }
0x16c: {  	s20 =	simm.s32 $0x0;
	s21 =	sshll.u32 s21, $0x7;
	s19 =	sand.u32 $0x6000, s17;
	v7 =	vld.idx.msk [tilespmem:v8+s9+$0x0], $0xffff  }
.LBB2_14:
0x16d: {  	s18 =	sadd.s32 $0x8, s18;
	s20 =	sand.u32 $0x380, s20;
	s19 =	sor.u32 s21, s19;
	v5 =	vld.idx.msk [tilespmem:v5+s9+$0x0], $0xffff  }
0x16e: {  	s21 =	sand.u32 $0x38, s18;
	s22 =	sshll.u32 s18, $0x4;
	s19 =	sor.u32 s20, s19;
	v3 =	vld.idx.msk [tilespmem:v3+s9+$0x0], $0xffff  }
0x16f: {  	p1 =	slt.u32 s18, $0x7F8;
	s20 =	sand.u32 $0x3FFFFC00, s22;
	s22 =	sshll.u32 s21, $0x4;
	v1 =	vld.idx.msk [tilespmem:v1+s9+$0x0], $0xffff;
	[tilespmem:s19+$0xC470] =	vst v6  }
0x170: {  	s20 =	sor.u32 s22, s20;
	[tilespmem:s19+$0xC400] =	vst v4;
	v0 =	vld.idx.msk [tilespmem:v0+s9+$0x0], $0xffff  }
0x171: {  	v4 =	vld [tilespmem:s20+$0x70];
	[tilespmem:s19+$0xC410] =	vst v2  }
0x172: {  	v2 =	vld [tilespmem:s20+$0x0];
	[tilespmem:s19+$0xC420] =	vst v7  }
0x173: {  	v7 =	vld [tilespmem:s20+$0x10];
	[tilespmem:s19+$0xC430] =	vst v5  }
0x174: {  	v8 =	vld [tilespmem:s20+$0x20];
	[tilespmem:s19+$0xC440] =	vst v3  }
0x175: {  	v5 =	vld [tilespmem:s20+$0x30];
	[tilespmem:s19+$0xC450] =	vst v1  }
0x176: {  	v3 =	vld [tilespmem:s20+$0x40];
	[tilespmem:s19+$0xC460] =	vst v0  }
0x177: {  	v1 =	vld [tilespmem:s20+$0x50]  }
.Ltmp8:
0x178: {  	v0 =	vld [tilespmem:s20+$0x60];
	(pc) =	sbr.rel @p1 .LBB2_14-.Ltmp8, $4  }
0x179: {  	v6 =	vld.idx.msk [tilespmem:v4+s9+$0x0], $0xffff  }
0x17a: {  	v4 =	vld.idx.msk [tilespmem:v2+s9+$0x0], $0xffff  }
0x17b: {  	s17 =	sadd.s32 $0x80, s17;
	v2 =	vld.idx.msk [tilespmem:v7+s9+$0x0], $0xffff  }
0x17c: {  	s21 =	sshll.u32 s21, $0x7;
	s19 =	sand.u32 $0x6000, s17;
	s20 =	sshll.u32 s18, $0x1;
	v7 =	vld.idx.msk [tilespmem:v8+s9+$0x0], $0xffff  }
0x17d: {  	_ =	sdelay $0x2  }
0x17e: {  	s17 =	sand.u32 $0x380, s20;
	s18 =	sor.u32 s21, s19  }
0x17f: {  	v5 =	vld.idx.msk [tilespmem:v5+s9+$0x0], $0xffff;
	s17 =	sor.u32 s17, s18  }
0x180: {  	v3 =	vld.idx.msk [tilespmem:v3+s9+$0x0], $0xffff;
	[tilespmem:s17+$0xC470] =	vst v6  }
0x181: {  	v1 =	vld.idx.msk [tilespmem:v1+s9+$0x0], $0xffff;
	[tilespmem:s17+$0xC400] =	vst v4  }
0x182: {  	v0 =	vld.idx.msk [tilespmem:v0+s9+$0x0], $0xffff;
	[tilespmem:s17+$0xC410] =	vst v2  }
0x183: {  	[tilespmem:s17+$0xC420] =	vst v7  }
0x184: {  	[tilespmem:s17+$0xC430] =	vst v5  }
0x185: {  	[tilespmem:s17+$0xC440] =	vst v3  }
0x186: {  	[tilespmem:s17+$0xC450] =	vst v1  }
0x187: {  	[tilespmem:s17+$0xC460] =	vst v0;
	s17 =	simm.s32 $0x0  }
0x188: {  	[hbm4b:s31+s17] =	stream.linear.scatter [tilespmem:s12], [sflag:$0x2], $0x8000, $0x38;
	[tilespmem:$0x1C400] =	vst v63  }
0x189: {  	_ =	swait.ge [sflag:s10], $0x2000  }
0x18a: {  	[sflag:s10] =	ssyncset.done $0x0  }
0x18b: {  	s18 =	simm.s32 $0x0;
	s20 =	rddreg [dreg:$0xf];
	[sflag:s10] =	ssyncadd.s32 $0xFFFFE000  }
0x18c: {  	[tilespmem:s9], [sflag:$0x1] =	stream.linear.gather [hbm4b:s20+s17], $0x2000, $0x38;
	[tilespmem:$0x1C400] =	vst v63  }
0x18d: {  	s21 =	simm.s32 $0x0;
	s19 =	sand.u32 $0x38, s18;
	_ =	swait.ge [sflag:s15], $0x8000  }
0x18e: {  	s22 =	sshll.u32 s19, $0x4;
	s20 =	sand.u32 $0x3FFFFC00, s21;
	[sflag:s15] =	ssyncset.done $0x0  }
0x18f: {  	s20 =	sor.u32 s22, s20;
	[sflag:s15] =	ssyncadd.s32 $0xFFFF8000  }
0x190: {  	v3 =	vld [tilespmem:s20+$0x70]  }
0x191: {  	v6 =	vld [tilespmem:s20+$0x0]  }
0x192: {  	v7 =	vld [tilespmem:s20+$0x10]  }
0x193: {  	v8 =	vld [tilespmem:s20+$0x20]  }
0x194: {  	v4 =	vld [tilespmem:s20+$0x30]  }
0x195: {  	v2 =	vld [tilespmem:s20+$0x40]  }
0x196: {  	v1 =	vld [tilespmem:s20+$0x50]  }
0x197: {  	v0 =	vld [tilespmem:s20+$0x60]  }
0x198: {  	v5 =	vld.idx.msk [tilespmem:v3+s11+$0x0], $0xffff  }
0x199: {  	v3 =	vld.idx.msk [tilespmem:v6+s11+$0x0], $0xffff  }
0x19a: {  	s25 =	simm.s32 $0x0;
	s22 =	sshll.u32 s19, $0x7;
	s20 =	sand.u32 $0x6000, s17;
	v6 =	vld.idx.msk [tilespmem:v7+s11+$0x0], $0xffff  }
0x19b: {  	s19 =	sand.u32 $0x380, s25;
	s20 =	sor.u32 s22, s20;
	v7 =	vld.idx.msk [tilespmem:v8+s11+$0x0], $0xffff  }
.LBB2_16:
0x19c: {  	s18 =	sadd.s32 $0x8, s18;
	s19 =	sor.u32 s19, s20;
	v4 =	vld.idx.msk [tilespmem:v4+s11+$0x0], $0xffff  }
0x19d: {  	s20 =	sand.u32 $0x38, s18;
	s21 =	sshll.u32 s18, $0x4;
	s22 =	sadd.s32 $0x14400, s19;
	v2 =	vld.idx.msk [tilespmem:v2+s11+$0x0], $0xffff  }
0x19e: {  	p1 =	slt.u32 s18, $0x7F8;
	s21 =	sand.u32 $0x3FFFFC00, s21;
	s25 =	sshll.u32 s20, $0x4;
	v1 =	vld.idx.msk [tilespmem:v1+s11+$0x0], $0xffff;
	[tilespmem:s22+$0x70] =	vst v5  }
0x19f: {  	s21 =	sor.u32 s25, s21;
	[tilespmem:s19+$0x14400] =	vst v3;
	v0 =	vld.idx.msk [tilespmem:v0+s11+$0x0], $0xffff  }
0x1a0: {  	v3 =	vld [tilespmem:s21+$0x70];
	[tilespmem:s22+$0x10] =	vst v6  }
0x1a1: {  	v6 =	vld [tilespmem:s21+$0x0];
	[tilespmem:s22+$0x20] =	vst v7  }
0x1a2: {  	v7 =	vld [tilespmem:s21+$0x10];
	[tilespmem:s22+$0x30] =	vst v4  }
0x1a3: {  	v8 =	vld [tilespmem:s21+$0x20];
	[tilespmem:s22+$0x40] =	vst v2  }
0x1a4: {  	v4 =	vld [tilespmem:s21+$0x30];
	[tilespmem:s22+$0x50] =	vst v1  }
0x1a5: {  	v2 =	vld [tilespmem:s21+$0x40];
	[tilespmem:s22+$0x60] =	vst v0  }
0x1a6: {  	v1 =	vld [tilespmem:s21+$0x50]  }
.Ltmp9:
0x1a7: {  	v0 =	vld [tilespmem:s21+$0x60];
	(pc) =	sbr.rel @p1 .LBB2_16-.Ltmp9, $4  }
0x1a8: {  	v5 =	vld.idx.msk [tilespmem:v3+s11+$0x0], $0xffff  }
0x1a9: {  	s17 =	sadd.s32 $0x80, s17;
	v3 =	vld.idx.msk [tilespmem:v6+s11+$0x0], $0xffff  }
0x1aa: {  	s20 =	sshll.u32 s20, $0x7;
	s19 =	sshll.u32 s18, $0x1;
	s21 =	sand.u32 $0x6000, s17;
	v6 =	vld.idx.msk [tilespmem:v7+s11+$0x0], $0xffff  }
0x1ab: {  	s19 =	sand.u32 $0x380, s19;
	s20 =	sor.u32 s20, s21;
	v7 =	vld.idx.msk [tilespmem:v8+s11+$0x0], $0xffff  }
0x1ac: {  	_ =	sdelay $0x2  }
0x1ad: {  	s17 =	sor.u32 s19, s20  }
0x1ae: {  	v4 =	vld.idx.msk [tilespmem:v4+s11+$0x0], $0xffff;
	s18 =	sadd.s32 $0x14400, s17  }
0x1af: {  	v2 =	vld.idx.msk [tilespmem:v2+s11+$0x0], $0xffff;
	[tilespmem:s18+$0x70] =	vst v5  }
0x1b0: {  	v1 =	vld.idx.msk [tilespmem:v1+s11+$0x0], $0xffff;
	[tilespmem:s17+$0x14400] =	vst v3  }
0x1b1: {  	v0 =	vld.idx.msk [tilespmem:v0+s11+$0x0], $0xffff;
	[tilespmem:s18+$0x10] =	vst v6  }
0x1b2: {  	[tilespmem:s18+$0x20] =	vst v7  }
0x1b3: {  	[tilespmem:s18+$0x30] =	vst v4  }
0x1b4: {  	[tilespmem:s18+$0x40] =	vst v2  }
0x1b5: {  	[tilespmem:s18+$0x50] =	vst v1  }
0x1b6: {  	s17 =	simm.s32 $0x0;
	[tilespmem:s18+$0x60] =	vst v0  }
0x1b7: {  	[hbm4b:s0+s17] =	stream.linear.scatter [tilespmem:s13], [sflag:$0x3], $0x8000, $0x38;
	[tilespmem:$0x1C400] =	vst v63  }
0x1b8: {  	_ =	swait.ge [sflag:s10], $0x2000  }
0x1b9: {  	[sflag:s10] =	ssyncset.done $0x0  }
0x1ba: {  	s18 =	simm.s32 $0x0;
	s21 =	rddreg [dreg:$0x10];
	[sflag:s10] =	ssyncadd.s32 $0xFFFFE000  }
0x1bb: {  	[tilespmem:s11], [sflag:$0x1] =	stream.linear.gather [hbm4b:s21+s17], $0x2000, $0x38;
	[tilespmem:$0x1C400] =	vst v63  }
0x1bc: {  	s22 =	simm.s32 $0x0;
	s21 =	sand.u32 $0x38, s18;
	_ =	swait.ge [sflag:s14], $0x8000  }
0x1bd: {  	s19 =	sand.u32 $0x3FFFFC00, s22;
	s25 =	sshll.u32 s21, $0x4;
	[sflag:s14] =	ssyncset.done $0x0  }
0x1be: {  	s19 =	sor.u32 s25, s19;
	[sflag:s14] =	ssyncadd.s32 $0xFFFF8000  }
0x1bf: {  	v2 =	vld [tilespmem:s19+$0x70]  }
0x1c0: {  	v4 =	vld [tilespmem:s19+$0x0]  }
0x1c1: {  	v7 =	vld [tilespmem:s19+$0x10]  }
0x1c2: {  	v8 =	vld [tilespmem:s19+$0x20]  }
0x1c3: {  	v5 =	vld [tilespmem:s19+$0x30]  }
0x1c4: {  	v3 =	vld [tilespmem:s19+$0x40]  }
0x1c5: {  	v1 =	vld [tilespmem:s19+$0x50]  }
0x1c6: {  	v0 =	vld [tilespmem:s19+$0x60]  }
0x1c7: {  	v6 =	vld.idx.msk [tilespmem:v2+s9+$0x0], $0xffff  }
0x1c8: {  	v4 =	vld.idx.msk [tilespmem:v4+s9+$0x0], $0xffff  }
0x1c9: {  	v2 =	vld.idx.msk [tilespmem:v7+s9+$0x0], $0xffff  }
0x1ca: {  	s20 =	simm.s32 $0x0;
	s21 =	sshll.u32 s21, $0x7;
	s19 =	sand.u32 $0x6000, s17;
	v7 =	vld.idx.msk [tilespmem:v8+s9+$0x0], $0xffff  }
.LBB2_18:
0x1cb: {  	s18 =	sadd.s32 $0x8, s18;
	s20 =	sand.u32 $0x380, s20;
	s19 =	sor.u32 s21, s19;
	v5 =	vld.idx.msk [tilespmem:v5+s9+$0x0], $0xffff  }
0x1cc: {  	s21 =	sand.u32 $0x38, s18;
	s22 =	sshll.u32 s18, $0x4;
	s19 =	sor.u32 s20, s19;
	v3 =	vld.idx.msk [tilespmem:v3+s9+$0x0], $0xffff  }
0x1cd: {  	p1 =	slt.u32 s18, $0x7F8;
	s20 =	sand.u32 $0x3FFFFC00, s22;
	s22 =	sshll.u32 s21, $0x4;
	v1 =	vld.idx.msk [tilespmem:v1+s9+$0x0], $0xffff;
	[tilespmem:s19+$0xC470] =	vst v6  }
0x1ce: {  	s20 =	sor.u32 s22, s20;
	[tilespmem:s19+$0xC400] =	vst v4;
	v0 =	vld.idx.msk [tilespmem:v0+s9+$0x0], $0xffff  }
0x1cf: {  	v4 =	vld [tilespmem:s20+$0x70];
	[tilespmem:s19+$0xC410] =	vst v2  }
0x1d0: {  	v2 =	vld [tilespmem:s20+$0x0];
	[tilespmem:s19+$0xC420] =	vst v7  }
0x1d1: {  	v7 =	vld [tilespmem:s20+$0x10];
	[tilespmem:s19+$0xC430] =	vst v5  }
0x1d2: {  	v8 =	vld [tilespmem:s20+$0x20];
	[tilespmem:s19+$0xC440] =	vst v3  }
0x1d3: {  	v5 =	vld [tilespmem:s20+$0x30];
	[tilespmem:s19+$0xC450] =	vst v1  }
0x1d4: {  	v3 =	vld [tilespmem:s20+$0x40];
	[tilespmem:s19+$0xC460] =	vst v0  }
0x1d5: {  	v1 =	vld [tilespmem:s20+$0x50]  }
.Ltmp10:
0x1d6: {  	v0 =	vld [tilespmem:s20+$0x60];
	(pc) =	sbr.rel @p1 .LBB2_18-.Ltmp10, $4  }
0x1d7: {  	v6 =	vld.idx.msk [tilespmem:v4+s9+$0x0], $0xffff  }
0x1d8: {  	v4 =	vld.idx.msk [tilespmem:v2+s9+$0x0], $0xffff  }
0x1d9: {  	s17 =	sadd.s32 $0x80, s17;
	v2 =	vld.idx.msk [tilespmem:v7+s9+$0x0], $0xffff  }
0x1da: {  	s21 =	sshll.u32 s21, $0x7;
	s19 =	sand.u32 $0x6000, s17;
	s20 =	sshll.u32 s18, $0x1;
	v7 =	vld.idx.msk [tilespmem:v8+s9+$0x0], $0xffff  }
0x1db: {  	_ =	sdelay $0x2  }
0x1dc: {  	s17 =	sand.u32 $0x380, s20;
	s18 =	sor.u32 s21, s19  }
0x1dd: {  	v5 =	vld.idx.msk [tilespmem:v5+s9+$0x0], $0xffff;
	s17 =	sor.u32 s17, s18  }
0x1de: {  	v3 =	vld.idx.msk [tilespmem:v3+s9+$0x0], $0xffff;
	[tilespmem:s17+$0xC470] =	vst v6  }
0x1df: {  	v1 =	vld.idx.msk [tilespmem:v1+s9+$0x0], $0xffff;
	[tilespmem:s17+$0xC400] =	vst v4  }
0x1e0: {  	v0 =	vld.idx.msk [tilespmem:v0+s9+$0x0], $0xffff;
	[tilespmem:s17+$0xC410] =	vst v2  }
0x1e1: {  	[tilespmem:s17+$0xC420] =	vst v7  }
0x1e2: {  	[tilespmem:s17+$0xC430] =	vst v5  }
0x1e3: {  	[tilespmem:s17+$0xC440] =	vst v3  }
0x1e4: {  	[tilespmem:s17+$0xC450] =	vst v1  }
0x1e5: {  	[tilespmem:s17+$0xC460] =	vst v0;
	s17 =	simm.s32 $0x0  }
0x1e6: {  	[hbm4b:s1+s17] =	stream.linear.scatter [tilespmem:s12], [sflag:$0x2], $0x8000, $0x38;
	[tilespmem:$0x1C400] =	vst v63  }
0x1e7: {  	_ =	swait.ge [sflag:s10], $0x2000  }
0x1e8: {  	[sflag:s10] =	ssyncset.done $0x0  }
0x1e9: {  	s18 =	simm.s32 $0x0;
	s20 =	rddreg [dreg:$0x11];
	[sflag:s10] =	ssyncadd.s32 $0xFFFFE000  }
0x1ea: {  	[tilespmem:s9], [sflag:$0x1] =	stream.linear.gather [hbm4b:s20+s17], $0x2000, $0x38;
	[tilespmem:$0x1C400] =	vst v63  }
0x1eb: {  	s21 =	simm.s32 $0x0;
	s19 =	sand.u32 $0x38, s18;
	_ =	swait.ge [sflag:s15], $0x8000  }
0x1ec: {  	s22 =	sshll.u32 s19, $0x4;
	s20 =	sand.u32 $0x3FFFFC00, s21;
	[sflag:s15] =	ssyncset.done $0x0  }
0x1ed: {  	s20 =	sor.u32 s22, s20;
	[sflag:s15] =	ssyncadd.s32 $0xFFFF8000  }
0x1ee: {  	v3 =	vld [tilespmem:s20+$0x70]  }
0x1ef: {  	v6 =	vld [tilespmem:s20+$0x0]  }
0x1f0: {  	v7 =	vld [tilespmem:s20+$0x10]  }
0x1f1: {  	v8 =	vld [tilespmem:s20+$0x20]  }
0x1f2: {  	v4 =	vld [tilespmem:s20+$0x30]  }
0x1f3: {  	v2 =	vld [tilespmem:s20+$0x40]  }
0x1f4: {  	v1 =	vld [tilespmem:s20+$0x50]  }
0x1f5: {  	v0 =	vld [tilespmem:s20+$0x60]  }
0x1f6: {  	v5 =	vld.idx.msk [tilespmem:v3+s11+$0x0], $0xffff  }
0x1f7: {  	v3 =	vld.idx.msk [tilespmem:v6+s11+$0x0], $0xffff  }
0x1f8: {  	s25 =	simm.s32 $0x0;
	s22 =	sshll.u32 s19, $0x7;
	s20 =	sand.u32 $0x6000, s17;
	v6 =	vld.idx.msk [tilespmem:v7+s11+$0x0], $0xffff  }
0x1f9: {  	s19 =	sand.u32 $0x380, s25;
	s20 =	sor.u32 s22, s20;
	v7 =	vld.idx.msk [tilespmem:v8+s11+$0x0], $0xffff  }
.LBB2_20:
0x1fa: {  	s18 =	sadd.s32 $0x8, s18;
	s19 =	sor.u32 s19, s20;
	v4 =	vld.idx.msk [tilespmem:v4+s11+$0x0], $0xffff  }
0x1fb: {  	s20 =	sand.u32 $0x38, s18;
	s21 =	sshll.u32 s18, $0x4;
	s22 =	sadd.s32 $0x14400, s19;
	v2 =	vld.idx.msk [tilespmem:v2+s11+$0x0], $0xffff  }
0x1fc: {  	p1 =	slt.u32 s18, $0x7F8;
	s21 =	sand.u32 $0x3FFFFC00, s21;
	s25 =	sshll.u32 s20, $0x4;
	v1 =	vld.idx.msk [tilespmem:v1+s11+$0x0], $0xffff;
	[tilespmem:s22+$0x70] =	vst v5  }
0x1fd: {  	s21 =	sor.u32 s25, s21;
	[tilespmem:s19+$0x14400] =	vst v3;
	v0 =	vld.idx.msk [tilespmem:v0+s11+$0x0], $0xffff  }
0x1fe: {  	v3 =	vld [tilespmem:s21+$0x70];
	[tilespmem:s22+$0x10] =	vst v6  }
0x1ff: {  	v6 =	vld [tilespmem:s21+$0x0];
	[tilespmem:s22+$0x20] =	vst v7  }
0x200: {  	v7 =	vld [tilespmem:s21+$0x10];
	[tilespmem:s22+$0x30] =	vst v4  }
0x201: {  	v8 =	vld [tilespmem:s21+$0x20];
	[tilespmem:s22+$0x40] =	vst v2  }
0x202: {  	v4 =	vld [tilespmem:s21+$0x30];
	[tilespmem:s22+$0x50] =	vst v1  }
0x203: {  	v2 =	vld [tilespmem:s21+$0x40];
	[tilespmem:s22+$0x60] =	vst v0  }
0x204: {  	v1 =	vld [tilespmem:s21+$0x50]  }
.Ltmp11:
0x205: {  	v0 =	vld [tilespmem:s21+$0x60];
	(pc) =	sbr.rel @p1 .LBB2_20-.Ltmp11, $4  }
0x206: {  	v5 =	vld.idx.msk [tilespmem:v3+s11+$0x0], $0xffff  }
0x207: {  	s17 =	sadd.s32 $0x80, s17;
	v3 =	vld.idx.msk [tilespmem:v6+s11+$0x0], $0xffff  }
0x208: {  	s20 =	sshll.u32 s20, $0x7;
	s19 =	sshll.u32 s18, $0x1;
	s21 =	sand.u32 $0x6000, s17;
	v6 =	vld.idx.msk [tilespmem:v7+s11+$0x0], $0xffff  }
0x209: {  	s19 =	sand.u32 $0x380, s19;
	s20 =	sor.u32 s20, s21;
	v7 =	vld.idx.msk [tilespmem:v8+s11+$0x0], $0xffff  }
0x20a: {  	_ =	sdelay $0x2  }
0x20b: {  	s17 =	sor.u32 s19, s20  }
0x20c: {  	v4 =	vld.idx.msk [tilespmem:v4+s11+$0x0], $0xffff;
	s18 =	sadd.s32 $0x14400, s17  }
0x20d: {  	v2 =	vld.idx.msk [tilespmem:v2+s11+$0x0], $0xffff;
	[tilespmem:s18+$0x70] =	vst v5  }
0x20e: {  	v1 =	vld.idx.msk [tilespmem:v1+s11+$0x0], $0xffff;
	[tilespmem:s17+$0x14400] =	vst v3  }
0x20f: {  	v0 =	vld.idx.msk [tilespmem:v0+s11+$0x0], $0xffff;
	[tilespmem:s18+$0x10] =	vst v6  }
0x210: {  	[tilespmem:s18+$0x20] =	vst v7  }
0x211: {  	[tilespmem:s18+$0x30] =	vst v4  }
0x212: {  	[tilespmem:s18+$0x40] =	vst v2  }
0x213: {  	[tilespmem:s18+$0x50] =	vst v1  }
0x214: {  	s17 =	simm.s32 $0x0;
	[tilespmem:s18+$0x60] =	vst v0  }
0x215: {  	[hbm4b:s23+s17] =	stream.linear.scatter [tilespmem:s13], [sflag:$0x3], $0x8000, $0x38;
	[tilespmem:$0x1C400] =	vst v63  }
0x216: {  	_ =	swait.ge [sflag:s10], $0x2000  }
0x217: {  	[sflag:s10] =	ssyncset.done $0x0  }
0x218: {  	s18 =	simm.s32 $0x0;
	s21 =	rddreg [dreg:$0x12];
	[sflag:s10] =	ssyncadd.s32 $0xFFFFE000  }
0x219: {  	[tilespmem:s11], [sflag:$0x1] =	stream.linear.gather [hbm4b:s21+s17], $0x2000, $0x38;
	[tilespmem:$0x1C400] =	vst v63  }
0x21a: {  	s22 =	simm.s32 $0x0;
	s21 =	sand.u32 $0x38, s18;
	_ =	swait.ge [sflag:s14], $0x8000  }
0x21b: {  	s19 =	sand.u32 $0x3FFFFC00, s22;
	s25 =	sshll.u32 s21, $0x4;
	[sflag:s14] =	ssyncset.done $0x0  }
0x21c: {  	s19 =	sor.u32 s25, s19;
	[sflag:s14] =	ssyncadd.s32 $0xFFFF8000  }
0x21d: {  	v2 =	vld [tilespmem:s19+$0x70]  }
0x21e: {  	v4 =	vld [tilespmem:s19+$0x0]  }
0x21f: {  	v7 =	vld [tilespmem:s19+$0x10]  }
0x220: {  	v8 =	vld [tilespmem:s19+$0x20]  }
0x221: {  	v5 =	vld [tilespmem:s19+$0x30]  }
0x222: {  	v3 =	vld [tilespmem:s19+$0x40]  }
0x223: {  	v1 =	vld [tilespmem:s19+$0x50]  }
0x224: {  	v0 =	vld [tilespmem:s19+$0x60]  }
0x225: {  	v6 =	vld.idx.msk [tilespmem:v2+s9+$0x0], $0xffff  }
0x226: {  	v4 =	vld.idx.msk [tilespmem:v4+s9+$0x0], $0xffff  }
0x227: {  	v2 =	vld.idx.msk [tilespmem:v7+s9+$0x0], $0xffff  }
0x228: {  	s20 =	simm.s32 $0x0;
	s21 =	sshll.u32 s21, $0x7;
	s19 =	sand.u32 $0x6000, s17;
	v7 =	vld.idx.msk [tilespmem:v8+s9+$0x0], $0xffff  }
.LBB2_22:
0x229: {  	s18 =	sadd.s32 $0x8, s18;
	s20 =	sand.u32 $0x380, s20;
	s19 =	sor.u32 s21, s19;
	v5 =	vld.idx.msk [tilespmem:v5+s9+$0x0], $0xffff  }
0x22a: {  	s21 =	sand.u32 $0x38, s18;
	s22 =	sshll.u32 s18, $0x4;
	s19 =	sor.u32 s20, s19;
	v3 =	vld.idx.msk [tilespmem:v3+s9+$0x0], $0xffff  }
0x22b: {  	p1 =	slt.u32 s18, $0x7F8;
	s20 =	sand.u32 $0x3FFFFC00, s22;
	s22 =	sshll.u32 s21, $0x4;
	v1 =	vld.idx.msk [tilespmem:v1+s9+$0x0], $0xffff;
	[tilespmem:s19+$0xC470] =	vst v6  }
0x22c: {  	s20 =	sor.u32 s22, s20;
	[tilespmem:s19+$0xC400] =	vst v4;
	v0 =	vld.idx.msk [tilespmem:v0+s9+$0x0], $0xffff  }
0x22d: {  	v4 =	vld [tilespmem:s20+$0x70];
	[tilespmem:s19+$0xC410] =	vst v2  }
0x22e: {  	v2 =	vld [tilespmem:s20+$0x0];
	[tilespmem:s19+$0xC420] =	vst v7  }
0x22f: {  	v7 =	vld [tilespmem:s20+$0x10];
	[tilespmem:s19+$0xC430] =	vst v5  }
0x230: {  	v8 =	vld [tilespmem:s20+$0x20];
	[tilespmem:s19+$0xC440] =	vst v3  }
0x231: {  	v5 =	vld [tilespmem:s20+$0x30];
	[tilespmem:s19+$0xC450] =	vst v1  }
0x232: {  	v3 =	vld [tilespmem:s20+$0x40];
	[tilespmem:s19+$0xC460] =	vst v0  }
0x233: {  	v1 =	vld [tilespmem:s20+$0x50]  }
.Ltmp12:
0x234: {  	v0 =	vld [tilespmem:s20+$0x60];
	(pc) =	sbr.rel @p1 .LBB2_22-.Ltmp12, $4  }
0x235: {  	v6 =	vld.idx.msk [tilespmem:v4+s9+$0x0], $0xffff  }
0x236: {  	v4 =	vld.idx.msk [tilespmem:v2+s9+$0x0], $0xffff  }
0x237: {  	s17 =	sadd.s32 $0x80, s17;
	v2 =	vld.idx.msk [tilespmem:v7+s9+$0x0], $0xffff  }
0x238: {  	s21 =	sshll.u32 s21, $0x7;
	s19 =	sand.u32 $0x6000, s17;
	s20 =	sshll.u32 s18, $0x1;
	v7 =	vld.idx.msk [tilespmem:v8+s9+$0x0], $0xffff  }
0x239: {  	_ =	sdelay $0x2  }
0x23a: {  	s17 =	sand.u32 $0x380, s20;
	s18 =	sor.u32 s21, s19  }
0x23b: {  	v5 =	vld.idx.msk [tilespmem:v5+s9+$0x0], $0xffff;
	s17 =	sor.u32 s17, s18  }
0x23c: {  	v3 =	vld.idx.msk [tilespmem:v3+s9+$0x0], $0xffff;
	[tilespmem:s17+$0xC470] =	vst v6  }
0x23d: {  	v1 =	vld.idx.msk [tilespmem:v1+s9+$0x0], $0xffff;
	[tilespmem:s17+$0xC400] =	vst v4  }
0x23e: {  	v0 =	vld.idx.msk [tilespmem:v0+s9+$0x0], $0xffff;
	[tilespmem:s17+$0xC410] =	vst v2  }
0x23f: {  	[tilespmem:s17+$0xC420] =	vst v7  }
0x240: {  	[tilespmem:s17+$0xC430] =	vst v5  }
0x241: {  	[tilespmem:s17+$0xC440] =	vst v3  }
0x242: {  	[tilespmem:s17+$0xC450] =	vst v1  }
0x243: {  	[tilespmem:s17+$0xC460] =	vst v0;
	s17 =	simm.s32 $0x0  }
0x244: {  	[hbm4b:s24+s17] =	stream.linear.scatter [tilespmem:s12], [sflag:$0x2], $0x8000, $0x38;
	[tilespmem:$0x1C400] =	vst v63  }
0x245: {  	_ =	swait.ge [sflag:s10], $0x2000  }
0x246: {  	[sflag:s10] =	ssyncset.done $0x0  }
0x247: {  	s18 =	simm.s32 $0x0;
	s20 =	rddreg [dreg:$0x13];
	[sflag:s10] =	ssyncadd.s32 $0xFFFFE000  }
0x248: {  	[tilespmem:s9], [sflag:$0x1] =	stream.linear.gather [hbm4b:s20+s17], $0x2000, $0x38;
	[tilespmem:$0x1C400] =	vst v63  }
0x249: {  	s21 =	simm.s32 $0x0;
	s19 =	sand.u32 $0x38, s18;
	_ =	swait.ge [sflag:s15], $0x8000  }
0x24a: {  	s22 =	sshll.u32 s19, $0x4;
	s20 =	sand.u32 $0x3FFFFC00, s21;
	[sflag:s15] =	ssyncset.done $0x0  }
0x24b: {  	s20 =	sor.u32 s22, s20;
	[sflag:s15] =	ssyncadd.s32 $0xFFFF8000  }
0x24c: {  	v3 =	vld [tilespmem:s20+$0x70]  }
0x24d: {  	v6 =	vld [tilespmem:s20+$0x0]  }
0x24e: {  	v7 =	vld [tilespmem:s20+$0x10]  }
0x24f: {  	v8 =	vld [tilespmem:s20+$0x20]  }
0x250: {  	v4 =	vld [tilespmem:s20+$0x30]  }
0x251: {  	v2 =	vld [tilespmem:s20+$0x40]  }
0x252: {  	v1 =	vld [tilespmem:s20+$0x50]  }
0x253: {  	v0 =	vld [tilespmem:s20+$0x60]  }
0x254: {  	v5 =	vld.idx.msk [tilespmem:v3+s11+$0x0], $0xffff  }
0x255: {  	v3 =	vld.idx.msk [tilespmem:v6+s11+$0x0], $0xffff  }
0x256: {  	s25 =	simm.s32 $0x0;
	s22 =	sshll.u32 s19, $0x7;
	s20 =	sand.u32 $0x6000, s17;
	v6 =	vld.idx.msk [tilespmem:v7+s11+$0x0], $0xffff  }
0x257: {  	s19 =	sand.u32 $0x380, s25;
	s20 =	sor.u32 s22, s20;
	v7 =	vld.idx.msk [tilespmem:v8+s11+$0x0], $0xffff  }
.LBB2_24:
0x258: {  	s18 =	sadd.s32 $0x8, s18;
	s19 =	sor.u32 s19, s20;
	v4 =	vld.idx.msk [tilespmem:v4+s11+$0x0], $0xffff  }
0x259: {  	s20 =	sand.u32 $0x38, s18;
	s21 =	sshll.u32 s18, $0x4;
	s22 =	sadd.s32 $0x14400, s19;
	v2 =	vld.idx.msk [tilespmem:v2+s11+$0x0], $0xffff  }
0x25a: {  	p1 =	slt.u32 s18, $0x7F8;
	s21 =	sand.u32 $0x3FFFFC00, s21;
	s25 =	sshll.u32 s20, $0x4;
	v1 =	vld.idx.msk [tilespmem:v1+s11+$0x0], $0xffff;
	[tilespmem:s22+$0x70] =	vst v5  }
0x25b: {  	s21 =	sor.u32 s25, s21;
	[tilespmem:s19+$0x14400] =	vst v3;
	v0 =	vld.idx.msk [tilespmem:v0+s11+$0x0], $0xffff  }
0x25c: {  	v3 =	vld [tilespmem:s21+$0x70];
	[tilespmem:s22+$0x10] =	vst v6  }
0x25d: {  	v6 =	vld [tilespmem:s21+$0x0];
	[tilespmem:s22+$0x20] =	vst v7  }
0x25e: {  	v7 =	vld [tilespmem:s21+$0x10];
	[tilespmem:s22+$0x30] =	vst v4  }
0x25f: {  	v8 =	vld [tilespmem:s21+$0x20];
	[tilespmem:s22+$0x40] =	vst v2  }
0x260: {  	v4 =	vld [tilespmem:s21+$0x30];
	[tilespmem:s22+$0x50] =	vst v1  }
0x261: {  	v2 =	vld [tilespmem:s21+$0x40];
	[tilespmem:s22+$0x60] =	vst v0  }
0x262: {  	v1 =	vld [tilespmem:s21+$0x50]  }
.Ltmp13:
0x263: {  	v0 =	vld [tilespmem:s21+$0x60];
	(pc) =	sbr.rel @p1 .LBB2_24-.Ltmp13, $4  }
0x264: {  	v5 =	vld.idx.msk [tilespmem:v3+s11+$0x0], $0xffff  }
0x265: {  	s17 =	sadd.s32 $0x80, s17;
	v3 =	vld.idx.msk [tilespmem:v6+s11+$0x0], $0xffff  }
0x266: {  	s20 =	sshll.u32 s20, $0x7;
	s19 =	sshll.u32 s18, $0x1;
	s21 =	sand.u32 $0x6000, s17;
	v6 =	vld.idx.msk [tilespmem:v7+s11+$0x0], $0xffff  }
0x267: {  	s19 =	sand.u32 $0x380, s19;
	s20 =	sor.u32 s20, s21;
	v7 =	vld.idx.msk [tilespmem:v8+s11+$0x0], $0xffff  }
0x268: {  	_ =	sdelay $0x2  }
0x269: {  	s17 =	sor.u32 s19, s20  }
0x26a: {  	v4 =	vld.idx.msk [tilespmem:v4+s11+$0x0], $0xffff;
	s18 =	sadd.s32 $0x14400, s17  }
0x26b: {  	v2 =	vld.idx.msk [tilespmem:v2+s11+$0x0], $0xffff;
	[tilespmem:s18+$0x70] =	vst v5  }
0x26c: {  	v1 =	vld.idx.msk [tilespmem:v1+s11+$0x0], $0xffff;
	[tilespmem:s17+$0x14400] =	vst v3  }
0x26d: {  	v0 =	vld.idx.msk [tilespmem:v0+s11+$0x0], $0xffff;
	[tilespmem:s18+$0x10] =	vst v6  }
0x26e: {  	[tilespmem:s18+$0x20] =	vst v7  }
0x26f: {  	[tilespmem:s18+$0x30] =	vst v4  }
0x270: {  	[tilespmem:s18+$0x40] =	vst v2  }
0x271: {  	[tilespmem:s18+$0x50] =	vst v1  }
0x272: {  	s17 =	simm.s32 $0x0;
	[tilespmem:s18+$0x60] =	vst v0  }
0x273: {  	[hbm4b:s3+s17] =	stream.linear.scatter [tilespmem:s13], [sflag:$0x3], $0x8000, $0x38;
	[tilespmem:$0x1C400] =	vst v63  }
0x274: {  	_ =	swait.ge [sflag:s10], $0x2000  }
0x275: {  	[sflag:s10] =	ssyncset.done $0x0  }
0x276: {  	s18 =	simm.s32 $0x0;
	s21 =	rddreg [dreg:$0x14];
	[sflag:s10] =	ssyncadd.s32 $0xFFFFE000  }
0x277: {  	[tilespmem:s11], [sflag:$0x1] =	stream.linear.gather [hbm4b:s21+s17], $0x2000, $0x38;
	[tilespmem:$0x1C400] =	vst v63  }
0x278: {  	s22 =	simm.s32 $0x0;
	s21 =	sand.u32 $0x38, s18;
	_ =	swait.ge [sflag:s14], $0x8000  }
0x279: {  	s19 =	sand.u32 $0x3FFFFC00, s22;
	s25 =	sshll.u32 s21, $0x4;
	[sflag:s14] =	ssyncset.done $0x0  }
0x27a: {  	s19 =	sor.u32 s25, s19;
	[sflag:s14] =	ssyncadd.s32 $0xFFFF8000  }
0x27b: {  	v2 =	vld [tilespmem:s19+$0x70]  }
0x27c: {  	v4 =	vld [tilespmem:s19+$0x0]  }
0x27d: {  	v7 =	vld [tilespmem:s19+$0x10]  }
0x27e: {  	v8 =	vld [tilespmem:s19+$0x20]  }
0x27f: {  	v5 =	vld [tilespmem:s19+$0x30]  }
0x280: {  	v3 =	vld [tilespmem:s19+$0x40]  }
0x281: {  	v1 =	vld [tilespmem:s19+$0x50]  }
0x282: {  	v0 =	vld [tilespmem:s19+$0x60]  }
0x283: {  	v6 =	vld.idx.msk [tilespmem:v2+s9+$0x0], $0xffff  }
0x284: {  	v4 =	vld.idx.msk [tilespmem:v4+s9+$0x0], $0xffff  }
0x285: {  	v2 =	vld.idx.msk [tilespmem:v7+s9+$0x0], $0xffff  }
0x286: {  	s20 =	simm.s32 $0x0;
	s21 =	sshll.u32 s21, $0x7;
	s19 =	sand.u32 $0x6000, s17;
	v7 =	vld.idx.msk [tilespmem:v8+s9+$0x0], $0xffff  }
.LBB2_26:
0x287: {  	s18 =	sadd.s32 $0x8, s18;
	s20 =	sand.u32 $0x380, s20;
	s19 =	sor.u32 s21, s19;
	v5 =	vld.idx.msk [tilespmem:v5+s9+$0x0], $0xffff  }
0x288: {  	s21 =	sand.u32 $0x38, s18;
	s22 =	sshll.u32 s18, $0x4;
	s19 =	sor.u32 s20, s19;
	v3 =	vld.idx.msk [tilespmem:v3+s9+$0x0], $0xffff  }
0x289: {  	p1 =	slt.u32 s18, $0x7F8;
	s20 =	sand.u32 $0x3FFFFC00, s22;
	s22 =	sshll.u32 s21, $0x4;
	v1 =	vld.idx.msk [tilespmem:v1+s9+$0x0], $0xffff;
	[tilespmem:s19+$0xC470] =	vst v6  }
0x28a: {  	s20 =	sor.u32 s22, s20;
	[tilespmem:s19+$0xC400] =	vst v4;
	v0 =	vld.idx.msk [tilespmem:v0+s9+$0x0], $0xffff  }
0x28b: {  	v4 =	vld [tilespmem:s20+$0x70];
	[tilespmem:s19+$0xC410] =	vst v2  }
0x28c: {  	v2 =	vld [tilespmem:s20+$0x0];
	[tilespmem:s19+$0xC420] =	vst v7  }
0x28d: {  	v7 =	vld [tilespmem:s20+$0x10];
	[tilespmem:s19+$0xC430] =	vst v5  }
0x28e: {  	v8 =	vld [tilespmem:s20+$0x20];
	[tilespmem:s19+$0xC440] =	vst v3  }
0x28f: {  	v5 =	vld [tilespmem:s20+$0x30];
	[tilespmem:s19+$0xC450] =	vst v1  }
0x290: {  	v3 =	vld [tilespmem:s20+$0x40];
	[tilespmem:s19+$0xC460] =	vst v0  }
0x291: {  	v1 =	vld [tilespmem:s20+$0x50]  }
.Ltmp14:
0x292: {  	v0 =	vld [tilespmem:s20+$0x60];
	(pc) =	sbr.rel @p1 .LBB2_26-.Ltmp14, $4  }
0x293: {  	v6 =	vld.idx.msk [tilespmem:v4+s9+$0x0], $0xffff  }
0x294: {  	v4 =	vld.idx.msk [tilespmem:v2+s9+$0x0], $0xffff  }
0x295: {  	s17 =	sadd.s32 $0x80, s17;
	v2 =	vld.idx.msk [tilespmem:v7+s9+$0x0], $0xffff  }
0x296: {  	s21 =	sshll.u32 s21, $0x7;
	s19 =	sand.u32 $0x6000, s17;
	s20 =	sshll.u32 s18, $0x1;
	v7 =	vld.idx.msk [tilespmem:v8+s9+$0x0], $0xffff  }
0x297: {  	_ =	sdelay $0x2  }
0x298: {  	s17 =	sand.u32 $0x380, s20;
	s18 =	sor.u32 s21, s19  }
0x299: {  	v5 =	vld.idx.msk [tilespmem:v5+s9+$0x0], $0xffff;
	s17 =	sor.u32 s17, s18  }
0x29a: {  	v3 =	vld.idx.msk [tilespmem:v3+s9+$0x0], $0xffff;
	[tilespmem:s17+$0xC470] =	vst v6  }
0x29b: {  	v1 =	vld.idx.msk [tilespmem:v1+s9+$0x0], $0xffff;
	[tilespmem:s17+$0xC400] =	vst v4  }
0x29c: {  	v0 =	vld.idx.msk [tilespmem:v0+s9+$0x0], $0xffff;
	[tilespmem:s17+$0xC410] =	vst v2  }
0x29d: {  	[tilespmem:s17+$0xC420] =	vst v7  }
0x29e: {  	[tilespmem:s17+$0xC430] =	vst v5  }
0x29f: {  	[tilespmem:s17+$0xC440] =	vst v3  }
0x2a0: {  	[tilespmem:s17+$0xC450] =	vst v1  }
0x2a1: {  	[tilespmem:s17+$0xC460] =	vst v0;
	s17 =	simm.s32 $0x0  }
0x2a2: {  	[hbm4b:s4+s17] =	stream.linear.scatter [tilespmem:s12], [sflag:$0x2], $0x8000, $0x38;
	[tilespmem:$0x1C400] =	vst v63  }
0x2a3: {  	_ =	swait.ge [sflag:s10], $0x2000  }
0x2a4: {  	[sflag:s10] =	ssyncset.done $0x0  }
0x2a5: {  	s18 =	simm.s32 $0x0;
	s20 =	rddreg [dreg:$0x15];
	[sflag:s10] =	ssyncadd.s32 $0xFFFFE000  }
0x2a6: {  	[tilespmem:s9], [sflag:$0x1] =	stream.linear.gather [hbm4b:s20+s17], $0x2000, $0x38;
	[tilespmem:$0x1C400] =	vst v63  }
0x2a7: {  	s21 =	simm.s32 $0x0;
	s19 =	sand.u32 $0x38, s18;
	_ =	swait.ge [sflag:s15], $0x8000  }
0x2a8: {  	s22 =	sshll.u32 s19, $0x4;
	s20 =	sand.u32 $0x3FFFFC00, s21;
	[sflag:s15] =	ssyncset.done $0x0  }
0x2a9: {  	s20 =	sor.u32 s22, s20;
	[sflag:s15] =	ssyncadd.s32 $0xFFFF8000  }
0x2aa: {  	v3 =	vld [tilespmem:s20+$0x70]  }
0x2ab: {  	v6 =	vld [tilespmem:s20+$0x0]  }
0x2ac: {  	v7 =	vld [tilespmem:s20+$0x10]  }
0x2ad: {  	v8 =	vld [tilespmem:s20+$0x20]  }
0x2ae: {  	v4 =	vld [tilespmem:s20+$0x30]  }
0x2af: {  	v2 =	vld [tilespmem:s20+$0x40]  }
0x2b0: {  	v1 =	vld [tilespmem:s20+$0x50]  }
0x2b1: {  	v0 =	vld [tilespmem:s20+$0x60]  }
0x2b2: {  	v5 =	vld.idx.msk [tilespmem:v3+s11+$0x0], $0xffff  }
0x2b3: {  	v3 =	vld.idx.msk [tilespmem:v6+s11+$0x0], $0xffff  }
0x2b4: {  	s25 =	simm.s32 $0x0;
	s22 =	sshll.u32 s19, $0x7;
	s20 =	sand.u32 $0x6000, s17;
	v6 =	vld.idx.msk [tilespmem:v7+s11+$0x0], $0xffff  }
0x2b5: {  	s19 =	sand.u32 $0x380, s25;
	s20 =	sor.u32 s22, s20;
	v7 =	vld.idx.msk [tilespmem:v8+s11+$0x0], $0xffff  }
.LBB2_28:
0x2b6: {  	s18 =	sadd.s32 $0x8, s18;
	s19 =	sor.u32 s19, s20;
	v4 =	vld.idx.msk [tilespmem:v4+s11+$0x0], $0xffff  }
0x2b7: {  	s20 =	sand.u32 $0x38, s18;
	s21 =	sshll.u32 s18, $0x4;
	s22 =	sadd.s32 $0x14400, s19;
	v2 =	vld.idx.msk [tilespmem:v2+s11+$0x0], $0xffff  }
0x2b8: {  	p1 =	slt.u32 s18, $0x7F8;
	s21 =	sand.u32 $0x3FFFFC00, s21;
	s25 =	sshll.u32 s20, $0x4;
	v1 =	vld.idx.msk [tilespmem:v1+s11+$0x0], $0xffff;
	[tilespmem:s22+$0x70] =	vst v5  }
0x2b9: {  	s21 =	sor.u32 s25, s21;
	[tilespmem:s19+$0x14400] =	vst v3;
	v0 =	vld.idx.msk [tilespmem:v0+s11+$0x0], $0xffff  }
0x2ba: {  	v3 =	vld [tilespmem:s21+$0x70];
	[tilespmem:s22+$0x10] =	vst v6  }
0x2bb: {  	v6 =	vld [tilespmem:s21+$0x0];
	[tilespmem:s22+$0x20] =	vst v7  }
0x2bc: {  	v7 =	vld [tilespmem:s21+$0x10];
	[tilespmem:s22+$0x30] =	vst v4  }
0x2bd: {  	v8 =	vld [tilespmem:s21+$0x20];
	[tilespmem:s22+$0x40] =	vst v2  }
0x2be: {  	v4 =	vld [tilespmem:s21+$0x30];
	[tilespmem:s22+$0x50] =	vst v1  }
0x2bf: {  	v2 =	vld [tilespmem:s21+$0x40];
	[tilespmem:s22+$0x60] =	vst v0  }
0x2c0: {  	v1 =	vld [tilespmem:s21+$0x50]  }
.Ltmp15:
0x2c1: {  	v0 =	vld [tilespmem:s21+$0x60];
	(pc) =	sbr.rel @p1 .LBB2_28-.Ltmp15, $4  }
0x2c2: {  	v5 =	vld.idx.msk [tilespmem:v3+s11+$0x0], $0xffff  }
0x2c3: {  	s17 =	sadd.s32 $0x80, s17;
	v3 =	vld.idx.msk [tilespmem:v6+s11+$0x0], $0xffff  }
0x2c4: {  	s20 =	sshll.u32 s20, $0x7;
	s19 =	sshll.u32 s18, $0x1;
	s21 =	sand.u32 $0x6000, s17;
	v6 =	vld.idx.msk [tilespmem:v7+s11+$0x0], $0xffff  }
0x2c5: {  	s19 =	sand.u32 $0x380, s19;
	s20 =	sor.u32 s20, s21;
	v7 =	vld.idx.msk [tilespmem:v8+s11+$0x0], $0xffff  }
0x2c6: {  	_ =	sdelay $0x2  }
0x2c7: {  	s17 =	sor.u32 s19, s20  }
0x2c8: {  	v4 =	vld.idx.msk [tilespmem:v4+s11+$0x0], $0xffff;
	s18 =	sadd.s32 $0x14400, s17  }
0x2c9: {  	v2 =	vld.idx.msk [tilespmem:v2+s11+$0x0], $0xffff;
	[tilespmem:s18+$0x70] =	vst v5  }
0x2ca: {  	v1 =	vld.idx.msk [tilespmem:v1+s11+$0x0], $0xffff;
	[tilespmem:s17+$0x14400] =	vst v3  }
0x2cb: {  	v0 =	vld.idx.msk [tilespmem:v0+s11+$0x0], $0xffff;
	[tilespmem:s18+$0x10] =	vst v6  }
0x2cc: {  	[tilespmem:s18+$0x20] =	vst v7  }
0x2cd: {  	[tilespmem:s18+$0x30] =	vst v4  }
0x2ce: {  	[tilespmem:s18+$0x40] =	vst v2  }
0x2cf: {  	[tilespmem:s18+$0x50] =	vst v1  }
0x2d0: {  	s17 =	simm.s32 $0x0;
	[tilespmem:s18+$0x60] =	vst v0  }
0x2d1: {  	[hbm4b:s5+s17] =	stream.linear.scatter [tilespmem:s13], [sflag:$0x3], $0x8000, $0x38;
	[tilespmem:$0x1C400] =	vst v63  }
0x2d2: {  	_ =	swait.ge [sflag:s10], $0x2000  }
0x2d3: {  	[sflag:s10] =	ssyncset.done $0x0  }
0x2d4: {  	s18 =	simm.s32 $0x0;
	s21 =	rddreg [dreg:$0x16];
	[sflag:s10] =	ssyncadd.s32 $0xFFFFE000  }
0x2d5: {  	[tilespmem:s11], [sflag:$0x1] =	stream.linear.gather [hbm4b:s21+s17], $0x2000, $0x38;
	[tilespmem:$0x1C400] =	vst v63  }
0x2d6: {  	s22 =	simm.s32 $0x0;
	s21 =	sand.u32 $0x38, s18;
	_ =	swait.ge [sflag:s14], $0x8000  }
0x2d7: {  	s19 =	sand.u32 $0x3FFFFC00, s22;
	s25 =	sshll.u32 s21, $0x4;
	[sflag:s14] =	ssyncset.done $0x0  }
0x2d8: {  	s19 =	sor.u32 s25, s19;
	[sflag:s14] =	ssyncadd.s32 $0xFFFF8000  }
0x2d9: {  	v2 =	vld [tilespmem:s19+$0x70]  }
0x2da: {  	v4 =	vld [tilespmem:s19+$0x0]  }
0x2db: {  	v7 =	vld [tilespmem:s19+$0x10]  }
0x2dc: {  	v8 =	vld [tilespmem:s19+$0x20]  }
0x2dd: {  	v5 =	vld [tilespmem:s19+$0x30]  }
0x2de: {  	v3 =	vld [tilespmem:s19+$0x40]  }
0x2df: {  	v1 =	vld [tilespmem:s19+$0x50]  }
0x2e0: {  	v0 =	vld [tilespmem:s19+$0x60]  }
0x2e1: {  	v6 =	vld.idx.msk [tilespmem:v2+s9+$0x0], $0xffff  }
0x2e2: {  	v4 =	vld.idx.msk [tilespmem:v4+s9+$0x0], $0xffff  }
0x2e3: {  	v2 =	vld.idx.msk [tilespmem:v7+s9+$0x0], $0xffff  }
0x2e4: {  	s20 =	simm.s32 $0x0;
	s21 =	sshll.u32 s21, $0x7;
	s19 =	sand.u32 $0x6000, s17;
	v7 =	vld.idx.msk [tilespmem:v8+s9+$0x0], $0xffff  }
.LBB2_30:
0x2e5: {  	s18 =	sadd.s32 $0x8, s18;
	s20 =	sand.u32 $0x380, s20;
	s19 =	sor.u32 s21, s19;
	v5 =	vld.idx.msk [tilespmem:v5+s9+$0x0], $0xffff  }
0x2e6: {  	s21 =	sand.u32 $0x38, s18;
	s22 =	sshll.u32 s18, $0x4;
	s19 =	sor.u32 s20, s19;
	v3 =	vld.idx.msk [tilespmem:v3+s9+$0x0], $0xffff  }
0x2e7: {  	p1 =	slt.u32 s18, $0x7F8;
	s20 =	sand.u32 $0x3FFFFC00, s22;
	s22 =	sshll.u32 s21, $0x4;
	v1 =	vld.idx.msk [tilespmem:v1+s9+$0x0], $0xffff;
	[tilespmem:s19+$0xC470] =	vst v6  }
0x2e8: {  	s20 =	sor.u32 s22, s20;
	[tilespmem:s19+$0xC400] =	vst v4;
	v0 =	vld.idx.msk [tilespmem:v0+s9+$0x0], $0xffff  }
0x2e9: {  	v4 =	vld [tilespmem:s20+$0x70];
	[tilespmem:s19+$0xC410] =	vst v2  }
0x2ea: {  	v2 =	vld [tilespmem:s20+$0x0];
	[tilespmem:s19+$0xC420] =	vst v7  }
0x2eb: {  	v7 =	vld [tilespmem:s20+$0x10];
	[tilespmem:s19+$0xC430] =	vst v5  }
0x2ec: {  	v8 =	vld [tilespmem:s20+$0x20];
	[tilespmem:s19+$0xC440] =	vst v3  }
0x2ed: {  	v5 =	vld [tilespmem:s20+$0x30];
	[tilespmem:s19+$0xC450] =	vst v1  }
0x2ee: {  	v3 =	vld [tilespmem:s20+$0x40];
	[tilespmem:s19+$0xC460] =	vst v0  }
0x2ef: {  	v1 =	vld [tilespmem:s20+$0x50]  }
.Ltmp16:
0x2f0: {  	v0 =	vld [tilespmem:s20+$0x60];
	(pc) =	sbr.rel @p1 .LBB2_30-.Ltmp16, $4  }
0x2f1: {  	v6 =	vld.idx.msk [tilespmem:v4+s9+$0x0], $0xffff  }
0x2f2: {  	v4 =	vld.idx.msk [tilespmem:v2+s9+$0x0], $0xffff  }
0x2f3: {  	s17 =	sadd.s32 $0x80, s17;
	v2 =	vld.idx.msk [tilespmem:v7+s9+$0x0], $0xffff  }
0x2f4: {  	s21 =	sshll.u32 s21, $0x7;
	s19 =	sand.u32 $0x6000, s17;
	s20 =	sshll.u32 s18, $0x1;
	v7 =	vld.idx.msk [tilespmem:v8+s9+$0x0], $0xffff  }
0x2f5: {  	_ =	sdelay $0x2  }
0x2f6: {  	s17 =	sand.u32 $0x380, s20;
	s18 =	sor.u32 s21, s19  }
0x2f7: {  	v5 =	vld.idx.msk [tilespmem:v5+s9+$0x0], $0xffff;
	s17 =	sor.u32 s17, s18  }
0x2f8: {  	v3 =	vld.idx.msk [tilespmem:v3+s9+$0x0], $0xffff;
	[tilespmem:s17+$0xC470] =	vst v6  }
0x2f9: {  	v1 =	vld.idx.msk [tilespmem:v1+s9+$0x0], $0xffff;
	[tilespmem:s17+$0xC400] =	vst v4  }
0x2fa: {  	v0 =	vld.idx.msk [tilespmem:v0+s9+$0x0], $0xffff;
	[tilespmem:s17+$0xC410] =	vst v2  }
0x2fb: {  	[tilespmem:s17+$0xC420] =	vst v7  }
0x2fc: {  	[tilespmem:s17+$0xC430] =	vst v5  }
0x2fd: {  	[tilespmem:s17+$0xC440] =	vst v3  }
0x2fe: {  	[tilespmem:s17+$0xC450] =	vst v1  }
0x2ff: {  	[tilespmem:s17+$0xC460] =	vst v0;
	s17 =	simm.s32 $0x0  }
0x300: {  	[hbm4b:s6+s17] =	stream.linear.scatter [tilespmem:s12], [sflag:$0x2], $0x8000, $0x38;
	[tilespmem:$0x1C400] =	vst v63  }
0x301: {  	_ =	swait.ge [sflag:s10], $0x2000  }
0x302: {  	[sflag:s10] =	ssyncset.done $0x0  }
0x303: {  	s18 =	simm.s32 $0x0;
	[sflag:s10] =	ssyncadd.s32 $0xFFFFE000  }
0x304: {  	s21 =	simm.s32 $0x0;
	s19 =	sand.u32 $0x38, s18;
	_ =	swait.ge [sflag:s15], $0x8000  }
0x305: {  	s20 =	sand.u32 $0x3FFFFC00, s21;
	s22 =	sshll.u32 s19, $0x4;
	[sflag:s15] =	ssyncset.done $0x0  }
0x306: {  	s20 =	sor.u32 s22, s20;
	[sflag:s15] =	ssyncadd.s32 $0xFFFF8000  }
0x307: {  	v3 =	vld [tilespmem:s20+$0x70]  }
0x308: {  	v6 =	vld [tilespmem:s20+$0x0]  }
0x309: {  	v7 =	vld [tilespmem:s20+$0x10]  }
0x30a: {  	v8 =	vld [tilespmem:s20+$0x20]  }
0x30b: {  	v4 =	vld [tilespmem:s20+$0x30]  }
0x30c: {  	v2 =	vld [tilespmem:s20+$0x40]  }
0x30d: {  	v1 =	vld [tilespmem:s20+$0x50]  }
0x30e: {  	v0 =	vld [tilespmem:s20+$0x60]  }
0x30f: {  	v5 =	vld.idx.msk [tilespmem:v3+s11+$0x0], $0xffff  }
0x310: {  	v3 =	vld.idx.msk [tilespmem:v6+s11+$0x0], $0xffff  }
0x311: {  	s25 =	simm.s32 $0x0;
	s22 =	sshll.u32 s19, $0x7;
	s20 =	sand.u32 $0x6000, s17;
	v6 =	vld.idx.msk [tilespmem:v7+s11+$0x0], $0xffff  }
0x312: {  	s19 =	sand.u32 $0x380, s25;
	s20 =	sor.u32 s22, s20;
	v7 =	vld.idx.msk [tilespmem:v8+s11+$0x0], $0xffff  }
.LBB2_32:
0x313: {  	s18 =	sadd.s32 $0x8, s18;
	s19 =	sor.u32 s19, s20;
	v4 =	vld.idx.msk [tilespmem:v4+s11+$0x0], $0xffff  }
0x314: {  	s20 =	sand.u32 $0x38, s18;
	s21 =	sshll.u32 s18, $0x4;
	s22 =	sadd.s32 $0x14400, s19;
	v2 =	vld.idx.msk [tilespmem:v2+s11+$0x0], $0xffff  }
0x315: {  	p1 =	slt.u32 s18, $0x7F8;
	s21 =	sand.u32 $0x3FFFFC00, s21;
	s25 =	sshll.u32 s20, $0x4;
	v1 =	vld.idx.msk [tilespmem:v1+s11+$0x0], $0xffff;
	[tilespmem:s22+$0x70] =	vst v5  }
0x316: {  	s21 =	sor.u32 s25, s21;
	[tilespmem:s19+$0x14400] =	vst v3;
	v0 =	vld.idx.msk [tilespmem:v0+s11+$0x0], $0xffff  }
0x317: {  	v3 =	vld [tilespmem:s21+$0x70];
	[tilespmem:s22+$0x10] =	vst v6  }
0x318: {  	v6 =	vld [tilespmem:s21+$0x0];
	[tilespmem:s22+$0x20] =	vst v7  }
0x319: {  	v7 =	vld [tilespmem:s21+$0x10];
	[tilespmem:s22+$0x30] =	vst v4  }
0x31a: {  	v8 =	vld [tilespmem:s21+$0x20];
	[tilespmem:s22+$0x40] =	vst v2  }
0x31b: {  	v4 =	vld [tilespmem:s21+$0x30];
	[tilespmem:s22+$0x50] =	vst v1  }
0x31c: {  	v2 =	vld [tilespmem:s21+$0x40];
	[tilespmem:s22+$0x60] =	vst v0  }
0x31d: {  	v1 =	vld [tilespmem:s21+$0x50]  }
.Ltmp17:
0x31e: {  	v0 =	vld [tilespmem:s21+$0x60];
	(pc) =	sbr.rel @p1 .LBB2_32-.Ltmp17, $4  }
0x31f: {  	v5 =	vld.idx.msk [tilespmem:v3+s11+$0x0], $0xffff  }
0x320: {  	s17 =	sadd.s32 $0x80, s17;
	v3 =	vld.idx.msk [tilespmem:v6+s11+$0x0], $0xffff  }
0x321: {  	s20 =	sshll.u32 s20, $0x7;
	s19 =	sshll.u32 s18, $0x1;
	s21 =	sand.u32 $0x6000, s17;
	v6 =	vld.idx.msk [tilespmem:v7+s11+$0x0], $0xffff  }
0x322: {  	s19 =	sand.u32 $0x380, s19;
	s20 =	sor.u32 s20, s21;
	v7 =	vld.idx.msk [tilespmem:v8+s11+$0x0], $0xffff  }
0x323: {  	_ =	sdelay $0x2  }
0x324: {  	s17 =	sor.u32 s19, s20  }
0x325: {  	v4 =	vld.idx.msk [tilespmem:v4+s11+$0x0], $0xffff;
	s18 =	sadd.s32 $0x14400, s17  }
0x326: {  	v2 =	vld.idx.msk [tilespmem:v2+s11+$0x0], $0xffff;
	[tilespmem:s18+$0x70] =	vst v5  }
0x327: {  	v1 =	vld.idx.msk [tilespmem:v1+s11+$0x0], $0xffff;
	[tilespmem:s17+$0x14400] =	vst v3  }
0x328: {  	v0 =	vld.idx.msk [tilespmem:v0+s11+$0x0], $0xffff;
	[tilespmem:s18+$0x10] =	vst v6  }
0x329: {  	[tilespmem:s18+$0x20] =	vst v7  }
0x32a: {  	[tilespmem:s18+$0x30] =	vst v4  }
0x32b: {  	[tilespmem:s18+$0x40] =	vst v2  }
0x32c: {  	[tilespmem:s18+$0x50] =	vst v1  }
0x32d: {  	[tilespmem:s18+$0x60] =	vst v0  }
0x32e: {  	[hbm4b:s7+s2] =	stream.linear.scatter [tilespmem:s13], [sflag:$0x3], $0x8000, $0x38;
	[tilespmem:$0x1C400] =	vst v63  }
0x32f: {  	_ =	swait.ge [sflag:s14], $0x8000  }
.Ltmp18:
0x330: {  	[sflag:s14] =	ssyncset.done $0x0;
	(pc) =	sbr.rel @p0 .LBB2_37-.Ltmp18, $4  }
0x331: {  	[sflag:s14] =	ssyncadd.s32 $0xFFFF8000  }
0x332: {  	_ =	swait.ge [sflag:s15], $0x8000  }
0x333: {  	[sflag:s15] =	ssyncset.done $0x0  }
0x334: {  	[sflag:s15] =	ssyncadd.s32 $0xFFFF8000  }
0x335: {  	s17 =	simm.s32 $0x0;
	s18 =	rddreg [dreg:$0x17]  }
0x336: {  	[tilespmem:s9], [sflag:$0x4] =	stream.linear.gather [hbm4b:s18+s17], $0x2000, $0x38;
	[tilespmem:$0x1C400] =	vst v63  }
0x337: {  	_ =	swait.ge [sflag:s8], $0x2000  }
0x338: {  	[sflag:s8] =	ssyncset.done $0x0  }
0x339: {  	s19 =	simm.s32 $0xC000;
	s22 =	rddreg [dreg:$0x18];
	[sflag:s8] =	ssyncadd.s32 $0xFFFFE000  }
0x33a: {  	[tilespmem:s19], [sflag:$0x4] =	stream.linear.gather [hbm4b:s22+s17], $0x400, $0x38;
	[tilespmem:$0x1C400] =	vst v63  }
0x33b: {  	s18 =	simm.s32 $0x0;
	_ =	swait.ge [sflag:s8], $0x400  }
0x33c: {  	s21 =	simm.s32 $0x0;
	s20 =	sand.u32 $0x38, s18;
	[sflag:s8] =	ssyncset.done $0x0  }
0x33d: {  	s21 =	sand.u32 $0x3FFFFC00, s21;
	s19 =	sshll.u32 s20, $0x4;
	[sflag:s8] =	ssyncadd.s32 $0xFFFFFC00  }
0x33e: {  	s21 =	sor.u32 s19, s21;
	v6 =	vld [tilespmem:s19+$0xC000]  }
0x33f: {  	v0 =	vld [tilespmem:s21+$0x70]  }
0x340: {  	v1 =	vld [tilespmem:s21+$0x0]  }
0x341: {  	v2 =	vld [tilespmem:s21+$0x10]  }
0x342: {  	v3 =	vld [tilespmem:s21+$0x20]  }
0x343: {  	v4 =	vld [tilespmem:s21+$0x30]  }
0x344: {  	v7 =	vld [tilespmem:s21+$0x40]  }
0x345: {  	v8 =	vld [tilespmem:s21+$0x50]  }
0x346: {  	v9 =	vld [tilespmem:s21+$0x60]  }
0x347: {  	v11 =	vld [tilespmem:s19+$0xC070]  }
0x348: {  	v10 =	vld.idx.msk [tilespmem:v0+s9+$0x0], $0xffff  }
0x349: {  	v12 =	vld.idx.msk [tilespmem:v1+s9+$0x0], $0xffff  }
0x34a: {  	v5 =	vld.idx.msk [tilespmem:v2+s9+$0x0], $0xffff  }
0x34b: {  	v0 =	vld.idx.msk [tilespmem:v3+s9+$0x0], $0xffff  }
0x34c: {  	v2 =	vld.idx.msk [tilespmem:v4+s9+$0x0], $0xffff  }
0x34d: {  	v1 =	vld.idx.msk [tilespmem:v7+s9+$0x0], $0xffff  }
0x34e: {  	s25 =	sand.u32 $0x6000, s17;
	s22 =	simm.s32 $0x0;
	s20 =	sshll.u32 s20, $0x7;
	v3 =	vld.idx.msk [tilespmem:v8+s9+$0x0], $0xffff  }
0x34f: {  	s22 =	sand.u32 $0x380, s22;
	s20 =	sor.u32 s20, s25;
	v4 =	vld.idx.msk [tilespmem:v9+s9+$0x0], $0xffff;
	v7 =	vsub.f32 v10, v11  }
0x350: {  	s20 =	sor.u32 s22, s20;
	v8 =	vld [tilespmem:s19+$0xC010];
	v6 =	vsub.f32 v12, v6  }
0x351: {  	[tilespmem:s20+$0xC470] =	vst v7;
	v7 =	vld [tilespmem:s19+$0xC020]  }
0x352: {  	[tilespmem:s20+$0xC400] =	vst v6;
	v6 =	vld [tilespmem:s19+$0xC030]  }
.LBB2_35:
0x353: {  	s18 =	sadd.s32 $0x8, s18;
	v9 =	vld [tilespmem:s19+$0xC040]  }
0x354: {  	s21 =	sand.u32 $0x38, s18;
	s22 =	sshll.u32 s18, $0x4;
	p1 =	slt.u32 s18, $0x7F8;
	v10 =	vld [tilespmem:s19+$0xC050]  }
0x355: {  	v5 =	vsub.f32 v5, v8;
	s22 =	sand.u32 $0x3FFFFC00, s22;
	v8 =	vld [tilespmem:s19+$0xC060];
	s19 =	sshll.u32 s21, $0x4  }
0x356: {  	v0 =	vsub.f32 v0, v7;
	s22 =	sor.u32 s19, s22;
	v11 =	vld [tilespmem:s19+$0xC000]  }
0x357: {  	v2 =	vsub.f32 v2, v6;
	v7 =	vld [tilespmem:s22+$0x70];
	[tilespmem:s20+$0xC410] =	vst v5  }
0x358: {  	v5 =	vld [tilespmem:s22+$0x0];
	[tilespmem:s20+$0xC420] =	vst v0;
	v0 =	vsub.f32 v1, v9  }
0x359: {  	v1 =	vld [tilespmem:s22+$0x10];
	[tilespmem:s20+$0xC430] =	vst v2;
	v2 =	vsub.f32 v3, v10  }
0x35a: {  	v3 =	vld [tilespmem:s22+$0x20];
	[tilespmem:s20+$0xC440] =	vst v0;
	v0 =	vsub.f32 v4, v8  }
0x35b: {  	v4 =	vld [tilespmem:s22+$0x30];
	[tilespmem:s20+$0xC450] =	vst v2  }
0x35c: {  	v6 =	vld [tilespmem:s22+$0x40];
	[tilespmem:s20+$0xC460] =	vst v0  }
0x35d: {  	v8 =	vld [tilespmem:s22+$0x50]  }
0x35e: {  	v9 =	vld [tilespmem:s22+$0x60]  }
0x35f: {  	v7 =	vld.idx.msk [tilespmem:v7+s9+$0x0], $0xffff  }
0x360: {  	v10 =	vld [tilespmem:s19+$0xC070]  }
0x361: {  	v12 =	vld.idx.msk [tilespmem:v5+s9+$0x0], $0xffff  }
0x362: {  	v5 =	vld.idx.msk [tilespmem:v1+s9+$0x0], $0xffff  }
0x363: {  	s17 =	sadd.s32 $0x80, s17;
	v0 =	vld.idx.msk [tilespmem:v3+s9+$0x0], $0xffff  }
0x364: {  	s21 =	sshll.u32 s21, $0x7;
	s20 =	sand.u32 $0x6000, s17;
	s22 =	sshll.u32 s18, $0x1;
	v2 =	vld.idx.msk [tilespmem:v4+s9+$0x0], $0xffff  }
0x365: {  	s20 =	sor.u32 s21, s20;
	s22 =	sand.u32 $0x380, s22;
	v1 =	vld.idx.msk [tilespmem:v6+s9+$0x0], $0xffff;
	v6 =	vsub.f32 v7, v10  }
.Ltmp19:
0x366: {  	s20 =	sor.u32 s22, s20;
	v3 =	vld.idx.msk [tilespmem:v8+s9+$0x0], $0xffff;
	(pc) =	sbr.rel @p1 .LBB2_35-.Ltmp19, $4  }
0x367: {  	v7 =	vsub.f32 v12, v11;
	v4 =	vld.idx.msk [tilespmem:v9+s9+$0x0], $0xffff;
	[tilespmem:s20+$0xC470] =	vst v6  }
0x368: {  	v8 =	vld [tilespmem:s19+$0xC010]  }
0x369: {  	[tilespmem:s20+$0xC400] =	vst v7;
	v7 =	vld [tilespmem:s19+$0xC020]  }
0x36a: {  	v6 =	vld [tilespmem:s19+$0xC030]  }
.Ltmp20:
0x36b: {  	_ = 	snop;
	(pc) =	sbr.rel .LBB2_36-.Ltmp20, $1  }
0x36c: {  	_ =	sdelay $0x3  }
.LBB2_38:
0x36d: {  	_ =	sfence.sel $0x180000  }
0x36e: {  	[bflag:$0x0] =	sbarrier.arrive $0xFFFF  }
0x36f: {  	_ =	strace $0x9000004A  }
0x370: {  	s0 =	stileid.u32;
	[bflag:$0x2] =	sbarrier.arrive $0xFFFF  }
0x371: {  	p0 =	sne.s32 s0, $0x0;
	s0 =	rddreg [dreg:$0x2]  }
0x372: {  	s0 =	sadd.s32 @!p0 $0x100000, s0  }
0x373: {  	[sflag:s0] =	ssyncadd.tile.s32 @!p0 $0x1;
	_ =	shalt  }
.Lfunc_end2:
_tile_overlayer_lowered:
.L_overlay_start_2:
0x374: {  	(tag) =	ssettag $0x2  }
0x375: {  	s0 =	rddreg [dreg:$0x0];
	s2 =	stileid.u32  }
0x376: {  	s1 =	rddreg [dreg:$0x1];
	p0 =	sne.s32 s2, $0x0  }
0x377: {  	s3 =	rddreg [dreg:$0x2];
	[bflag:$0x3] =	sbarrier.arrive $0xFFFF;
	s2 =	simm.s32 @!p0 $0x1C04  }
0x378: {  	[timem:s3], [sflag:s2] =	dma.local @!p0 [hbm:s0], s1  }
0x379: {  	s0 =	simm.s32 @!p0 $0x4  }
0x37a: {  	_ =	swait.ge @!p0 [sflag:s0], s1  }
0x37b: {  	s1 =	ssub.s32 @!p0 $0x0, s1;
	[sflag:s0] =	ssyncset.done @!p0 $0x0  }
0x37c: {  	[sflag:s0] =	ssyncadd.s32 @!p0 s1  }
0x37d: {  	[bflag:$0x3] =	sbarrier.arrive $0xFFFF  }
0x37e: {  	_ =	shalt  }

</sc_bundles>
